<compile_context>
chip_gen: v7x
topology: tpu7x:2x2x1
jax: 0.10.2.dev20260603
libtpu: 0.0.44.dev20260713+nightly
codegen_flags: <defaults>
</compile_context>

<pallas_src>
import functools

import jax
import jax.numpy as jnp
from jax import lax
from jax.experimental import pallas as pl
from jax.experimental.pallas import tpu as pltpu
from jax.experimental.pallas import tpu_sc as plsc

B = 16384
D = 64
L = 16
NC = 2
NS = 16
NW = NC * NS
V = 1000000
SD = 64

PANELS = 61
WIN = 256
RNG = PANELS * WIN
NWIN = 122
RSZ = NWIN * WIN
TAIL0 = 31 * RSZ

HITCAP = 1024
RING = 8

_SENTINEL = 0x3FFFFFFF


def _scan_hits(idx_v, hits_v, r0, rsz):
    big = jnp.full((L,), _SENTINEL, jnp.int32)

    def prefill(k, _):
        hits_v[pl.ds(k * L, L)] = big
        return 0
    lax.fori_loop(0, HITCAP // L, prefill, 0)

    lanes = lax.iota(jnp.int32, L)

    def step(j, n):
        vec = idx_v[pl.ds(j * L, L)]
        rl = vec - r0
        mask = (rl >= 0) & (rl < rsz)
        key = rl * 16384 + (j * L + lanes)
        plsc.store_compressed(hits_v.at[pl.ds(n, L)], key, mask=mask)
        cnt = plsc.all_reduce_population_count(mask)[0]
        return jnp.minimum(n + cnt, HITCAP - L)

    return lax.fori_loop(0, B // L, step, 0)


def _extract_window(win_v, hits_v, nv, w, width, rowbuf_v, stage_hbm,
                    sem, cnt0):
    lanes = lax.iota(jnp.int32, L)

    def jstep(jv, cnt):
        kvec = hits_v[pl.ds(jv * L, L)]
        wmask = (kvec >> 22) == w

        def has(m):
            return plsc.all_reduce_population_count(m)[0] > 0

        def body(carry):
            m, c = carry
            lane = plsc.all_reduce_ffs(m)[0]
            keyv = jnp.take_along_axis(
                kvec, jnp.full((L,), 0, jnp.int32) + lane, axis=0,
                mode="promise_in_bounds")
            relv = (keyv >> 14) - w * WIN
            b = keyv[0] & 16383
            slot = c & (RING - 1)
            for g in range(D // L):
                vals = plsc.load_gather(win_v, [g * L + lanes, relv])
                rowbuf_v[slot, pl.ds(g * L, L)] = vals
            @pl.when(c >= RING)
            def _():
                pltpu.make_async_copy(
                    rowbuf_v.at[0], stage_hbm.at[0], sem).wait()
            pltpu.async_copy(rowbuf_v.at[slot], stage_hbm.at[b], sem)
            return m & (lanes != lane), c + 1

        def cond(carry):
            return has(carry[0])

        _, cnt = lax.while_loop(cond, body, (wmask, cnt))
        return cnt

    return lax.fori_loop(0, nv, jstep, cnt0)


def _drain(rowbuf_v, stage_hbm, sem, cnt):
    def dstep(_, c):
        pltpu.make_async_copy(rowbuf_v.at[0], stage_hbm.at[0], sem).wait()
        return c
    lax.fori_loop(0, jnp.minimum(cnt, RING), dstep, 0)


def _scan_body(uidx_hbm, iidx_hbm, utab_hbm, itab_hbm, ustage_hbm,
               istage_hbm, uidx_v, iidx_v, uhits_v, ihits_v,
               uwin_v, iwin_v, uwin2_v, iwin2_v, uwin64_v, iwin64_v,
               urow_v, irow_v, usem, isem, usem2, isem2, ustsem, istsem):
    wid = lax.axis_index("s") * NC + lax.axis_index("c")
    r0 = wid * RSZ
    rsz = jnp.where(wid == 31, V - TAIL0, RSZ)

    pltpu.sync_copy(uidx_hbm, uidx_v)
    pltpu.sync_copy(iidx_hbm, iidx_v)

    n_u = _scan_hits(uidx_v, uhits_v, r0, rsz)
    n_i = _scan_hits(iidx_v, ihits_v, r0, rsz)
    nv_u = (n_u + L - 1) // L
    nv_i = (n_i + L - 1) // L

    def fire(w, ubuf, ibuf, us, isem_):
        woff = r0 + w * WIN
        pltpu.async_copy(utab_hbm.at[:, pl.ds(woff, WIN)], ubuf, us)
        pltpu.async_copy(itab_hbm.at[:, pl.ds(woff, WIN)], ibuf, isem_)

    def wait(ubuf, ibuf, us, isem_):
        pltpu.make_async_copy(utab_hbm.at[:, pl.ds(0, WIN)], ubuf, us).wait()
        pltpu.make_async_copy(itab_hbm.at[:, pl.ds(0, WIN)], ibuf,
                              isem_).wait()

    def extract(w, ubuf, ibuf, cu, ci):
        cu = _extract_window(ubuf, uhits_v, nv_u, w, WIN, urow_v,
                             ustage_hbm, ustsem, cu)
        ci = _extract_window(ibuf, ihits_v, nv_i, w, WIN, irow_v,
                             istage_hbm, istsem, ci)
        return cu, ci

    fire(0, uwin_v, iwin_v, usem, isem)

    def pairstep(t, carry):
        cu, ci = carry
        fire(2 * t + 1, uwin2_v, iwin2_v, usem2, isem2)
        wait(uwin_v, iwin_v, usem, isem)
        cu, ci = extract(2 * t, uwin_v, iwin_v, cu, ci)

        @pl.when(t < NWIN // 2 - 1)
        def _():
            fire(2 * t + 2, uwin_v, iwin_v, usem, isem)
        wait(uwin2_v, iwin2_v, usem2, isem2)
        cu, ci = extract(2 * t + 1, uwin2_v, iwin2_v, cu, ci)
        return cu, ci

    cu, ci = lax.fori_loop(0, NWIN // 2, pairstep, (0, 0))

    def window(w, carry):
        cu, ci = carry
        fire(w, uwin_v, iwin_v, usem, isem)
        wait(uwin_v, iwin_v, usem, isem)
        return extract(w, uwin_v, iwin_v, cu, ci)

    @pl.when(wid == 31)
    def _tail():
        cu2, ci2 = lax.fori_loop(NWIN, NWIN + 2, window, (cu, ci))
        woff = TAIL0 + 124 * WIN
        cp_u = pltpu.async_copy(
            utab_hbm.at[:, pl.ds(woff, 64)], uwin64_v, usem)
        cp_i = pltpu.async_copy(
            itab_hbm.at[:, pl.ds(woff, 64)], iwin64_v, isem)
        cp_u.wait()
        cp_i.wait()
        cu2 = _extract_window(uwin64_v, uhits_v, nv_u, 124, 64, urow_v,
                              ustage_hbm, ustsem, cu2)
        ci2 = _extract_window(iwin64_v, ihits_v, nv_i, 124, 64, irow_v,
                              istage_hbm, istsem, ci2)
        _drain(urow_v, ustage_hbm, ustsem, cu2)
        _drain(irow_v, istage_hbm, istsem, ci2)

    @pl.when(wid != 31)
    def _nodrain():
        _drain(urow_v, ustage_hbm, ustsem, cu)
        _drain(irow_v, istage_hbm, istsem, ci)


_scan_kernel = functools.partial(
    pl.kernel,
    out_type=(jax.ShapeDtypeStruct((B, SD), jnp.float32),
              jax.ShapeDtypeStruct((B, SD), jnp.float32)),
    mesh=plsc.VectorSubcoreMesh(core_axis_name="c", subcore_axis_name="s"),
    scratch_types=[
        pltpu.VMEM((B,), jnp.int32),
        pltpu.VMEM((B,), jnp.int32),
        pltpu.VMEM((HITCAP,), jnp.int32),
        pltpu.VMEM((HITCAP,), jnp.int32),
        pltpu.VMEM((D, WIN), jnp.float32),
        pltpu.VMEM((D, WIN), jnp.float32),
        pltpu.VMEM((D, WIN), jnp.float32),
        pltpu.VMEM((D, WIN), jnp.float32),
        pltpu.VMEM((D, 64), jnp.float32),
        pltpu.VMEM((D, 64), jnp.float32),
        pltpu.VMEM((RING, SD), jnp.float32),
        pltpu.VMEM((RING, SD), jnp.float32),
        pltpu.SemaphoreType.DMA,
        pltpu.SemaphoreType.DMA,
        pltpu.SemaphoreType.DMA,
        pltpu.SemaphoreType.DMA,
        pltpu.SemaphoreType.DMA,
        pltpu.SemaphoreType.DMA,
    ],
    compiler_params=pltpu.CompilerParams(
        needs_layout_passes=False, use_tc_tiling_on_sc=True),
)(_scan_body)


_TCB = 2048


def _dot_tc_body(u_ref, i_ref, o_ref):
    o_ref[...] = jnp.sum(u_ref[...] * i_ref[...], axis=1)


_dot_tc = pl.pallas_call(
    _dot_tc_body,
    grid=(B // _TCB,),
    in_specs=[
        pl.BlockSpec((_TCB, SD), lambda i: (i, 0)),
        pl.BlockSpec((_TCB, SD), lambda i: (i, 0)),
    ],
    out_specs=pl.BlockSpec((_TCB,), lambda i: (i,)),
    out_shape=jax.ShapeDtypeStruct((B,), jnp.float32),
)


def kernel(user_idx, item_idx, user_table, item_table):
    ustage, istage = _scan_kernel(
        user_idx.astype(jnp.int32), item_idx.astype(jnp.int32),
        user_table.T, item_table.T)
    return _dot_tc(ustage, istage)

# --- scband reference (transcript-rebuilt; emitter-appended) ---
"""Pipeline reference for scband-ttrecommender-11647951307110 (READ-ONLY COPY).

The authoritative reference and input builder live on the scoring server;
editing this copy changes nothing except your own understanding.
"""

import jax, jax.numpy as jnp
import numpy as np

NUM_USERS = 1000000
NUM_ITEMS = 1000000
EMBED_DIM = 64
BATCH = 16384


def setup_inputs(seed: int = 0) -> dict:
    key = jax.random.key(seed)
    k1, k2, k3, k4 = jax.random.split(key, 4)
    user_idx = jax.random.randint(k1, (BATCH,), 0, NUM_USERS, dtype=jnp.int64 if jax.config.read('jax_enable_x64') else jnp.int32)
    item_idx = jax.random.randint(k2, (BATCH,), 0, NUM_ITEMS, dtype=jnp.int64 if jax.config.read('jax_enable_x64') else jnp.int32)
    user_table = jax.random.normal(k3, (NUM_USERS, EMBED_DIM), dtype=jnp.float32) * 0.05
    item_table = jax.random.normal(k4, (NUM_ITEMS, EMBED_DIM), dtype=jnp.float32) * 0.05
    return {"user_idx": user_idx, "item_idx": item_idx, "user_table": user_table, "item_table": item_table}


def reference(user_idx, item_idx, user_table, item_table):
    # user_emb = self.user_embedding(user_idx)  -> gather from user table
    user_emb = jnp.take(user_table, user_idx, axis=0)
    # item_emb = self.item_embedding(item_idx)  -> gather from item table
    item_emb = jnp.take(item_table, item_idx, axis=0)
    # (user_emb * item_emb).sum(dim=-1)
    return (user_emb * item_emb).sum(axis=-1)

if __name__ == "__main__":
    import jax
    _d = setup_inputs()
    print(jax.jit(kernel)(*tuple(_d.values())))

</pallas_src>

<mosaic_0001>
#map = affine_map<(d0, d1) -> (0)>
#map1 = affine_map<(d0, d1) -> (0, 0)>
module attributes {stable_mosaic.version = 14 : i64} {
  func.func @_scan_body(%arg0: i32, %arg1: i32, %arg2: memref<16384xi32, #tpu.memory_space<hbm>>, %arg3: memref<16384xi32, #tpu.memory_space<hbm>>, %arg4: memref<64x1000000xf32, #tpu.memory_space<hbm>>, %arg5: memref<64x1000000xf32, #tpu.memory_space<hbm>>, %arg6: memref<16384x64xf32, #tpu.memory_space<hbm>>, %arg7: memref<16384x64xf32, #tpu.memory_space<hbm>>, %arg8: memref<16384xi32, #tpu.memory_space<vmem>>, %arg9: memref<16384xi32, #tpu.memory_space<vmem>>, %arg10: memref<1024xi32, #tpu.memory_space<vmem>>, %arg11: memref<1024xi32, #tpu.memory_space<vmem>>, %arg12: memref<64x256xf32, #tpu.memory_space<vmem>>, %arg13: memref<64x256xf32, #tpu.memory_space<vmem>>, %arg14: memref<64x256xf32, #tpu.memory_space<vmem>>, %arg15: memref<64x256xf32, #tpu.memory_space<vmem>>, %arg16: memref<64x64xf32, #tpu.memory_space<vmem>>, %arg17: memref<64x64xf32, #tpu.memory_space<vmem>>, %arg18: memref<8x64xf32, #tpu.memory_space<vmem>>, %arg19: memref<8x64xf32, #tpu.memory_space<vmem>>, %arg20: memref<!tpu.dma_semaphore, #tpu.memory_space<semaphore_mem>>, %arg21: memref<!tpu.dma_semaphore, #tpu.memory_space<semaphore_mem>>, %arg22: memref<!tpu.dma_semaphore, #tpu.memory_space<semaphore_mem>>, %arg23: memref<!tpu.dma_semaphore, #tpu.memory_space<semaphore_mem>>, %arg24: memref<!tpu.dma_semaphore, #tpu.memory_space<semaphore_mem>>, %arg25: memref<!tpu.dma_semaphore, #tpu.memory_space<semaphore_mem>>) attributes {dimension_semantics = [#tpu.dimension_semantics<core_parallel>, #tpu.dimension_semantics<subcore_parallel>], iteration_bounds = array<i64: 2, 16>, scalar_prefetch = 0 : i64, scratch_operands = 18 : i64, tpu.core_type = #tpu.core_type<sc_vector_subcore>, window_params = [{transform_indices = #map}, {transform_indices = #map}, {transform_indices = #map1}, {transform_indices = #map1}, {transform_indices = #map1}, {transform_indices = #map1}]} {
    %mul3A = arith.constant 2 : i32
    %mul3A_0 = arith.muli %arg1, %mul3A : i32
    %add3A = arith.addi %mul3A_0, %arg0 : i32
    %mul3A_1 = arith.constant 31232 : i32
    %mul3A_2 = arith.muli %add3A, %mul3A_1 : i32
    %eq3A = arith.constant 31 : i32
    %eq3A_3 = arith.cmpi eq, %add3A, %eq3A : i32
    %jit3A = arith.constant 31808 : i32
    %jit3A_4 = arith.constant 31232 : i32
    %select_n3A = arith.select %eq3A_3, %jit3A, %jit3A_4 : i32
    "tpu.region"() ({
      %run_scoped3A = tpu.sem_alloc : memref<!tpu.dma_semaphore, #tpu.memory_space<semaphore_mem>>
      tpu.enqueue_dma source(%arg2 : memref<16384xi32, #tpu.memory_space<hbm>>) target(%arg8 : memref<16384xi32, #tpu.memory_space<vmem>>) target_semaphore(%run_scoped3A : memref<!tpu.dma_semaphore, #tpu.memory_space<semaphore_mem>>)
      tpu.wait_dma2 semaphore(%run_scoped3A : memref<!tpu.dma_semaphore, #tpu.memory_space<semaphore_mem>>) src(%arg2 : memref<16384xi32, #tpu.memory_space<hbm>>) dst(%arg8 : memref<16384xi32, #tpu.memory_space<vmem>>)
      tpu.yield
    }) : () -> ()
    "tpu.region"() ({
      %run_scoped3A = tpu.sem_alloc : memref<!tpu.dma_semaphore, #tpu.memory_space<semaphore_mem>>
      tpu.enqueue_dma source(%arg3 : memref<16384xi32, #tpu.memory_space<hbm>>) target(%arg9 : memref<16384xi32, #tpu.memory_space<vmem>>) target_semaphore(%run_scoped3A : memref<!tpu.dma_semaphore, #tpu.memory_space<semaphore_mem>>)
      tpu.wait_dma2 semaphore(%run_scoped3A : memref<!tpu.dma_semaphore, #tpu.memory_space<semaphore_mem>>) src(%arg3 : memref<16384xi32, #tpu.memory_space<hbm>>) dst(%arg9 : memref<16384xi32, #tpu.memory_space<vmem>>)
      tpu.yield
    }) : () -> ()
    %broadcast_in_dim3A = arith.constant 1073741823 : i32
    %broadcast_in_dim3A_5 = vector.broadcast %broadcast_in_dim3A : i32 to vector<16xi32>
    %scan3A = arith.constant 0 : i32
    %scan3A_6 = arith.constant 0 : i32
    %scan3A_7 = arith.constant 64 : i32
    %scan3A_8 = arith.addi %scan3A_6, %scan3A_7 : i32
    %scan3A_9 = arith.constant 1 : i32
    %scan3A_10 = scf.for %scan3A_111 = %scan3A_6 to %scan3A_8 step %scan3A_9 iter_args(%scan3A_112 = %scan3A) -> (i32)  : i32 {
      %mul3A_113 = arith.constant 16 : i32
      %mul3A_114 = arith.muli %scan3A_111, %mul3A_113 : i32
      %swap3A = arith.index_cast %mul3A_114 : i32 to index
      %swap3A_115 = tpu.vector_load %arg10[%swap3A] {strides = array<i32>} : memref<1024xi32, #tpu.memory_space<vmem>>, vector<16xi32>,
      tpu.vector_store %arg10[%swap3A], %broadcast_in_dim3A_5 {strides = array<i32>} : memref<1024xi32, #tpu.memory_space<vmem>>, vector<16xi32>,
      %scan3A_116 = arith.constant 0 : i32
      scf.yield %scan3A_116 : i32
    }
    %scan3A_11 = arith.constant 64 : i32
    %iota3A = tpu.iota {dimensions = array<i32: 0>} : vector<16xi32>
    %scan3A_12 = arith.constant 0 : i32
    %scan3A_13 = arith.constant 0 : i32
    %scan3A_14 = arith.constant 1024 : i32
    %scan3A_15 = arith.addi %scan3A_13, %scan3A_14 : i32
    %scan3A_16 = arith.constant 1 : i32
    %scan3A_17 = scf.for %scan3A_111 = %scan3A_13 to %scan3A_15 step %scan3A_16 iter_args(%scan3A_112 = %scan3A_12) -> (i32)  : i32 {
      %mul3A_113 = arith.constant 16 : i32
      %mul3A_114 = arith.muli %scan3A_111, %mul3A_113 : i32
      %get3A = arith.index_cast %mul3A_114 : i32 to index
      %get3A_115 = tpu.vector_load %arg8[%get3A] {strides = array<i32>} : memref<16384xi32, #tpu.memory_space<vmem>>, vector<16xi32>,
      %sub3A_116 = vector.broadcast %mul3A_2 : i32 to vector<16xi32>
      %sub3A_117 = arith.subi %get3A_115, %sub3A_116 : vector<16xi32>
      %ge3A = arith.constant 0 : i32
      %ge3A_118 = vector.broadcast %ge3A : i32 to vector<16xi32>
      %ge3A_119 = arith.cmpi sge, %sub3A_117, %ge3A_118 : vector<16xi32>
      %lt3A = vector.broadcast %select_n3A : i32 to vector<16xi32>
      %lt3A_120 = arith.cmpi slt, %sub3A_117, %lt3A : vector<16xi32>
      %and3A_121 = arith.andi %ge3A_119, %lt3A_120 : vector<16xi1>
      %mul3A_122 = arith.constant 16384 : i32
      %mul3A_123 = vector.broadcast %mul3A_122 : i32 to vector<16xi32>
      %mul3A_124 = arith.muli %sub3A_117, %mul3A_123 : vector<16xi32>
      %mul3A_125 = arith.constant 16 : i32
      %mul3A_126 = arith.muli %scan3A_111, %mul3A_125 : i32
      %add3A_127 = vector.broadcast %mul3A_126 : i32 to vector<16xi32>
      %add3A_128 = arith.addi %add3A_127, %iota3A : vector<16xi32>
      %add3A_129 = arith.addi %mul3A_124, %add3A_128 : vector<16xi32>
      %swap3A = arith.index_cast %scan3A_112 : i32 to index
      %swap3A_130 = tpu.vector_load %arg10[%swap3A] masked %and3A_121 {strides = array<i32>} : memref<1024xi32, #tpu.memory_space<vmem>>, vector<16xi32>, vector<16xi1>
      tpu.vector_store %arg10[%swap3A], %add3A_129 masked %and3A_121 {strides = array<i32>} : memref<1024xi32, #tpu.memory_space<vmem>>, vector<16xi32>, vector<16xi1>
      %all_reduce_population_count3A = tpu.all_reduce %and3A_121 {dim = 0 : i64, kind = #tpu.reduction_kind<sum>} : vector<16xi1> -> vector<16xi32>
      %slice3A = vector.extract_strided_slice %all_reduce_population_count3A {offsets = [0], sizes = [1], strides = [1]} : vector<16xi32> to vector<1xi32>
      %squeeze3A = vector.extract %slice3A[0] : i32 from vector<1xi32>
      %add3A_131 = arith.addi %scan3A_112, %squeeze3A : i32
      %min3A = arith.constant 1008 : i32
      %min3A_132 = arith.minsi %add3A_131, %min3A : i32
      scf.yield %min3A_132 : i32
    }
    %scan3A_18 = arith.constant 1024 : i32
    %broadcast_in_dim3A_19 = arith.constant 1073741823 : i32
    %broadcast_in_dim3A_20 = vector.broadcast %broadcast_in_dim3A_19 : i32 to vector<16xi32>
    %scan3A_21 = arith.constant 0 : i32
    %scan3A_22 = arith.constant 0 : i32
    %scan3A_23 = arith.constant 64 : i32
    %scan3A_24 = arith.addi %scan3A_22, %scan3A_23 : i32
    %scan3A_25 = arith.constant 1 : i32
    %scan3A_26 = scf.for %scan3A_111 = %scan3A_22 to %scan3A_24 step %scan3A_25 iter_args(%scan3A_112 = %scan3A_21) -> (i32)  : i32 {
      %mul3A_113 = arith.constant 16 : i32
      %mul3A_114 = arith.muli %scan3A_111, %mul3A_113 : i32
      %swap3A = arith.index_cast %mul3A_114 : i32 to index
      %swap3A_115 = tpu.vector_load %arg11[%swap3A] {strides = array<i32>} : memref<1024xi32, #tpu.memory_space<vmem>>, vector<16xi32>,
      tpu.vector_store %arg11[%swap3A], %broadcast_in_dim3A_20 {strides = array<i32>} : memref<1024xi32, #tpu.memory_space<vmem>>, vector<16xi32>,
      %scan3A_116 = arith.constant 0 : i32
      scf.yield %scan3A_116 : i32
    }
    %scan3A_27 = arith.constant 64 : i32
    %iota3A_28 = tpu.iota {dimensions = array<i32: 0>} : vector<16xi32>
    %scan3A_29 = arith.constant 0 : i32
    %scan3A_30 = arith.constant 0 : i32
    %scan3A_31 = arith.constant 1024 : i32
    %scan3A_32 = arith.addi %scan3A_30, %scan3A_31 : i32
    %scan3A_33 = arith.constant 1 : i32
    %scan3A_34 = scf.for %scan3A_111 = %scan3A_30 to %scan3A_32 step %scan3A_33 iter_args(%scan3A_112 = %scan3A_29) -> (i32)  : i32 {
      %mul3A_113 = arith.constant 16 : i32
      %mul3A_114 = arith.muli %scan3A_111, %mul3A_113 : i32
      %get3A = arith.index_cast %mul3A_114 : i32 to index
      %get3A_115 = tpu.vector_load %arg9[%get3A] {strides = array<i32>} : memref<16384xi32, #tpu.memory_space<vmem>>, vector<16xi32>,
      %sub3A_116 = vector.broadcast %mul3A_2 : i32 to vector<16xi32>
      %sub3A_117 = arith.subi %get3A_115, %sub3A_116 : vector<16xi32>
      %ge3A = arith.constant 0 : i32
      %ge3A_118 = vector.broadcast %ge3A : i32 to vector<16xi32>
      %ge3A_119 = arith.cmpi sge, %sub3A_117, %ge3A_118 : vector<16xi32>
      %lt3A = vector.broadcast %select_n3A : i32 to vector<16xi32>
      %lt3A_120 = arith.cmpi slt, %sub3A_117, %lt3A : vector<16xi32>
      %and3A_121 = arith.andi %ge3A_119, %lt3A_120 : vector<16xi1>
      %mul3A_122 = arith.constant 16384 : i32
      %mul3A_123 = vector.broadcast %mul3A_122 : i32 to vector<16xi32>
      %mul3A_124 = arith.muli %sub3A_117, %mul3A_123 : vector<16xi32>
      %mul3A_125 = arith.constant 16 : i32
      %mul3A_126 = arith.muli %scan3A_111, %mul3A_125 : i32
      %add3A_127 = vector.broadcast %mul3A_126 : i32 to vector<16xi32>
      %add3A_128 = arith.addi %add3A_127, %iota3A_28 : vector<16xi32>
      %add3A_129 = arith.addi %mul3A_124, %add3A_128 : vector<16xi32>
      %swap3A = arith.index_cast %scan3A_112 : i32 to index
      %swap3A_130 = tpu.vector_load %arg11[%swap3A] masked %and3A_121 {strides = array<i32>} : memref<1024xi32, #tpu.memory_space<vmem>>, vector<16xi32>, vector<16xi1>
      tpu.vector_store %arg11[%swap3A], %add3A_129 masked %and3A_121 {strides = array<i32>} : memref<1024xi32, #tpu.memory_space<vmem>>, vector<16xi32>, vector<16xi1>
      %all_reduce_population_count3A = tpu.all_reduce %and3A_121 {dim = 0 : i64, kind = #tpu.reduction_kind<sum>} : vector<16xi1> -> vector<16xi32>
      %slice3A = vector.extract_strided_slice %all_reduce_population_count3A {offsets = [0], sizes = [1], strides = [1]} : vector<16xi32> to vector<1xi32>
      %squeeze3A = vector.extract %slice3A[0] : i32 from vector<1xi32>
      %add3A_131 = arith.addi %scan3A_112, %squeeze3A : i32
      %min3A = arith.constant 1008 : i32
      %min3A_132 = arith.minsi %add3A_131, %min3A : i32
      scf.yield %min3A_132 : i32
    }
    %scan3A_35 = arith.constant 1024 : i32
    %add3A_36 = arith.constant 16 : i32
    %add3A_37 = arith.addi %scan3A_17, %add3A_36 : i32
    %sub3A = arith.constant 1 : i32
    %sub3A_38 = arith.subi %add3A_37, %sub3A : i32
    %jit3A_39 = arith.constant 16 : i32
    %div3A = arith.divsi %sub3A_38, %jit3A_39 : i32
    %sign3A = arith.constant 0 : i32
    %sign3A_40 = arith.cmpi sgt, %sub3A_38, %sign3A : i32
    %sign3A_41 = arith.extui %sign3A_40 : i1 to i32
    %sign3A_42 = arith.constant 0 : i32
    %sign3A_43 = arith.cmpi slt, %sub3A_38, %sign3A_42 : i32
    %sign3A_44 = arith.extui %sign3A_43 : i1 to i32
    %sign3A_45 = arith.subi %sign3A_41, %sign3A_44 : i32
    %sign3A_46 = arith.constant 0 : i32
    %sign3A_47 = arith.cmpi sgt, %jit3A_39, %sign3A_46 : i32
    %sign3A_48 = arith.extui %sign3A_47 : i1 to i32
    %sign3A_49 = arith.constant 0 : i32
    %sign3A_50 = arith.cmpi slt, %jit3A_39, %sign3A_49 : i32
    %sign3A_51 = arith.extui %sign3A_50 : i1 to i32
    %sign3A_52 = arith.subi %sign3A_48, %sign3A_51 : i32
    %ne3A = arith.cmpi ne, %sign3A_45, %sign3A_52 : i32
    %rem3A = arith.remsi %sub3A_38, %jit3A_39 : i32
    %ne3A_53 = arith.constant 0 : i32
    %ne3A_54 = arith.cmpi ne, %rem3A, %ne3A_53 : i32
    %and3A = arith.andi %ne3A, %ne3A_54 : i1
    %sub3A_55 = arith.constant 1 : i32
    %sub3A_56 = arith.subi %div3A, %sub3A_55 : i32
    %select_n3A_57 = arith.select %and3A, %sub3A_56, %div3A : i32
    %add3A_58 = arith.constant 16 : i32
    %add3A_59 = arith.addi %scan3A_34, %add3A_58 : i32
    %sub3A_60 = arith.constant 1 : i32
    %sub3A_61 = arith.subi %add3A_59, %sub3A_60 : i32
    %jit3A_62 = arith.constant 16 : i32
    %div3A_63 = arith.divsi %sub3A_61, %jit3A_62 : i32
    %sign3A_64 = arith.constant 0 : i32
    %sign3A_65 = arith.cmpi sgt, %sub3A_61, %sign3A_64 : i32
    %sign3A_66 = arith.extui %sign3A_65 : i1 to i32
    %sign3A_67 = arith.constant 0 : i32
    %sign3A_68 = arith.cmpi slt, %sub3A_61, %sign3A_67 : i32
    %sign3A_69 = arith.extui %sign3A_68 : i1 to i32
    %sign3A_70 = arith.subi %sign3A_66, %sign3A_69 : i32
    %sign3A_71 = arith.constant 0 : i32
    %sign3A_72 = arith.cmpi sgt, %jit3A_62, %sign3A_71 : i32
    %sign3A_73 = arith.extui %sign3A_72 : i1 to i32
    %sign3A_74 = arith.constant 0 : i32
    %sign3A_75 = arith.cmpi slt, %jit3A_62, %sign3A_74 : i32
    %sign3A_76 = arith.extui %sign3A_75 : i1 to i32
    %sign3A_77 = arith.subi %sign3A_73, %sign3A_76 : i32
    %ne3A_78 = arith.cmpi ne, %sign3A_70, %sign3A_77 : i32
    %rem3A_79 = arith.remsi %sub3A_61, %jit3A_62 : i32
    %ne3A_80 = arith.constant 0 : i32
    %ne3A_81 = arith.cmpi ne, %rem3A_79, %ne3A_80 : i32
    %and3A_82 = arith.andi %ne3A_78, %ne3A_81 : i1
    %sub3A_83 = arith.constant 1 : i32
    %sub3A_84 = arith.subi %div3A_63, %sub3A_83 : i32
    %select_n3A_85 = arith.select %and3A_82, %sub3A_84, %div3A_63 : i32
    %add3A_86 = arith.constant 0 : i32
    %add3A_87 = arith.addi %mul3A_2, %add3A_86 : i32
    %dma_start3A = arith.constant 0 : i32
    %dma_start3A_88 = tpu.memref_slice %arg4[%dma_start3A, %add3A_87] : memref<64x1000000xf32, #tpu.memory_space<hbm>> -> memref<64x256xf32, #tpu.memory_space<hbm>>
    %dma_start3A_89 = arith.constant 0 : i32
    %dma_start3A_90 = tpu.memref_slice %arg4[%dma_start3A_89, %add3A_87] : memref<64x1000000xf32, #tpu.memory_space<hbm>> -> memref<64x256xf32, #tpu.memory_space<hbm>>
    tpu.enqueue_dma source(%dma_start3A_90 : memref<64x256xf32, #tpu.memory_space<hbm>>) target(%arg12 : memref<64x256xf32, #tpu.memory_space<vmem>>) target_semaphore(%arg20 : memref<!tpu.dma_semaphore, #tpu.memory_space<semaphore_mem>>)
    %dma_start3A_91 = arith.constant 0 : i32
    %dma_start3A_92 = tpu.memref_slice %arg5[%dma_start3A_91, %add3A_87] : memref<64x1000000xf32, #tpu.memory_space<hbm>> -> memref<64x256xf32, #tpu.memory_space<hbm>>
    %dma_start3A_93 = arith.constant 0 : i32
    %dma_start3A_94 = tpu.memref_slice %arg5[%dma_start3A_93, %add3A_87] : memref<64x1000000xf32, #tpu.memory_space<hbm>> -> memref<64x256xf32, #tpu.memory_space<hbm>>
    tpu.enqueue_dma source(%dma_start3A_94 : memref<64x256xf32, #tpu.memory_space<hbm>>) target(%arg13 : memref<64x256xf32, #tpu.memory_space<vmem>>) target_semaphore(%arg21 : memref<!tpu.dma_semaphore, #tpu.memory_space<semaphore_mem>>)
    %scan3A_95 = arith.constant 0 : i32
    %scan3A_96 = arith.constant 0 : i32
    %scan3A_97 = arith.constant 0 : i32
    %scan3A_98 = arith.constant 61 : i32
    %scan3A_99 = arith.addi %scan3A_97, %scan3A_98 : i32
    %scan3A_100 = arith.constant 1 : i32
    %scan3A_101:2 = scf.for %scan3A_111 = %scan3A_97 to %scan3A_99 step %scan3A_100 iter_args(%scan3A_112 = %scan3A_95, %scan3A_113 = %scan3A_96) -> (i32, i32)  : i32 {
      %mul3A_114 = arith.constant 2 : i32
      %mul3A_115 = arith.muli %mul3A_114, %scan3A_111 : i32
      %add3A_116 = arith.constant 1 : i32
      %add3A_117 = arith.addi %mul3A_115, %add3A_116 : i32
      %mul3A_118 = arith.constant 256 : i32
      %mul3A_119 = arith.muli %add3A_117, %mul3A_118 : i32
      %add3A_120 = arith.addi %mul3A_2, %mul3A_119 : i32
      %dma_start3A_121 = arith.constant 0 : i32
      %dma_start3A_122 = tpu.memref_slice %arg4[%dma_start3A_121, %add3A_120] : memref<64x1000000xf32, #tpu.memory_space<hbm>> -> memref<64x256xf32, #tpu.memory_space<hbm>>
      %dma_start3A_123 = arith.constant 0 : i32
      %dma_start3A_124 = tpu.memref_slice %arg4[%dma_start3A_123, %add3A_120] : memref<64x1000000xf32, #tpu.memory_space<hbm>> -> memref<64x256xf32, #tpu.memory_space<hbm>>
      tpu.enqueue_dma source(%dma_start3A_124 : memref<64x256xf32, #tpu.memory_space<hbm>>) target(%arg14 : memref<64x256xf32, #tpu.memory_space<vmem>>) target_semaphore(%arg22 : memref<!tpu.dma_semaphore, #tpu.memory_space<semaphore_mem>>)
      %dma_start3A_125 = arith.constant 0 : i32
      %dma_start3A_126 = tpu.memref_slice %arg5[%dma_start3A_125, %add3A_120] : memref<64x1000000xf32, #tpu.memory_space<hbm>> -> memref<64x256xf32, #tpu.memory_space<hbm>>
      %dma_start3A_127 = arith.constant 0 : i32
      %dma_start3A_128 = tpu.memref_slice %arg5[%dma_start3A_127, %add3A_120] : memref<64x1000000xf32, #tpu.memory_space<hbm>> -> memref<64x256xf32, #tpu.memory_space<hbm>>
      tpu.enqueue_dma source(%dma_start3A_128 : memref<64x256xf32, #tpu.memory_space<hbm>>) target(%arg15 : memref<64x256xf32, #tpu.memory_space<vmem>>) target_semaphore(%arg23 : memref<!tpu.dma_semaphore, #tpu.memory_space<semaphore_mem>>)
      %dma_wait3A = arith.constant 0 : i32
      %dma_wait3A_129 = arith.constant 0 : i32
      %dma_wait3A_130 = tpu.memref_slice %arg4[%dma_wait3A, %dma_wait3A_129] : memref<64x1000000xf32, #tpu.memory_space<hbm>> -> memref<64x256xf32, #tpu.memory_space<hbm>>
      %dma_wait3A_131 = arith.constant 0 : i32
      %dma_wait3A_132 = arith.constant 0 : i32
      %dma_wait3A_133 = tpu.memref_slice %arg4[%dma_wait3A_131, %dma_wait3A_132] : memref<64x1000000xf32, #tpu.memory_space<hbm>> -> memref<64x256xf32, #tpu.memory_space<hbm>>
      tpu.wait_dma2 semaphore(%arg20 : memref<!tpu.dma_semaphore, #tpu.memory_space<semaphore_mem>>) src(%dma_wait3A_133 : memref<64x256xf32, #tpu.memory_space<hbm>>) dst(%arg12 : memref<64x256xf32, #tpu.memory_space<vmem>>)
      %dma_wait3A_134 = arith.constant 0 : i32
      %dma_wait3A_135 = arith.constant 0 : i32
      %dma_wait3A_136 = tpu.memref_slice %arg5[%dma_wait3A_134, %dma_wait3A_135] : memref<64x1000000xf32, #tpu.memory_space<hbm>> -> memref<64x256xf32, #tpu.memory_space<hbm>>
      %dma_wait3A_137 = arith.constant 0 : i32
      %dma_wait3A_138 = arith.constant 0 : i32
      %dma_wait3A_139 = tpu.memref_slice %arg5[%dma_wait3A_137, %dma_wait3A_138] : memref<64x1000000xf32, #tpu.memory_space<hbm>> -> memref<64x256xf32, #tpu.memory_space<hbm>>
      tpu.wait_dma2 semaphore(%arg21 : memref<!tpu.dma_semaphore, #tpu.memory_space<semaphore_mem>>) src(%dma_wait3A_139 : memref<64x256xf32, #tpu.memory_space<hbm>>) dst(%arg13 : memref<64x256xf32, #tpu.memory_space<vmem>>)
      %mul3A_140 = arith.constant 2 : i32
      %mul3A_141 = arith.muli %mul3A_140, %scan3A_111 : i32
      %iota3A_142 = tpu.iota {dimensions = array<i32: 0>} : vector<16xi32>
      %while3A = arith.constant 0 : i32
      %while3A_143 = arith.subi %select_n3A_57, %while3A : i32
      %while3A_144 = arith.addi %while3A, %while3A_143 : i32
      %while3A_145 = arith.constant 1 : i32
      %while3A_146 = arith.divsi %while3A_143, %while3A_145 : i32
      %while3A_147 = arith.muli %while3A_146, %while3A_145 : i32
      %while3A_148 = arith.addi %while3A, %while3A_147 : i32
      %while3A_149 = arith.constant 1 : i32
      %while3A_150 = scf.for %while3A_209 = %while3A to %while3A_148 step %while3A_149 iter_args(%while3A_210 = %scan3A_112) -> (i32)  : i32 {
        %mul3A_211 = arith.constant 16 : i32
        %mul3A_212 = arith.muli %while3A_209, %mul3A_211 : i32
        %get3A = arith.index_cast %mul3A_212 : i32 to index
        %get3A_213 = tpu.vector_load %arg10[%get3A] {strides = array<i32>} : memref<1024xi32, #tpu.memory_space<vmem>>, vector<16xi32>,
        %shift_right_arithmetic3A = arith.constant 22 : i32
        %shift_right_arithmetic3A_214 = vector.broadcast %shift_right_arithmetic3A : i32 to vector<16xi32>
        %shift_right_arithmetic3A_215 = arith.shrsi %get3A_213, %shift_right_arithmetic3A_214 : vector<16xi32>
        %eq3A_216 = vector.broadcast %mul3A_141 : i32 to vector<16xi32>
        %eq3A_217 = arith.cmpi eq, %shift_right_arithmetic3A_215, %eq3A_216 : vector<16xi32>
        %while3A_218:2 = scf.while (%while3A_219 = %eq3A_217, %while3A_220 = %while3A_210) : (vector<16xi1>, i32) -> (vector<16xi1>, i32) {
          %all_reduce_population_count3A = tpu.all_reduce %while3A_219 {dim = 0 : i64, kind = #tpu.reduction_kind<sum>} : vector<16xi1> -> vector<16xi32>
          %slice3A = vector.extract_strided_slice %all_reduce_population_count3A {offsets = [0], sizes = [1], strides = [1]} : vector<16xi32> to vector<1xi32>
          %squeeze3A = vector.extract %slice3A[0] : i32 from vector<1xi32>
          %gt3A = arith.constant 0 : i32
          %gt3A_221 = arith.cmpi sgt, %squeeze3A, %gt3A : i32
          scf.condition(%gt3A_221) %while3A_219, %while3A_220 : vector<16xi1>, i32
        } do {
        ^bb0(%while3A_219: vector<16xi1>, %while3A_220: i32):
          %all_reduce_ffs3A = tpu.all_reduce %while3A_219 {dim = 0 : i64, kind = #tpu.reduction_kind<find_first_set>} : vector<16xi1> -> vector<16xi32>
          %slice3A = vector.extract_strided_slice %all_reduce_ffs3A {offsets = [0], sizes = [1], strides = [1]} : vector<16xi32> to vector<1xi32>
          %squeeze3A = vector.extract %slice3A[0] : i32 from vector<1xi32>
          %broadcast_in_dim3A_221 = arith.constant 0 : i32
          %broadcast_in_dim3A_222 = vector.broadcast %broadcast_in_dim3A_221 : i32 to vector<16xi32>
          %add3A_223 = vector.broadcast %squeeze3A : i32 to vector<16xi32>
          %add3A_224 = arith.addi %broadcast_in_dim3A_222, %add3A_223 : vector<16xi32>
          %reshape3A = vector.shape_cast %add3A_224 : vector<16xi32> to vector<16x1xi32>
          %gather3A = vector.shape_cast %reshape3A : vector<16x1xi32> to vector<16xi32>
          %gather3A_225 = tpu.dynamic_gather %get3A_213[%gather3A] in [0] : vector<16xi32>, vector<16xi32> -> vector<16xi32>
          %shift_right_arithmetic3A_226 = arith.constant 14 : i32
          %shift_right_arithmetic3A_227 = vector.broadcast %shift_right_arithmetic3A_226 : i32 to vector<16xi32>
          %shift_right_arithmetic3A_228 = arith.shrsi %gather3A_225, %shift_right_arithmetic3A_227 : vector<16xi32>
          %mul3A_229 = arith.constant 256 : i32
          %mul3A_230 = arith.muli %mul3A_141, %mul3A_229 : i32
          %sub3A_231 = vector.broadcast %mul3A_230 : i32 to vector<16xi32>
          %sub3A_232 = arith.subi %shift_right_arithmetic3A_228, %sub3A_231 : vector<16xi32>
          %slice3A_233 = vector.extract_strided_slice %gather3A_225 {offsets = [0], sizes = [1], strides = [1]} : vector<16xi32> to vector<1xi32>
          %squeeze3A_234 = vector.extract %slice3A_233[0] : i32 from vector<1xi32>
          %and3A_235 = arith.constant 16383 : i32
          %and3A_236 = arith.andi %squeeze3A_234, %and3A_235 : i32
          %and3A_237 = arith.constant 7 : i32
          %and3A_238 = arith.andi %while3A_220, %and3A_237 : i32
          %add3A_239 = arith.constant 0 : i32
          %add3A_240 = vector.broadcast %add3A_239 : i32 to vector<16xi32>
          %add3A_241 = arith.addi %add3A_240, %iota3A_142 : vector<16xi32>
          %gather3A_242 = tpu.vector_load_idx %arg12[%add3A_241, %sub3A_232] : memref<64x256xf32, #tpu.memory_space<vmem>>[vector<16xi32>, vector<16xi32>], vector<16xf32>,
          %swap3A = arith.index_cast %and3A_238 : i32 to index
          %swap3A_243 = arith.constant 0 : index
          %swap3A_244 = tpu.vector_load %arg18[%swap3A, %swap3A_243] {strides = array<i32>} : memref<8x64xf32, #tpu.memory_space<vmem>>, vector<16xf32>,
          tpu.vector_store %arg18[%swap3A, %swap3A_243], %gather3A_242 {strides = array<i32>} : memref<8x64xf32, #tpu.memory_space<vmem>>, vector<16xf32>,
          %add3A_245 = arith.constant 16 : i32
          %add3A_246 = vector.broadcast %add3A_245 : i32 to vector<16xi32>
          %add3A_247 = arith.addi %add3A_246, %iota3A_142 : vector<16xi32>
          %gather3A_248 = tpu.vector_load_idx %arg12[%add3A_247, %sub3A_232] : memref<64x256xf32, #tpu.memory_space<vmem>>[vector<16xi32>, vector<16xi32>], vector<16xf32>,
          %swap3A_249 = arith.index_cast %and3A_238 : i32 to index
          %swap3A_250 = arith.constant 16 : index
          %swap3A_251 = tpu.vector_load %arg18[%swap3A_249, %swap3A_250] {strides = array<i32>} : memref<8x64xf32, #tpu.memory_space<vmem>>, vector<16xf32>,
          tpu.vector_store %arg18[%swap3A_249, %swap3A_250], %gather3A_248 {strides = array<i32>} : memref<8x64xf32, #tpu.memory_space<vmem>>, vector<16xf32>,
          %add3A_252 = arith.constant 32 : i32
          %add3A_253 = vector.broadcast %add3A_252 : i32 to vector<16xi32>
          %add3A_254 = arith.addi %add3A_253, %iota3A_142 : vector<16xi32>
          %gather3A_255 = tpu.vector_load_idx %arg12[%add3A_254, %sub3A_232] : memref<64x256xf32, #tpu.memory_space<vmem>>[vector<16xi32>, vector<16xi32>], vector<16xf32>,
          %swap3A_256 = arith.index_cast %and3A_238 : i32 to index
          %swap3A_257 = arith.constant 32 : index
          %swap3A_258 = tpu.vector_load %arg18[%swap3A_256, %swap3A_257] {strides = array<i32>} : memref<8x64xf32, #tpu.memory_space<vmem>>, vector<16xf32>,
          tpu.vector_store %arg18[%swap3A_256, %swap3A_257], %gather3A_255 {strides = array<i32>} : memref<8x64xf32, #tpu.memory_space<vmem>>, vector<16xf32>,
          %add3A_259 = arith.constant 48 : i32
          %add3A_260 = vector.broadcast %add3A_259 : i32 to vector<16xi32>
          %add3A_261 = arith.addi %add3A_260, %iota3A_142 : vector<16xi32>
          %gather3A_262 = tpu.vector_load_idx %arg12[%add3A_261, %sub3A_232] : memref<64x256xf32, #tpu.memory_space<vmem>>[vector<16xi32>, vector<16xi32>], vector<16xf32>,
          %swap3A_263 = arith.index_cast %and3A_238 : i32 to index
          %swap3A_264 = arith.constant 48 : index
          %swap3A_265 = tpu.vector_load %arg18[%swap3A_263, %swap3A_264] {strides = array<i32>} : memref<8x64xf32, #tpu.memory_space<vmem>>, vector<16xf32>,
          tpu.vector_store %arg18[%swap3A_263, %swap3A_264], %gather3A_262 {strides = array<i32>} : memref<8x64xf32, #tpu.memory_space<vmem>>, vector<16xf32>,
          %ge3A = arith.constant 8 : i32
          %ge3A_266 = arith.cmpi sge, %while3A_220, %ge3A : i32
          %convert_element_type3A_267 = arith.extui %ge3A_266 : i1 to i32
          %cond3A_268 = arith.constant 0 : i32
          %cond3A_269 = arith.cmpi ne, %convert_element_type3A_267, %cond3A_268 : i32
          scf.if %cond3A_269 {
            %dma_wait3A_287 = arith.constant 0 : i32
            %dma_wait3A_288 = arith.constant 0 : i32
            %dma_wait3A_289 = arith.constant 0 : i32
            %dma_wait3A_290 = tpu.memref_slice %arg18[%dma_wait3A_287, %dma_wait3A_289] : memref<8x64xf32, #tpu.memory_space<vmem>> -> memref<1x64xf32, #tpu.memory_space<vmem>>
            %dma_wait3A_291 = tpu.memref_squeeze %dma_wait3A_290 : memref<1x64xf32, #tpu.memory_space<vmem>> -> memref<64xf32, #tpu.memory_space<vmem>>
            %dma_wait3A_292 = arith.constant 0 : i32
            %dma_wait3A_293 = tpu.memref_slice %arg6[%dma_wait3A_288, %dma_wait3A_292] : memref<16384x64xf32, #tpu.memory_space<hbm>> -> memref<1x64xf32, #tpu.memory_space<hbm>>
            %dma_wait3A_294 = tpu.memref_squeeze %dma_wait3A_293 : memref<1x64xf32, #tpu.memory_space<hbm>> -> memref<64xf32, #tpu.memory_space<hbm>>
            %dma_wait3A_295 = arith.constant 0 : i32
            %dma_wait3A_296 = tpu.memref_slice %arg6[%dma_wait3A_288, %dma_wait3A_295] : memref<16384x64xf32, #tpu.memory_space<hbm>> -> memref<1x64xf32, #tpu.memory_space<hbm>>
            %dma_wait3A_297 = tpu.memref_squeeze %dma_wait3A_296 : memref<1x64xf32, #tpu.memory_space<hbm>> -> memref<64xf32, #tpu.memory_space<hbm>>
            %dma_wait3A_298 = arith.constant 0 : i32
            %dma_wait3A_299 = tpu.memref_slice %arg18[%dma_wait3A_287, %dma_wait3A_298] : memref<8x64xf32, #tpu.memory_space<vmem>> -> memref<1x64xf32, #tpu.memory_space<vmem>>
            %dma_wait3A_300 = tpu.memref_squeeze %dma_wait3A_299 : memref<1x64xf32, #tpu.memory_space<vmem>> -> memref<64xf32, #tpu.memory_space<vmem>>
            tpu.wait_dma2 semaphore(%arg24 : memref<!tpu.dma_semaphore, #tpu.memory_space<semaphore_mem>>) src(%dma_wait3A_300 : memref<64xf32, #tpu.memory_space<vmem>>) dst(%dma_wait3A_297 : memref<64xf32, #tpu.memory_space<hbm>>)
          } else {
          }
          %dma_start3A_270 = arith.constant 0 : i32
          %dma_start3A_271 = tpu.memref_slice %arg18[%and3A_238, %dma_start3A_270] : memref<8x64xf32, #tpu.memory_space<vmem>> -> memref<1x64xf32, #tpu.memory_space<vmem>>
          %dma_start3A_272 = tpu.memref_squeeze %dma_start3A_271 : memref<1x64xf32, #tpu.memory_space<vmem>> -> memref<64xf32, #tpu.memory_space<vmem>>
          %dma_start3A_273 = arith.constant 0 : i32
          %dma_start3A_274 = tpu.memref_slice %arg6[%and3A_236, %dma_start3A_273] : memref<16384x64xf32, #tpu.memory_space<hbm>> -> memref<1x64xf32, #tpu.memory_space<hbm>>
          %dma_start3A_275 = tpu.memref_squeeze %dma_start3A_274 : memref<1x64xf32, #tpu.memory_space<hbm>> -> memref<64xf32, #tpu.memory_space<hbm>>
          %dma_start3A_276 = arith.constant 0 : i32
          %dma_start3A_277 = tpu.memref_slice %arg6[%and3A_236, %dma_start3A_276] : memref<16384x64xf32, #tpu.memory_space<hbm>> -> memref<1x64xf32, #tpu.memory_space<hbm>>
          %dma_start3A_278 = tpu.memref_squeeze %dma_start3A_277 : memref<1x64xf32, #tpu.memory_space<hbm>> -> memref<64xf32, #tpu.memory_space<hbm>>
          %dma_start3A_279 = arith.constant 0 : i32
          %dma_start3A_280 = tpu.memref_slice %arg18[%and3A_238, %dma_start3A_279] : memref<8x64xf32, #tpu.memory_space<vmem>> -> memref<1x64xf32, #tpu.memory_space<vmem>>
          %dma_start3A_281 = tpu.memref_squeeze %dma_start3A_280 : memref<1x64xf32, #tpu.memory_space<vmem>> -> memref<64xf32, #tpu.memory_space<vmem>>
          tpu.enqueue_dma source(%dma_start3A_281 : memref<64xf32, #tpu.memory_space<vmem>>) target(%dma_start3A_278 : memref<64xf32, #tpu.memory_space<hbm>>) target_semaphore(%arg24 : memref<!tpu.dma_semaphore, #tpu.memory_space<semaphore_mem>>)
          %ne3A_282 = vector.broadcast %squeeze3A : i32 to vector<16xi32>
          %ne3A_283 = arith.cmpi ne, %iota3A_142, %ne3A_282 : vector<16xi32>
          %and3A_284 = arith.andi %while3A_219, %ne3A_283 : vector<16xi1>
          %add3A_285 = arith.constant 1 : i32
          %add3A_286 = arith.addi %while3A_220, %add3A_285 : i32
          scf.yield %and3A_284, %add3A_286 : vector<16xi1>, i32
        }
        scf.yield %while3A_218#1 : i32
      }
      %while3A_151 = arith.constant 1 : i32
      %while3A_152 = scf.for %while3A_209 = %while3A_148 to %while3A_144 step %while3A_151 iter_args(%while3A_210 = %while3A_150) -> (i32)  : i32 {
        %mul3A_211 = arith.constant 16 : i32
        %mul3A_212 = arith.muli %while3A_209, %mul3A_211 : i32
        %get3A = arith.index_cast %mul3A_212 : i32 to index
        %get3A_213 = tpu.vector_load %arg10[%get3A] {strides = array<i32>} : memref<1024xi32, #tpu.memory_space<vmem>>, vector<16xi32>,
        %shift_right_arithmetic3A = arith.constant 22 : i32
        %shift_right_arithmetic3A_214 = vector.broadcast %shift_right_arithmetic3A : i32 to vector<16xi32>
        %shift_right_arithmetic3A_215 = arith.shrsi %get3A_213, %shift_right_arithmetic3A_214 : vector<16xi32>
        %eq3A_216 = vector.broadcast %mul3A_141 : i32 to vector<16xi32>
        %eq3A_217 = arith.cmpi eq, %shift_right_arithmetic3A_215, %eq3A_216 : vector<16xi32>
        %while3A_218:2 = scf.while (%while3A_219 = %eq3A_217, %while3A_220 = %while3A_210) : (vector<16xi1>, i32) -> (vector<16xi1>, i32) {
          %all_reduce_population_count3A = tpu.all_reduce %while3A_219 {dim = 0 : i64, kind = #tpu.reduction_kind<sum>} : vector<16xi1> -> vector<16xi32>
          %slice3A = vector.extract_strided_slice %all_reduce_population_count3A {offsets = [0], sizes = [1], strides = [1]} : vector<16xi32> to vector<1xi32>
          %squeeze3A = vector.extract %slice3A[0] : i32 from vector<1xi32>
          %gt3A = arith.constant 0 : i32
          %gt3A_221 = arith.cmpi sgt, %squeeze3A, %gt3A : i32
          scf.condition(%gt3A_221) %while3A_219, %while3A_220 : vector<16xi1>, i32
        } do {
        ^bb0(%while3A_219: vector<16xi1>, %while3A_220: i32):
          %all_reduce_ffs3A = tpu.all_reduce %while3A_219 {dim = 0 : i64, kind = #tpu.reduction_kind<find_first_set>} : vector<16xi1> -> vector<16xi32>
          %slice3A = vector.extract_strided_slice %all_reduce_ffs3A {offsets = [0], sizes = [1], strides = [1]} : vector<16xi32> to vector<1xi32>
          %squeeze3A = vector.extract %slice3A[0] : i32 from vector<1xi32>
          %broadcast_in_dim3A_221 = arith.constant 0 : i32
          %broadcast_in_dim3A_222 = vector.broadcast %broadcast_in_dim3A_221 : i32 to vector<16xi32>
          %add3A_223 = vector.broadcast %squeeze3A : i32 to vector<16xi32>
          %add3A_224 = arith.addi %broadcast_in_dim3A_222, %add3A_223 : vector<16xi32>
          %reshape3A = vector.shape_cast %add3A_224 : vector<16xi32> to vector<16x1xi32>
          %gather3A = vector.shape_cast %reshape3A : vector<16x1xi32> to vector<16xi32>
          %gather3A_225 = tpu.dynamic_gather %get3A_213[%gather3A] in [0] : vector<16xi32>, vector<16xi32> -> vector<16xi32>
          %shift_right_arithmetic3A_226 = arith.constant 14 : i32
          %shift_right_arithmetic3A_227 = vector.broadcast %shift_right_arithmetic3A_226 : i32 to vector<16xi32>
          %shift_right_arithmetic3A_228 = arith.shrsi %gather3A_225, %shift_right_arithmetic3A_227 : vector<16xi32>
          %mul3A_229 = arith.constant 256 : i32
          %mul3A_230 = arith.muli %mul3A_141, %mul3A_229 : i32
          %sub3A_231 = vector.broadcast %mul3A_230 : i32 to vector<16xi32>
          %sub3A_232 = arith.subi %shift_right_arithmetic3A_228, %sub3A_231 : vector<16xi32>
          %slice3A_233 = vector.extract_strided_slice %gather3A_225 {offsets = [0], sizes = [1], strides = [1]} : vector<16xi32> to vector<1xi32>
          %squeeze3A_234 = vector.extract %slice3A_233[0] : i32 from vector<1xi32>
          %and3A_235 = arith.constant 16383 : i32
          %and3A_236 = arith.andi %squeeze3A_234, %and3A_235 : i32
          %and3A_237 = arith.constant 7 : i32
          %and3A_238 = arith.andi %while3A_220, %and3A_237 : i32
          %add3A_239 = arith.constant 0 : i32
          %add3A_240 = vector.broadcast %add3A_239 : i32 to vector<16xi32>
          %add3A_241 = arith.addi %add3A_240, %iota3A_142 : vector<16xi32>
          %gather3A_242 = tpu.vector_load_idx %arg12[%add3A_241, %sub3A_232] : memref<64x256xf32, #tpu.memory_space<vmem>>[vector<16xi32>, vector<16xi32>], vector<16xf32>,
          %swap3A = arith.index_cast %and3A_238 : i32 to index
          %swap3A_243 = arith.constant 0 : index
          %swap3A_244 = tpu.vector_load %arg18[%swap3A, %swap3A_243] {strides = array<i32>} : memref<8x64xf32, #tpu.memory_space<vmem>>, vector<16xf32>,
          tpu.vector_store %arg18[%swap3A, %swap3A_243], %gather3A_242 {strides = array<i32>} : memref<8x64xf32, #tpu.memory_space<vmem>>, vector<16xf32>,
          %add3A_245 = arith.constant 16 : i32
          %add3A_246 = vector.broadcast %add3A_245 : i32 to vector<16xi32>
          %add3A_247 = arith.addi %add3A_246, %iota3A_142 : vector<16xi32>
          %gather3A_248 = tpu.vector_load_idx %arg12[%add3A_247, %sub3A_232] : memref<64x256xf32, #tpu.memory_space<vmem>>[vector<16xi32>, vector<16xi32>], vector<16xf32>,
          %swap3A_249 = arith.index_cast %and3A_238 : i32 to index
          %swap3A_250 = arith.constant 16 : index
          %swap3A_251 = tpu.vector_load %arg18[%swap3A_249, %swap3A_250] {strides = array<i32>} : memref<8x64xf32, #tpu.memory_space<vmem>>, vector<16xf32>,
          tpu.vector_store %arg18[%swap3A_249, %swap3A_250], %gather3A_248 {strides = array<i32>} : memref<8x64xf32, #tpu.memory_space<vmem>>, vector<16xf32>,
          %add3A_252 = arith.constant 32 : i32
          %add3A_253 = vector.broadcast %add3A_252 : i32 to vector<16xi32>
          %add3A_254 = arith.addi %add3A_253, %iota3A_142 : vector<16xi32>
          %gather3A_255 = tpu.vector_load_idx %arg12[%add3A_254, %sub3A_232] : memref<64x256xf32, #tpu.memory_space<vmem>>[vector<16xi32>, vector<16xi32>], vector<16xf32>,
          %swap3A_256 = arith.index_cast %and3A_238 : i32 to index
          %swap3A_257 = arith.constant 32 : index
          %swap3A_258 = tpu.vector_load %arg18[%swap3A_256, %swap3A_257] {strides = array<i32>} : memref<8x64xf32, #tpu.memory_space<vmem>>, vector<16xf32>,
          tpu.vector_store %arg18[%swap3A_256, %swap3A_257], %gather3A_255 {strides = array<i32>} : memref<8x64xf32, #tpu.memory_space<vmem>>, vector<16xf32>,
          %add3A_259 = arith.constant 48 : i32
          %add3A_260 = vector.broadcast %add3A_259 : i32 to vector<16xi32>
          %add3A_261 = arith.addi %add3A_260, %iota3A_142 : vector<16xi32>
          %gather3A_262 = tpu.vector_load_idx %arg12[%add3A_261, %sub3A_232] : memref<64x256xf32, #tpu.memory_space<vmem>>[vector<16xi32>, vector<16xi32>], vector<16xf32>,
          %swap3A_263 = arith.index_cast %and3A_238 : i32 to index
          %swap3A_264 = arith.constant 48 : index
          %swap3A_265 = tpu.vector_load %arg18[%swap3A_263, %swap3A_264] {strides = array<i32>} : memref<8x64xf32, #tpu.memory_space<vmem>>, vector<16xf32>,
          tpu.vector_store %arg18[%swap3A_263, %swap3A_264], %gather3A_262 {strides = array<i32>} : memref<8x64xf32, #tpu.memory_space<vmem>>, vector<16xf32>,
          %ge3A = arith.constant 8 : i32
          %ge3A_266 = arith.cmpi sge, %while3A_220, %ge3A : i32
          %convert_element_type3A_267 = arith.extui %ge3A_266 : i1 to i32
          %cond3A_268 = arith.constant 0 : i32
          %cond3A_269 = arith.cmpi ne, %convert_element_type3A_267, %cond3A_268 : i32
          scf.if %cond3A_269 {
            %dma_wait3A_287 = arith.constant 0 : i32
            %dma_wait3A_288 = arith.constant 0 : i32
            %dma_wait3A_289 = arith.constant 0 : i32
            %dma_wait3A_290 = tpu.memref_slice %arg18[%dma_wait3A_287, %dma_wait3A_289] : memref<8x64xf32, #tpu.memory_space<vmem>> -> memref<1x64xf32, #tpu.memory_space<vmem>>
            %dma_wait3A_291 = tpu.memref_squeeze %dma_wait3A_290 : memref<1x64xf32, #tpu.memory_space<vmem>> -> memref<64xf32, #tpu.memory_space<vmem>>
            %dma_wait3A_292 = arith.constant 0 : i32
            %dma_wait3A_293 = tpu.memref_slice %arg6[%dma_wait3A_288, %dma_wait3A_292] : memref<16384x64xf32, #tpu.memory_space<hbm>> -> memref<1x64xf32, #tpu.memory_space<hbm>>
            %dma_wait3A_294 = tpu.memref_squeeze %dma_wait3A_293 : memref<1x64xf32, #tpu.memory_space<hbm>> -> memref<64xf32, #tpu.memory_space<hbm>>
            %dma_wait3A_295 = arith.constant 0 : i32
            %dma_wait3A_296 = tpu.memref_slice %arg6[%dma_wait3A_288, %dma_wait3A_295] : memref<16384x64xf32, #tpu.memory_space<hbm>> -> memref<1x64xf32, #tpu.memory_space<hbm>>
            %dma_wait3A_297 = tpu.memref_squeeze %dma_wait3A_296 : memref<1x64xf32, #tpu.memory_space<hbm>> -> memref<64xf32, #tpu.memory_space<hbm>>
            %dma_wait3A_298 = arith.constant 0 : i32
            %dma_wait3A_299 = tpu.memref_slice %arg18[%dma_wait3A_287, %dma_wait3A_298] : memref<8x64xf32, #tpu.memory_space<vmem>> -> memref<1x64xf32, #tpu.memory_space<vmem>>
            %dma_wait3A_300 = tpu.memref_squeeze %dma_wait3A_299 : memref<1x64xf32, #tpu.memory_space<vmem>> -> memref<64xf32, #tpu.memory_space<vmem>>
            tpu.wait_dma2 semaphore(%arg24 : memref<!tpu.dma_semaphore, #tpu.memory_space<semaphore_mem>>) src(%dma_wait3A_300 : memref<64xf32, #tpu.memory_space<vmem>>) dst(%dma_wait3A_297 : memref<64xf32, #tpu.memory_space<hbm>>)
          } else {
          }
          %dma_start3A_270 = arith.constant 0 : i32
          %dma_start3A_271 = tpu.memref_slice %arg18[%and3A_238, %dma_start3A_270] : memref<8x64xf32, #tpu.memory_space<vmem>> -> memref<1x64xf32, #tpu.memory_space<vmem>>
          %dma_start3A_272 = tpu.memref_squeeze %dma_start3A_271 : memref<1x64xf32, #tpu.memory_space<vmem>> -> memref<64xf32, #tpu.memory_space<vmem>>
          %dma_start3A_273 = arith.constant 0 : i32
          %dma_start3A_274 = tpu.memref_slice %arg6[%and3A_236, %dma_start3A_273] : memref<16384x64xf32, #tpu.memory_space<hbm>> -> memref<1x64xf32, #tpu.memory_space<hbm>>
          %dma_start3A_275 = tpu.memref_squeeze %dma_start3A_274 : memref<1x64xf32, #tpu.memory_space<hbm>> -> memref<64xf32, #tpu.memory_space<hbm>>
          %dma_start3A_276 = arith.constant 0 : i32
          %dma_start3A_277 = tpu.memref_slice %arg6[%and3A_236, %dma_start3A_276] : memref<16384x64xf32, #tpu.memory_space<hbm>> -> memref<1x64xf32, #tpu.memory_space<hbm>>
          %dma_start3A_278 = tpu.memref_squeeze %dma_start3A_277 : memref<1x64xf32, #tpu.memory_space<hbm>> -> memref<64xf32, #tpu.memory_space<hbm>>
          %dma_start3A_279 = arith.constant 0 : i32
          %dma_start3A_280 = tpu.memref_slice %arg18[%and3A_238, %dma_start3A_279] : memref<8x64xf32, #tpu.memory_space<vmem>> -> memref<1x64xf32, #tpu.memory_space<vmem>>
          %dma_start3A_281 = tpu.memref_squeeze %dma_start3A_280 : memref<1x64xf32, #tpu.memory_space<vmem>> -> memref<64xf32, #tpu.memory_space<vmem>>
          tpu.enqueue_dma source(%dma_start3A_281 : memref<64xf32, #tpu.memory_space<vmem>>) target(%dma_start3A_278 : memref<64xf32, #tpu.memory_space<hbm>>) target_semaphore(%arg24 : memref<!tpu.dma_semaphore, #tpu.memory_space<semaphore_mem>>)
          %ne3A_282 = vector.broadcast %squeeze3A : i32 to vector<16xi32>
          %ne3A_283 = arith.cmpi ne, %iota3A_142, %ne3A_282 : vector<16xi32>
          %and3A_284 = arith.andi %while3A_219, %ne3A_283 : vector<16xi1>
          %add3A_285 = arith.constant 1 : i32
          %add3A_286 = arith.addi %while3A_220, %add3A_285 : i32
          scf.yield %and3A_284, %add3A_286 : vector<16xi1>, i32
        }
        scf.yield %while3A_218#1 : i32
      }
      %iota3A_153 = tpu.iota {dimensions = array<i32: 0>} : vector<16xi32>
      %while3A_154 = arith.constant 0 : i32
      %while3A_155 = arith.subi %select_n3A_85, %while3A_154 : i32
      %while3A_156 = arith.addi %while3A_154, %while3A_155 : i32
      %while3A_157 = arith.constant 1 : i32
      %while3A_158 = arith.divsi %while3A_155, %while3A_157 : i32
      %while3A_159 = arith.muli %while3A_158, %while3A_157 : i32
      %while3A_160 = arith.addi %while3A_154, %while3A_159 : i32
      %while3A_161 = arith.constant 1 : i32
      %while3A_162 = scf.for %while3A_209 = %while3A_154 to %while3A_160 step %while3A_161 iter_args(%while3A_210 = %scan3A_113) -> (i32)  : i32 {
        %mul3A_211 = arith.constant 16 : i32
        %mul3A_212 = arith.muli %while3A_209, %mul3A_211 : i32
        %get3A = arith.index_cast %mul3A_212 : i32 to index
        %get3A_213 = tpu.vector_load %arg11[%get3A] {strides = array<i32>} : memref<1024xi32, #tpu.memory_space<vmem>>, vector<16xi32>,
        %shift_right_arithmetic3A = arith.constant 22 : i32
        %shift_right_arithmetic3A_214 = vector.broadcast %shift_right_arithmetic3A : i32 to vector<16xi32>
        %shift_right_arithmetic3A_215 = arith.shrsi %get3A_213, %shift_right_arithmetic3A_214 : vector<16xi32>
        %eq3A_216 = vector.broadcast %mul3A_141 : i32 to vector<16xi32>
        %eq3A_217 = arith.cmpi eq, %shift_right_arithmetic3A_215, %eq3A_216 : vector<16xi32>
        %while3A_218:2 = scf.while (%while3A_219 = %eq3A_217, %while3A_220 = %while3A_210) : (vector<16xi1>, i32) -> (vector<16xi1>, i32) {
          %all_reduce_population_count3A = tpu.all_reduce %while3A_219 {dim = 0 : i64, kind = #tpu.reduction_kind<sum>} : vector<16xi1> -> vector<16xi32>
          %slice3A = vector.extract_strided_slice %all_reduce_population_count3A {offsets = [0], sizes = [1], strides = [1]} : vector<16xi32> to vector<1xi32>
          %squeeze3A = vector.extract %slice3A[0] : i32 from vector<1xi32>
          %gt3A = arith.constant 0 : i32
          %gt3A_221 = arith.cmpi sgt, %squeeze3A, %gt3A : i32
          scf.condition(%gt3A_221) %while3A_219, %while3A_220 : vector<16xi1>, i32
        } do {
        ^bb0(%while3A_219: vector<16xi1>, %while3A_220: i32):
          %all_reduce_ffs3A = tpu.all_reduce %while3A_219 {dim = 0 : i64, kind = #tpu.reduction_kind<find_first_set>} : vector<16xi1> -> vector<16xi32>
          %slice3A = vector.extract_strided_slice %all_reduce_ffs3A {offsets = [0], sizes = [1], strides = [1]} : vector<16xi32> to vector<1xi32>
          %squeeze3A = vector.extract %slice3A[0] : i32 from vector<1xi32>
          %broadcast_in_dim3A_221 = arith.constant 0 : i32
          %broadcast_in_dim3A_222 = vector.broadcast %broadcast_in_dim3A_221 : i32 to vector<16xi32>
          %add3A_223 = vector.broadcast %squeeze3A : i32 to vector<16xi32>
          %add3A_224 = arith.addi %broadcast_in_dim3A_222, %add3A_223 : vector<16xi32>
          %reshape3A = vector.shape_cast %add3A_224 : vector<16xi32> to vector<16x1xi32>
          %gather3A = vector.shape_cast %reshape3A : vector<16x1xi32> to vector<16xi32>
          %gather3A_225 = tpu.dynamic_gather %get3A_213[%gather3A] in [0] : vector<16xi32>, vector<16xi32> -> vector<16xi32>
          %shift_right_arithmetic3A_226 = arith.constant 14 : i32
          %shift_right_arithmetic3A_227 = vector.broadcast %shift_right_arithmetic3A_226 : i32 to vector<16xi32>
          %shift_right_arithmetic3A_228 = arith.shrsi %gather3A_225, %shift_right_arithmetic3A_227 : vector<16xi32>
          %mul3A_229 = arith.constant 256 : i32
          %mul3A_230 = arith.muli %mul3A_141, %mul3A_229 : i32
          %sub3A_231 = vector.broadcast %mul3A_230 : i32 to vector<16xi32>
          %sub3A_232 = arith.subi %shift_right_arithmetic3A_228, %sub3A_231 : vector<16xi32>
          %slice3A_233 = vector.extract_strided_slice %gather3A_225 {offsets = [0], sizes = [1], strides = [1]} : vector<16xi32> to vector<1xi32>
          %squeeze3A_234 = vector.extract %slice3A_233[0] : i32 from vector<1xi32>
          %and3A_235 = arith.constant 16383 : i32
          %and3A_236 = arith.andi %squeeze3A_234, %and3A_235 : i32
          %and3A_237 = arith.constant 7 : i32
          %and3A_238 = arith.andi %while3A_220, %and3A_237 : i32
          %add3A_239 = arith.constant 0 : i32
          %add3A_240 = vector.broadcast %add3A_239 : i32 to vector<16xi32>
          %add3A_241 = arith.addi %add3A_240, %iota3A_153 : vector<16xi32>
          %gather3A_242 = tpu.vector_load_idx %arg13[%add3A_241, %sub3A_232] : memref<64x256xf32, #tpu.memory_space<vmem>>[vector<16xi32>, vector<16xi32>], vector<16xf32>,
          %swap3A = arith.index_cast %and3A_238 : i32 to index
          %swap3A_243 = arith.constant 0 : index
          %swap3A_244 = tpu.vector_load %arg19[%swap3A, %swap3A_243] {strides = array<i32>} : memref<8x64xf32, #tpu.memory_space<vmem>>, vector<16xf32>,
          tpu.vector_store %arg19[%swap3A, %swap3A_243], %gather3A_242 {strides = array<i32>} : memref<8x64xf32, #tpu.memory_space<vmem>>, vector<16xf32>,
          %add3A_245 = arith.constant 16 : i32
          %add3A_246 = vector.broadcast %add3A_245 : i32 to vector<16xi32>
          %add3A_247 = arith.addi %add3A_246, %iota3A_153 : vector<16xi32>
          %gather3A_248 = tpu.vector_load_idx %arg13[%add3A_247, %sub3A_232] : memref<64x256xf32, #tpu.memory_space<vmem>>[vector<16xi32>, vector<16xi32>], vector<16xf32>,
          %swap3A_249 = arith.index_cast %and3A_238 : i32 to index
          %swap3A_250 = arith.constant 16 : index
          %swap3A_251 = tpu.vector_load %arg19[%swap3A_249, %swap3A_250] {strides = array<i32>} : memref<8x64xf32, #tpu.memory_space<vmem>>, vector<16xf32>,
          tpu.vector_store %arg19[%swap3A_249, %swap3A_250], %gather3A_248 {strides = array<i32>} : memref<8x64xf32, #tpu.memory_space<vmem>>, vector<16xf32>,
          %add3A_252 = arith.constant 32 : i32
          %add3A_253 = vector.broadcast %add3A_252 : i32 to vector<16xi32>
          %add3A_254 = arith.addi %add3A_253, %iota3A_153 : vector<16xi32>
          %gather3A_255 = tpu.vector_load_idx %arg13[%add3A_254, %sub3A_232] : memref<64x256xf32, #tpu.memory_space<vmem>>[vector<16xi32>, vector<16xi32>], vector<16xf32>,
          %swap3A_256 = arith.index_cast %and3A_238 : i32 to index
          %swap3A_257 = arith.constant 32 : index
          %swap3A_258 = tpu.vector_load %arg19[%swap3A_256, %swap3A_257] {strides = array<i32>} : memref<8x64xf32, #tpu.memory_space<vmem>>, vector<16xf32>,
          tpu.vector_store %arg19[%swap3A_256, %swap3A_257], %gather3A_255 {strides = array<i32>} : memref<8x64xf32, #tpu.memory_space<vmem>>, vector<16xf32>,
          %add3A_259 = arith.constant 48 : i32
          %add3A_260 = vector.broadcast %add3A_259 : i32 to vector<16xi32>
          %add3A_261 = arith.addi %add3A_260, %iota3A_153 : vector<16xi32>
          %gather3A_262 = tpu.vector_load_idx %arg13[%add3A_261, %sub3A_232] : memref<64x256xf32, #tpu.memory_space<vmem>>[vector<16xi32>, vector<16xi32>], vector<16xf32>,
          %swap3A_263 = arith.index_cast %and3A_238 : i32 to index
          %swap3A_264 = arith.constant 48 : index
          %swap3A_265 = tpu.vector_load %arg19[%swap3A_263, %swap3A_264] {strides = array<i32>} : memref<8x64xf32, #tpu.memory_space<vmem>>, vector<16xf32>,
          tpu.vector_store %arg19[%swap3A_263, %swap3A_264], %gather3A_262 {strides = array<i32>} : memref<8x64xf32, #tpu.memory_space<vmem>>, vector<16xf32>,
          %ge3A = arith.constant 8 : i32
          %ge3A_266 = arith.cmpi sge, %while3A_220, %ge3A : i32
          %convert_element_type3A_267 = arith.extui %ge3A_266 : i1 to i32
          %cond3A_268 = arith.constant 0 : i32
          %cond3A_269 = arith.cmpi ne, %convert_element_type3A_267, %cond3A_268 : i32
          scf.if %cond3A_269 {
            %dma_wait3A_287 = arith.constant 0 : i32
            %dma_wait3A_288 = arith.constant 0 : i32
            %dma_wait3A_289 = arith.constant 0 : i32
            %dma_wait3A_290 = tpu.memref_slice %arg19[%dma_wait3A_287, %dma_wait3A_289] : memref<8x64xf32, #tpu.memory_space<vmem>> -> memref<1x64xf32, #tpu.memory_space<vmem>>
            %dma_wait3A_291 = tpu.memref_squeeze %dma_wait3A_290 : memref<1x64xf32, #tpu.memory_space<vmem>> -> memref<64xf32, #tpu.memory_space<vmem>>
            %dma_wait3A_292 = arith.constant 0 : i32
            %dma_wait3A_293 = tpu.memref_slice %arg7[%dma_wait3A_288, %dma_wait3A_292] : memref<16384x64xf32, #tpu.memory_space<hbm>> -> memref<1x64xf32, #tpu.memory_space<hbm>>
            %dma_wait3A_294 = tpu.memref_squeeze %dma_wait3A_293 : memref<1x64xf32, #tpu.memory_space<hbm>> -> memref<64xf32, #tpu.memory_space<hbm>>
            %dma_wait3A_295 = arith.constant 0 : i32
            %dma_wait3A_296 = tpu.memref_slice %arg7[%dma_wait3A_288, %dma_wait3A_295] : memref<16384x64xf32, #tpu.memory_space<hbm>> -> memref<1x64xf32, #tpu.memory_space<hbm>>
            %dma_wait3A_297 = tpu.memref_squeeze %dma_wait3A_296 : memref<1x64xf32, #tpu.memory_space<hbm>> -> memref<64xf32, #tpu.memory_space<hbm>>
            %dma_wait3A_298 = arith.constant 0 : i32
            %dma_wait3A_299 = tpu.memref_slice %arg19[%dma_wait3A_287, %dma_wait3A_298] : memref<8x64xf32, #tpu.memory_space<vmem>> -> memref<1x64xf32, #tpu.memory_space<vmem>>
            %dma_wait3A_300 = tpu.memref_squeeze %dma_wait3A_299 : memref<1x64xf32, #tpu.memory_space<vmem>> -> memref<64xf32, #tpu.memory_space<vmem>>
            tpu.wait_dma2 semaphore(%arg25 : memref<!tpu.dma_semaphore, #tpu.memory_space<semaphore_mem>>) src(%dma_wait3A_300 : memref<64xf32, #tpu.memory_space<vmem>>) dst(%dma_wait3A_297 : memref<64xf32, #tpu.memory_space<hbm>>)
          } else {
          }
          %dma_start3A_270 = arith.constant 0 : i32
          %dma_start3A_271 = tpu.memref_slice %arg19[%and3A_238, %dma_start3A_270] : memref<8x64xf32, #tpu.memory_space<vmem>> -> memref<1x64xf32, #tpu.memory_space<vmem>>
          %dma_start3A_272 = tpu.memref_squeeze %dma_start3A_271 : memref<1x64xf32, #tpu.memory_space<vmem>> -> memref<64xf32, #tpu.memory_space<vmem>>
          %dma_start3A_273 = arith.constant 0 : i32
          %dma_start3A_274 = tpu.memref_slice %arg7[%and3A_236, %dma_start3A_273] : memref<16384x64xf32, #tpu.memory_space<hbm>> -> memref<1x64xf32, #tpu.memory_space<hbm>>
          %dma_start3A_275 = tpu.memref_squeeze %dma_start3A_274 : memref<1x64xf32, #tpu.memory_space<hbm>> -> memref<64xf32, #tpu.memory_space<hbm>>
          %dma_start3A_276 = arith.constant 0 : i32
          %dma_start3A_277 = tpu.memref_slice %arg7[%and3A_236, %dma_start3A_276] : memref<16384x64xf32, #tpu.memory_space<hbm>> -> memref<1x64xf32, #tpu.memory_space<hbm>>
          %dma_start3A_278 = tpu.memref_squeeze %dma_start3A_277 : memref<1x64xf32, #tpu.memory_space<hbm>> -> memref<64xf32, #tpu.memory_space<hbm>>
          %dma_start3A_279 = arith.constant 0 : i32
          %dma_start3A_280 = tpu.memref_slice %arg19[%and3A_238, %dma_start3A_279] : memref<8x64xf32, #tpu.memory_space<vmem>> -> memref<1x64xf32, #tpu.memory_space<vmem>>
          %dma_start3A_281 = tpu.memref_squeeze %dma_start3A_280 : memref<1x64xf32, #tpu.memory_space<vmem>> -> memref<64xf32, #tpu.memory_space<vmem>>
          tpu.enqueue_dma source(%dma_start3A_281 : memref<64xf32, #tpu.memory_space<vmem>>) target(%dma_start3A_278 : memref<64xf32, #tpu.memory_space<hbm>>) target_semaphore(%arg25 : memref<!tpu.dma_semaphore, #tpu.memory_space<semaphore_mem>>)
          %ne3A_282 = vector.broadcast %squeeze3A : i32 to vector<16xi32>
          %ne3A_283 = arith.cmpi ne, %iota3A_153, %ne3A_282 : vector<16xi32>
          %and3A_284 = arith.andi %while3A_219, %ne3A_283 : vector<16xi1>
          %add3A_285 = arith.constant 1 : i32
          %add3A_286 = arith.addi %while3A_220, %add3A_285 : i32
          scf.yield %and3A_284, %add3A_286 : vector<16xi1>, i32
        }
        scf.yield %while3A_218#1 : i32
      }
      %while3A_163 = arith.constant 1 : i32
      %while3A_164 = scf.for %while3A_209 = %while3A_160 to %while3A_156 step %while3A_163 iter_args(%while3A_210 = %while3A_162) -> (i32)  : i32 {
        %mul3A_211 = arith.constant 16 : i32
        %mul3A_212 = arith.muli %while3A_209, %mul3A_211 : i32
        %get3A = arith.index_cast %mul3A_212 : i32 to index
        %get3A_213 = tpu.vector_load %arg11[%get3A] {strides = array<i32>} : memref<1024xi32, #tpu.memory_space<vmem>>, vector<16xi32>,
        %shift_right_arithmetic3A = arith.constant 22 : i32
        %shift_right_arithmetic3A_214 = vector.broadcast %shift_right_arithmetic3A : i32 to vector<16xi32>
        %shift_right_arithmetic3A_215 = arith.shrsi %get3A_213, %shift_right_arithmetic3A_214 : vector<16xi32>
        %eq3A_216 = vector.broadcast %mul3A_141 : i32 to vector<16xi32>
        %eq3A_217 = arith.cmpi eq, %shift_right_arithmetic3A_215, %eq3A_216 : vector<16xi32>
        %while3A_218:2 = scf.while (%while3A_219 = %eq3A_217, %while3A_220 = %while3A_210) : (vector<16xi1>, i32) -> (vector<16xi1>, i32) {
          %all_reduce_population_count3A = tpu.all_reduce %while3A_219 {dim = 0 : i64, kind = #tpu.reduction_kind<sum>} : vector<16xi1> -> vector<16xi32>
          %slice3A = vector.extract_strided_slice %all_reduce_population_count3A {offsets = [0], sizes = [1], strides = [1]} : vector<16xi32> to vector<1xi32>
          %squeeze3A = vector.extract %slice3A[0] : i32 from vector<1xi32>
          %gt3A = arith.constant 0 : i32
          %gt3A_221 = arith.cmpi sgt, %squeeze3A, %gt3A : i32
          scf.condition(%gt3A_221) %while3A_219, %while3A_220 : vector<16xi1>, i32
        } do {
        ^bb0(%while3A_219: vector<16xi1>, %while3A_220: i32):
          %all_reduce_ffs3A = tpu.all_reduce %while3A_219 {dim = 0 : i64, kind = #tpu.reduction_kind<find_first_set>} : vector<16xi1> -> vector<16xi32>
          %slice3A = vector.extract_strided_slice %all_reduce_ffs3A {offsets = [0], sizes = [1], strides = [1]} : vector<16xi32> to vector<1xi32>
          %squeeze3A = vector.extract %slice3A[0] : i32 from vector<1xi32>
          %broadcast_in_dim3A_221 = arith.constant 0 : i32
          %broadcast_in_dim3A_222 = vector.broadcast %broadcast_in_dim3A_221 : i32 to vector<16xi32>
          %add3A_223 = vector.broadcast %squeeze3A : i32 to vector<16xi32>
          %add3A_224 = arith.addi %broadcast_in_dim3A_222, %add3A_223 : vector<16xi32>
          %reshape3A = vector.shape_cast %add3A_224 : vector<16xi32> to vector<16x1xi32>
          %gather3A = vector.shape_cast %reshape3A : vector<16x1xi32> to vector<16xi32>
          %gather3A_225 = tpu.dynamic_gather %get3A_213[%gather3A] in [0] : vector<16xi32>, vector<16xi32> -> vector<16xi32>
          %shift_right_arithmetic3A_226 = arith.constant 14 : i32
          %shift_right_arithmetic3A_227 = vector.broadcast %shift_right_arithmetic3A_226 : i32 to vector<16xi32>
          %shift_right_arithmetic3A_228 = arith.shrsi %gather3A_225, %shift_right_arithmetic3A_227 : vector<16xi32>
          %mul3A_229 = arith.constant 256 : i32
          %mul3A_230 = arith.muli %mul3A_141, %mul3A_229 : i32
          %sub3A_231 = vector.broadcast %mul3A_230 : i32 to vector<16xi32>
          %sub3A_232 = arith.subi %shift_right_arithmetic3A_228, %sub3A_231 : vector<16xi32>
          %slice3A_233 = vector.extract_strided_slice %gather3A_225 {offsets = [0], sizes = [1], strides = [1]} : vector<16xi32> to vector<1xi32>
          %squeeze3A_234 = vector.extract %slice3A_233[0] : i32 from vector<1xi32>
          %and3A_235 = arith.constant 16383 : i32
          %and3A_236 = arith.andi %squeeze3A_234, %and3A_235 : i32
          %and3A_237 = arith.constant 7 : i32
          %and3A_238 = arith.andi %while3A_220, %and3A_237 : i32
          %add3A_239 = arith.constant 0 : i32
          %add3A_240 = vector.broadcast %add3A_239 : i32 to vector<16xi32>
          %add3A_241 = arith.addi %add3A_240, %iota3A_153 : vector<16xi32>
          %gather3A_242 = tpu.vector_load_idx %arg13[%add3A_241, %sub3A_232] : memref<64x256xf32, #tpu.memory_space<vmem>>[vector<16xi32>, vector<16xi32>], vector<16xf32>,
          %swap3A = arith.index_cast %and3A_238 : i32 to index
          %swap3A_243 = arith.constant 0 : index
          %swap3A_244 = tpu.vector_load %arg19[%swap3A, %swap3A_243] {strides = array<i32>} : memref<8x64xf32, #tpu.memory_space<vmem>>, vector<16xf32>,
          tpu.vector_store %arg19[%swap3A, %swap3A_243], %gather3A_242 {strides = array<i32>} : memref<8x64xf32, #tpu.memory_space<vmem>>, vector<16xf32>,
          %add3A_245 = arith.constant 16 : i32
          %add3A_246 = vector.broadcast %add3A_245 : i32 to vector<16xi32>
          %add3A_247 = arith.addi %add3A_246, %iota3A_153 : vector<16xi32>
          %gather3A_248 = tpu.vector_load_idx %arg13[%add3A_247, %sub3A_232] : memref<64x256xf32, #tpu.memory_space<vmem>>[vector<16xi32>, vector<16xi32>], vector<16xf32>,
          %swap3A_249 = arith.index_cast %and3A_238 : i32 to index
          %swap3A_250 = arith.constant 16 : index
          %swap3A_251 = tpu.vector_load %arg19[%swap3A_249, %swap3A_250] {strides = array<i32>} : memref<8x64xf32, #tpu.memory_space<vmem>>, vector<16xf32>,
          tpu.vector_store %arg19[%swap3A_249, %swap3A_250], %gather3A_248 {strides = array<i32>} : memref<8x64xf32, #tpu.memory_space<vmem>>, vector<16xf32>,
          %add3A_252 = arith.constant 32 : i32
          %add3A_253 = vector.broadcast %add3A_252 : i32 to vector<16xi32>
          %add3A_254 = arith.addi %add3A_253, %iota3A_153 : vector<16xi32>
          %gather3A_255 = tpu.vector_load_idx %arg13[%add3A_254, %sub3A_232] : memref<64x256xf32, #tpu.memory_space<vmem>>[vector<16xi32>, vector<16xi32>], vector<16xf32>,
          %swap3A_256 = arith.index_cast %and3A_238 : i32 to index
          %swap3A_257 = arith.constant 32 : index
          %swap3A_258 = tpu.vector_load %arg19[%swap3A_256, %swap3A_257] {strides = array<i32>} : memref<8x64xf32, #tpu.memory_space<vmem>>, vector<16xf32>,
          tpu.vector_store %arg19[%swap3A_256, %swap3A_257], %gather3A_255 {strides = array<i32>} : memref<8x64xf32, #tpu.memory_space<vmem>>, vector<16xf32>,
          %add3A_259 = arith.constant 48 : i32
          %add3A_260 = vector.broadcast %add3A_259 : i32 to vector<16xi32>
          %add3A_261 = arith.addi %add3A_260, %iota3A_153 : vector<16xi32>
          %gather3A_262 = tpu.vector_load_idx %arg13[%add3A_261, %sub3A_232] : memref<64x256xf32, #tpu.memory_space<vmem>>[vector<16xi32>, vector<16xi32>], vector<16xf32>,
          %swap3A_263 = arith.index_cast %and3A_238 : i32 to index
          %swap3A_264 = arith.constant 48 : index
          %swap3A_265 = tpu.vector_load %arg19[%swap3A_263, %swap3A_264] {strides = array<i32>} : memref<8x64xf32, #tpu.memory_space<vmem>>, vector<16xf32>,
          tpu.vector_store %arg19[%swap3A_263, %swap3A_264], %gather3A_262 {strides = array<i32>} : memref<8x64xf32, #tpu.memory_space<vmem>>, vector<16xf32>,
          %ge3A = arith.constant 8 : i32
          %ge3A_266 = arith.cmpi sge, %while3A_220, %ge3A : i32
          %convert_element_type3A_267 = arith.extui %ge3A_266 : i1 to i32
          %cond3A_268 = arith.constant 0 : i32
          %cond3A_269 = arith.cmpi ne, %convert_element_type3A_267, %cond3A_268 : i32
          scf.if %cond3A_269 {
            %dma_wait3A_287 = arith.constant 0 : i32
            %dma_wait3A_288 = arith.constant 0 : i32
            %dma_wait3A_289 = arith.constant 0 : i32
            %dma_wait3A_290 = tpu.memref_slice %arg19[%dma_wait3A_287, %dma_wait3A_289] : memref<8x64xf32, #tpu.memory_space<vmem>> -> memref<1x64xf32, #tpu.memory_space<vmem>>
            %dma_wait3A_291 = tpu.memref_squeeze %dma_wait3A_290 : memref<1x64xf32, #tpu.memory_space<vmem>> -> memref<64xf32, #tpu.memory_space<vmem>>
            %dma_wait3A_292 = arith.constant 0 : i32
            %dma_wait3A_293 = tpu.memref_slice %arg7[%dma_wait3A_288, %dma_wait3A_292] : memref<16384x64xf32, #tpu.memory_space<hbm>> -> memref<1x64xf32, #tpu.memory_space<hbm>>
            %dma_wait3A_294 = tpu.memref_squeeze %dma_wait3A_293 : memref<1x64xf32, #tpu.memory_space<hbm>> -> memref<64xf32, #tpu.memory_space<hbm>>
            %dma_wait3A_295 = arith.constant 0 : i32
            %dma_wait3A_296 = tpu.memref_slice %arg7[%dma_wait3A_288, %dma_wait3A_295] : memref<16384x64xf32, #tpu.memory_space<hbm>> -> memref<1x64xf32, #tpu.memory_space<hbm>>
            %dma_wait3A_297 = tpu.memref_squeeze %dma_wait3A_296 : memref<1x64xf32, #tpu.memory_space<hbm>> -> memref<64xf32, #tpu.memory_space<hbm>>
            %dma_wait3A_298 = arith.constant 0 : i32
            %dma_wait3A_299 = tpu.memref_slice %arg19[%dma_wait3A_287, %dma_wait3A_298] : memref<8x64xf32, #tpu.memory_space<vmem>> -> memref<1x64xf32, #tpu.memory_space<vmem>>
            %dma_wait3A_300 = tpu.memref_squeeze %dma_wait3A_299 : memref<1x64xf32, #tpu.memory_space<vmem>> -> memref<64xf32, #tpu.memory_space<vmem>>
            tpu.wait_dma2 semaphore(%arg25 : memref<!tpu.dma_semaphore, #tpu.memory_space<semaphore_mem>>) src(%dma_wait3A_300 : memref<64xf32, #tpu.memory_space<vmem>>) dst(%dma_wait3A_297 : memref<64xf32, #tpu.memory_space<hbm>>)
          } else {
          }
          %dma_start3A_270 = arith.constant 0 : i32
          %dma_start3A_271 = tpu.memref_slice %arg19[%and3A_238, %dma_start3A_270] : memref<8x64xf32, #tpu.memory_space<vmem>> -> memref<1x64xf32, #tpu.memory_space<vmem>>
          %dma_start3A_272 = tpu.memref_squeeze %dma_start3A_271 : memref<1x64xf32, #tpu.memory_space<vmem>> -> memref<64xf32, #tpu.memory_space<vmem>>
          %dma_start3A_273 = arith.constant 0 : i32
          %dma_start3A_274 = tpu.memref_slice %arg7[%and3A_236, %dma_start3A_273] : memref<16384x64xf32, #tpu.memory_space<hbm>> -> memref<1x64xf32, #tpu.memory_space<hbm>>
          %dma_start3A_275 = tpu.memref_squeeze %dma_start3A_274 : memref<1x64xf32, #tpu.memory_space<hbm>> -> memref<64xf32, #tpu.memory_space<hbm>>
          %dma_start3A_276 = arith.constant 0 : i32
          %dma_start3A_277 = tpu.memref_slice %arg7[%and3A_236, %dma_start3A_276] : memref<16384x64xf32, #tpu.memory_space<hbm>> -> memref<1x64xf32, #tpu.memory_space<hbm>>
          %dma_start3A_278 = tpu.memref_squeeze %dma_start3A_277 : memref<1x64xf32, #tpu.memory_space<hbm>> -> memref<64xf32, #tpu.memory_space<hbm>>
          %dma_start3A_279 = arith.constant 0 : i32
          %dma_start3A_280 = tpu.memref_slice %arg19[%and3A_238, %dma_start3A_279] : memref<8x64xf32, #tpu.memory_space<vmem>> -> memref<1x64xf32, #tpu.memory_space<vmem>>
          %dma_start3A_281 = tpu.memref_squeeze %dma_start3A_280 : memref<1x64xf32, #tpu.memory_space<vmem>> -> memref<64xf32, #tpu.memory_space<vmem>>
          tpu.enqueue_dma source(%dma_start3A_281 : memref<64xf32, #tpu.memory_space<vmem>>) target(%dma_start3A_278 : memref<64xf32, #tpu.memory_space<hbm>>) target_semaphore(%arg25 : memref<!tpu.dma_semaphore, #tpu.memory_space<semaphore_mem>>)
          %ne3A_282 = vector.broadcast %squeeze3A : i32 to vector<16xi32>
          %ne3A_283 = arith.cmpi ne, %iota3A_153, %ne3A_282 : vector<16xi32>
          %and3A_284 = arith.andi %while3A_219, %ne3A_283 : vector<16xi1>
          %add3A_285 = arith.constant 1 : i32
          %add3A_286 = arith.addi %while3A_220, %add3A_285 : i32
          scf.yield %and3A_284, %add3A_286 : vector<16xi1>, i32
        }
        scf.yield %while3A_218#1 : i32
      }
      %lt3A = arith.constant 60 : i32
      %lt3A_165 = arith.cmpi slt, %scan3A_111, %lt3A : i32
      %convert_element_type3A_166 = arith.extui %lt3A_165 : i1 to i32
      %cond3A_167 = arith.constant 0 : i32
      %cond3A_168 = arith.cmpi ne, %convert_element_type3A_166, %cond3A_167 : i32
      scf.if %cond3A_168 {
        %mul3A_209 = arith.constant 2 : i32
        %mul3A_210 = arith.muli %mul3A_209, %scan3A_111 : i32
        %add3A_211 = arith.constant 2 : i32
        %add3A_212 = arith.addi %mul3A_210, %add3A_211 : i32
        %mul3A_213 = arith.constant 256 : i32
        %mul3A_214 = arith.muli %add3A_212, %mul3A_213 : i32
        %add3A_215 = arith.addi %mul3A_2, %mul3A_214 : i32
        %dma_start3A_216 = arith.constant 0 : i32
        %dma_start3A_217 = tpu.memref_slice %arg4[%dma_start3A_216, %add3A_215] : memref<64x1000000xf32, #tpu.memory_space<hbm>> -> memref<64x256xf32, #tpu.memory_space<hbm>>
        %dma_start3A_218 = arith.constant 0 : i32
        %dma_start3A_219 = tpu.memref_slice %arg4[%dma_start3A_218, %add3A_215] : memref<64x1000000xf32, #tpu.memory_space<hbm>> -> memref<64x256xf32, #tpu.memory_space<hbm>>
        tpu.enqueue_dma source(%dma_start3A_219 : memref<64x256xf32, #tpu.memory_space<hbm>>) target(%arg12 : memref<64x256xf32, #tpu.memory_space<vmem>>) target_semaphore(%arg20 : memref<!tpu.dma_semaphore, #tpu.memory_space<semaphore_mem>>)
        %dma_start3A_220 = arith.constant 0 : i32
        %dma_start3A_221 = tpu.memref_slice %arg5[%dma_start3A_220, %add3A_215] : memref<64x1000000xf32, #tpu.memory_space<hbm>> -> memref<64x256xf32, #tpu.memory_space<hbm>>
        %dma_start3A_222 = arith.constant 0 : i32
        %dma_start3A_223 = tpu.memref_slice %arg5[%dma_start3A_222, %add3A_215] : memref<64x1000000xf32, #tpu.memory_space<hbm>> -> memref<64x256xf32, #tpu.memory_space<hbm>>
        tpu.enqueue_dma source(%dma_start3A_223 : memref<64x256xf32, #tpu.memory_space<hbm>>) target(%arg13 : memref<64x256xf32, #tpu.memory_space<vmem>>) target_semaphore(%arg21 : memref<!tpu.dma_semaphore, #tpu.memory_space<semaphore_mem>>)
      } else {
      }
      %dma_wait3A_169 = arith.constant 0 : i32
      %dma_wait3A_170 = arith.constant 0 : i32
      %dma_wait3A_171 = tpu.memref_slice %arg4[%dma_wait3A_169, %dma_wait3A_170] : memref<64x1000000xf32, #tpu.memory_space<hbm>> -> memref<64x256xf32, #tpu.memory_space<hbm>>
      %dma_wait3A_172 = arith.constant 0 : i32
      %dma_wait3A_173 = arith.constant 0 : i32
      %dma_wait3A_174 = tpu.memref_slice %arg4[%dma_wait3A_172, %dma_wait3A_173] : memref<64x1000000xf32, #tpu.memory_space<hbm>> -> memref<64x256xf32, #tpu.memory_space<hbm>>
      tpu.wait_dma2 semaphore(%arg22 : memref<!tpu.dma_semaphore, #tpu.memory_space<semaphore_mem>>) src(%dma_wait3A_174 : memref<64x256xf32, #tpu.memory_space<hbm>>) dst(%arg14 : memref<64x256xf32, #tpu.memory_space<vmem>>)
      %dma_wait3A_175 = arith.constant 0 : i32
      %dma_wait3A_176 = arith.constant 0 : i32
      %dma_wait3A_177 = tpu.memref_slice %arg5[%dma_wait3A_175, %dma_wait3A_176] : memref<64x1000000xf32, #tpu.memory_space<hbm>> -> memref<64x256xf32, #tpu.memory_space<hbm>>
      %dma_wait3A_178 = arith.constant 0 : i32
      %dma_wait3A_179 = arith.constant 0 : i32
      %dma_wait3A_180 = tpu.memref_slice %arg5[%dma_wait3A_178, %dma_wait3A_179] : memref<64x1000000xf32, #tpu.memory_space<hbm>> -> memref<64x256xf32, #tpu.memory_space<hbm>>
      tpu.wait_dma2 semaphore(%arg23 : memref<!tpu.dma_semaphore, #tpu.memory_space<semaphore_mem>>) src(%dma_wait3A_180 : memref<64x256xf32, #tpu.memory_space<hbm>>) dst(%arg15 : memref<64x256xf32, #tpu.memory_space<vmem>>)
      %mul3A_181 = arith.constant 2 : i32
      %mul3A_182 = arith.muli %mul3A_181, %scan3A_111 : i32
      %add3A_183 = arith.constant 1 : i32
      %add3A_184 = arith.addi %mul3A_182, %add3A_183 : i32
      %iota3A_185 = tpu.iota {dimensions = array<i32: 0>} : vector<16xi32>
      %while3A_186 = arith.constant 0 : i32
      %while3A_187 = arith.subi %select_n3A_57, %while3A_186 : i32
      %while3A_188 = arith.addi %while3A_186, %while3A_187 : i32
      %while3A_189 = arith.constant 1 : i32
      %while3A_190 = arith.divsi %while3A_187, %while3A_189 : i32
      %while3A_191 = arith.muli %while3A_190, %while3A_189 : i32
      %while3A_192 = arith.addi %while3A_186, %while3A_191 : i32
      %while3A_193 = arith.constant 1 : i32
      %while3A_194 = scf.for %while3A_209 = %while3A_186 to %while3A_192 step %while3A_193 iter_args(%while3A_210 = %while3A_152) -> (i32)  : i32 {
        %mul3A_211 = arith.constant 16 : i32
        %mul3A_212 = arith.muli %while3A_209, %mul3A_211 : i32
        %get3A = arith.index_cast %mul3A_212 : i32 to index
        %get3A_213 = tpu.vector_load %arg10[%get3A] {strides = array<i32>} : memref<1024xi32, #tpu.memory_space<vmem>>, vector<16xi32>,
        %shift_right_arithmetic3A = arith.constant 22 : i32
        %shift_right_arithmetic3A_214 = vector.broadcast %shift_right_arithmetic3A : i32 to vector<16xi32>
        %shift_right_arithmetic3A_215 = arith.shrsi %get3A_213, %shift_right_arithmetic3A_214 : vector<16xi32>
        %eq3A_216 = vector.broadcast %add3A_184 : i32 to vector<16xi32>
        %eq3A_217 = arith.cmpi eq, %shift_right_arithmetic3A_215, %eq3A_216 : vector<16xi32>
        %while3A_218:2 = scf.while (%while3A_219 = %eq3A_217, %while3A_220 = %while3A_210) : (vector<16xi1>, i32) -> (vector<16xi1>, i32) {
          %all_reduce_population_count3A = tpu.all_reduce %while3A_219 {dim = 0 : i64, kind = #tpu.reduction_kind<sum>} : vector<16xi1> -> vector<16xi32>
          %slice3A = vector.extract_strided_slice %all_reduce_population_count3A {offsets = [0], sizes = [1], strides = [1]} : vector<16xi32> to vector<1xi32>
          %squeeze3A = vector.extract %slice3A[0] : i32 from vector<1xi32>
          %gt3A = arith.constant 0 : i32
          %gt3A_221 = arith.cmpi sgt, %squeeze3A, %gt3A : i32
          scf.condition(%gt3A_221) %while3A_219, %while3A_220 : vector<16xi1>, i32
        } do {
        ^bb0(%while3A_219: vector<16xi1>, %while3A_220: i32):
          %all_reduce_ffs3A = tpu.all_reduce %while3A_219 {dim = 0 : i64, kind = #tpu.reduction_kind<find_first_set>} : vector<16xi1> -> vector<16xi32>
          %slice3A = vector.extract_strided_slice %all_reduce_ffs3A {offsets = [0], sizes = [1], strides = [1]} : vector<16xi32> to vector<1xi32>
          %squeeze3A = vector.extract %slice3A[0] : i32 from vector<1xi32>
          %broadcast_in_dim3A_221 = arith.constant 0 : i32
          %broadcast_in_dim3A_222 = vector.broadcast %broadcast_in_dim3A_221 : i32 to vector<16xi32>
          %add3A_223 = vector.broadcast %squeeze3A : i32 to vector<16xi32>
          %add3A_224 = arith.addi %broadcast_in_dim3A_222, %add3A_223 : vector<16xi32>
          %reshape3A = vector.shape_cast %add3A_224 : vector<16xi32> to vector<16x1xi32>
          %gather3A = vector.shape_cast %reshape3A : vector<16x1xi32> to vector<16xi32>
          %gather3A_225 = tpu.dynamic_gather %get3A_213[%gather3A] in [0] : vector<16xi32>, vector<16xi32> -> vector<16xi32>
          %shift_right_arithmetic3A_226 = arith.constant 14 : i32
          %shift_right_arithmetic3A_227 = vector.broadcast %shift_right_arithmetic3A_226 : i32 to vector<16xi32>
          %shift_right_arithmetic3A_228 = arith.shrsi %gather3A_225, %shift_right_arithmetic3A_227 : vector<16xi32>
          %mul3A_229 = arith.constant 256 : i32
          %mul3A_230 = arith.muli %add3A_184, %mul3A_229 : i32
          %sub3A_231 = vector.broadcast %mul3A_230 : i32 to vector<16xi32>
          %sub3A_232 = arith.subi %shift_right_arithmetic3A_228, %sub3A_231 : vector<16xi32>
          %slice3A_233 = vector.extract_strided_slice %gather3A_225 {offsets = [0], sizes = [1], strides = [1]} : vector<16xi32> to vector<1xi32>
          %squeeze3A_234 = vector.extract %slice3A_233[0] : i32 from vector<1xi32>
          %and3A_235 = arith.constant 16383 : i32
          %and3A_236 = arith.andi %squeeze3A_234, %and3A_235 : i32
          %and3A_237 = arith.constant 7 : i32
          %and3A_238 = arith.andi %while3A_220, %and3A_237 : i32
          %add3A_239 = arith.constant 0 : i32
          %add3A_240 = vector.broadcast %add3A_239 : i32 to vector<16xi32>
          %add3A_241 = arith.addi %add3A_240, %iota3A_185 : vector<16xi32>
          %gather3A_242 = tpu.vector_load_idx %arg14[%add3A_241, %sub3A_232] : memref<64x256xf32, #tpu.memory_space<vmem>>[vector<16xi32>, vector<16xi32>], vector<16xf32>,
          %swap3A = arith.index_cast %and3A_238 : i32 to index
          %swap3A_243 = arith.constant 0 : index
          %swap3A_244 = tpu.vector_load %arg18[%swap3A, %swap3A_243] {strides = array<i32>} : memref<8x64xf32, #tpu.memory_space<vmem>>, vector<16xf32>,
          tpu.vector_store %arg18[%swap3A, %swap3A_243], %gather3A_242 {strides = array<i32>} : memref<8x64xf32, #tpu.memory_space<vmem>>, vector<16xf32>,
          %add3A_245 = arith.constant 16 : i32
          %add3A_246 = vector.broadcast %add3A_245 : i32 to vector<16xi32>
          %add3A_247 = arith.addi %add3A_246, %iota3A_185 : vector<16xi32>
          %gather3A_248 = tpu.vector_load_idx %arg14[%add3A_247, %sub3A_232] : memref<64x256xf32, #tpu.memory_space<vmem>>[vector<16xi32>, vector<16xi32>], vector<16xf32>,
          %swap3A_249 = arith.index_cast %and3A_238 : i32 to index
          %swap3A_250 = arith.constant 16 : index
          %swap3A_251 = tpu.vector_load %arg18[%swap3A_249, %swap3A_250] {strides = array<i32>} : memref<8x64xf32, #tpu.memory_space<vmem>>, vector<16xf32>,
          tpu.vector_store %arg18[%swap3A_249, %swap3A_250], %gather3A_248 {strides = array<i32>} : memref<8x64xf32, #tpu.memory_space<vmem>>, vector<16xf32>,
          %add3A_252 = arith.constant 32 : i32
          %add3A_253 = vector.broadcast %add3A_252 : i32 to vector<16xi32>
          %add3A_254 = arith.addi %add3A_253, %iota3A_185 : vector<16xi32>
          %gather3A_255 = tpu.vector_load_idx %arg14[%add3A_254, %sub3A_232] : memref<64x256xf32, #tpu.memory_space<vmem>>[vector<16xi32>, vector<16xi32>], vector<16xf32>,
          %swap3A_256 = arith.index_cast %and3A_238 : i32 to index
          %swap3A_257 = arith.constant 32 : index
          %swap3A_258 = tpu.vector_load %arg18[%swap3A_256, %swap3A_257] {strides = array<i32>} : memref<8x64xf32, #tpu.memory_space<vmem>>, vector<16xf32>,
          tpu.vector_store %arg18[%swap3A_256, %swap3A_257], %gather3A_255 {strides = array<i32>} : memref<8x64xf32, #tpu.memory_space<vmem>>, vector<16xf32>,
          %add3A_259 = arith.constant 48 : i32
          %add3A_260 = vector.broadcast %add3A_259 : i32 to vector<16xi32>
          %add3A_261 = arith.addi %add3A_260, %iota3A_185 : vector<16xi32>
          %gather3A_262 = tpu.vector_load_idx %arg14[%add3A_261, %sub3A_232] : memref<64x256xf32, #tpu.memory_space<vmem>>[vector<16xi32>, vector<16xi32>], vector<16xf32>,
          %swap3A_263 = arith.index_cast %and3A_238 : i32 to index
          %swap3A_264 = arith.constant 48 : index
          %swap3A_265 = tpu.vector_load %arg18[%swap3A_263, %swap3A_264] {strides = array<i32>} : memref<8x64xf32, #tpu.memory_space<vmem>>, vector<16xf32>,
          tpu.vector_store %arg18[%swap3A_263, %swap3A_264], %gather3A_262 {strides = array<i32>} : memref<8x64xf32, #tpu.memory_space<vmem>>, vector<16xf32>,
          %ge3A = arith.constant 8 : i32
          %ge3A_266 = arith.cmpi sge, %while3A_220, %ge3A : i32
          %convert_element_type3A_267 = arith.extui %ge3A_266 : i1 to i32
          %cond3A_268 = arith.constant 0 : i32
          %cond3A_269 = arith.cmpi ne, %convert_element_type3A_267, %cond3A_268 : i32
          scf.if %cond3A_269 {
            %dma_wait3A_287 = arith.constant 0 : i32
            %dma_wait3A_288 = arith.constant 0 : i32
            %dma_wait3A_289 = arith.constant 0 : i32
            %dma_wait3A_290 = tpu.memref_slice %arg18[%dma_wait3A_287, %dma_wait3A_289] : memref<8x64xf32, #tpu.memory_space<vmem>> -> memref<1x64xf32, #tpu.memory_space<vmem>>
            %dma_wait3A_291 = tpu.memref_squeeze %dma_wait3A_290 : memref<1x64xf32, #tpu.memory_space<vmem>> -> memref<64xf32, #tpu.memory_space<vmem>>
            %dma_wait3A_292 = arith.constant 0 : i32
            %dma_wait3A_293 = tpu.memref_slice %arg6[%dma_wait3A_288, %dma_wait3A_292] : memref<16384x64xf32, #tpu.memory_space<hbm>> -> memref<1x64xf32, #tpu.memory_space<hbm>>
            %dma_wait3A_294 = tpu.memref_squeeze %dma_wait3A_293 : memref<1x64xf32, #tpu.memory_space<hbm>> -> memref<64xf32, #tpu.memory_space<hbm>>
            %dma_wait3A_295 = arith.constant 0 : i32
            %dma_wait3A_296 = tpu.memref_slice %arg6[%dma_wait3A_288, %dma_wait3A_295] : memref<16384x64xf32, #tpu.memory_space<hbm>> -> memref<1x64xf32, #tpu.memory_space<hbm>>
            %dma_wait3A_297 = tpu.memref_squeeze %dma_wait3A_296 : memref<1x64xf32, #tpu.memory_space<hbm>> -> memref<64xf32, #tpu.memory_space<hbm>>
            %dma_wait3A_298 = arith.constant 0 : i32
            %dma_wait3A_299 = tpu.memref_slice %arg18[%dma_wait3A_287, %dma_wait3A_298] : memref<8x64xf32, #tpu.memory_space<vmem>> -> memref<1x64xf32, #tpu.memory_space<vmem>>
            %dma_wait3A_300 = tpu.memref_squeeze %dma_wait3A_299 : memref<1x64xf32, #tpu.memory_space<vmem>> -> memref<64xf32, #tpu.memory_space<vmem>>
            tpu.wait_dma2 semaphore(%arg24 : memref<!tpu.dma_semaphore, #tpu.memory_space<semaphore_mem>>) src(%dma_wait3A_300 : memref<64xf32, #tpu.memory_space<vmem>>) dst(%dma_wait3A_297 : memref<64xf32, #tpu.memory_space<hbm>>)
          } else {
          }
          %dma_start3A_270 = arith.constant 0 : i32
          %dma_start3A_271 = tpu.memref_slice %arg18[%and3A_238, %dma_start3A_270] : memref<8x64xf32, #tpu.memory_space<vmem>> -> memref<1x64xf32, #tpu.memory_space<vmem>>
          %dma_start3A_272 = tpu.memref_squeeze %dma_start3A_271 : memref<1x64xf32, #tpu.memory_space<vmem>> -> memref<64xf32, #tpu.memory_space<vmem>>
          %dma_start3A_273 = arith.constant 0 : i32
          %dma_start3A_274 = tpu.memref_slice %arg6[%and3A_236, %dma_start3A_273] : memref<16384x64xf32, #tpu.memory_space<hbm>> -> memref<1x64xf32, #tpu.memory_space<hbm>>
          %dma_start3A_275 = tpu.memref_squeeze %dma_start3A_274 : memref<1x64xf32, #tpu.memory_space<hbm>> -> memref<64xf32, #tpu.memory_space<hbm>>
          %dma_start3A_276 = arith.constant 0 : i32
          %dma_start3A_277 = tpu.memref_slice %arg6[%and3A_236, %dma_start3A_276] : memref<16384x64xf32, #tpu.memory_space<hbm>> -> memref<1x64xf32, #tpu.memory_space<hbm>>
          %dma_start3A_278 = tpu.memref_squeeze %dma_start3A_277 : memref<1x64xf32, #tpu.memory_space<hbm>> -> memref<64xf32, #tpu.memory_space<hbm>>
          %dma_start3A_279 = arith.constant 0 : i32
          %dma_start3A_280 = tpu.memref_slice %arg18[%and3A_238, %dma_start3A_279] : memref<8x64xf32, #tpu.memory_space<vmem>> -> memref<1x64xf32, #tpu.memory_space<vmem>>
          %dma_start3A_281 = tpu.memref_squeeze %dma_start3A_280 : memref<1x64xf32, #tpu.memory_space<vmem>> -> memref<64xf32, #tpu.memory_space<vmem>>
          tpu.enqueue_dma source(%dma_start3A_281 : memref<64xf32, #tpu.memory_space<vmem>>) target(%dma_start3A_278 : memref<64xf32, #tpu.memory_space<hbm>>) target_semaphore(%arg24 : memref<!tpu.dma_semaphore, #tpu.memory_space<semaphore_mem>>)
          %ne3A_282 = vector.broadcast %squeeze3A : i32 to vector<16xi32>
          %ne3A_283 = arith.cmpi ne, %iota3A_185, %ne3A_282 : vector<16xi32>
          %and3A_284 = arith.andi %while3A_219, %ne3A_283 : vector<16xi1>
          %add3A_285 = arith.constant 1 : i32
          %add3A_286 = arith.addi %while3A_220, %add3A_285 : i32
          scf.yield %and3A_284, %add3A_286 : vector<16xi1>, i32
        }
        scf.yield %while3A_218#1 : i32
      }
      %while3A_195 = arith.constant 1 : i32
      %while3A_196 = scf.for %while3A_209 = %while3A_192 to %while3A_188 step %while3A_195 iter_args(%while3A_210 = %while3A_194) -> (i32)  : i32 {
        %mul3A_211 = arith.constant 16 : i32
        %mul3A_212 = arith.muli %while3A_209, %mul3A_211 : i32
        %get3A = arith.index_cast %mul3A_212 : i32 to index
        %get3A_213 = tpu.vector_load %arg10[%get3A] {strides = array<i32>} : memref<1024xi32, #tpu.memory_space<vmem>>, vector<16xi32>,
        %shift_right_arithmetic3A = arith.constant 22 : i32
        %shift_right_arithmetic3A_214 = vector.broadcast %shift_right_arithmetic3A : i32 to vector<16xi32>
        %shift_right_arithmetic3A_215 = arith.shrsi %get3A_213, %shift_right_arithmetic3A_214 : vector<16xi32>
        %eq3A_216 = vector.broadcast %add3A_184 : i32 to vector<16xi32>
        %eq3A_217 = arith.cmpi eq, %shift_right_arithmetic3A_215, %eq3A_216 : vector<16xi32>
        %while3A_218:2 = scf.while (%while3A_219 = %eq3A_217, %while3A_220 = %while3A_210) : (vector<16xi1>, i32) -> (vector<16xi1>, i32) {
          %all_reduce_population_count3A = tpu.all_reduce %while3A_219 {dim = 0 : i64, kind = #tpu.reduction_kind<sum>} : vector<16xi1> -> vector<16xi32>
          %slice3A = vector.extract_strided_slice %all_reduce_population_count3A {offsets = [0], sizes = [1], strides = [1]} : vector<16xi32> to vector<1xi32>
          %squeeze3A = vector.extract %slice3A[0] : i32 from vector<1xi32>
          %gt3A = arith.constant 0 : i32
          %gt3A_221 = arith.cmpi sgt, %squeeze3A, %gt3A : i32
          scf.condition(%gt3A_221) %while3A_219, %while3A_220 : vector<16xi1>, i32
        } do {
        ^bb0(%while3A_219: vector<16xi1>, %while3A_220: i32):
          %all_reduce_ffs3A = tpu.all_reduce %while3A_219 {dim = 0 : i64, kind = #tpu.reduction_kind<find_first_set>} : vector<16xi1> -> vector<16xi32>
          %slice3A = vector.extract_strided_slice %all_reduce_ffs3A {offsets = [0], sizes = [1], strides = [1]} : vector<16xi32> to vector<1xi32>
          %squeeze3A = vector.extract %slice3A[0] : i32 from vector<1xi32>
          %broadcast_in_dim3A_221 = arith.constant 0 : i32
          %broadcast_in_dim3A_222 = vector.broadcast %broadcast_in_dim3A_221 : i32 to vector<16xi32>
          %add3A_223 = vector.broadcast %squeeze3A : i32 to vector<16xi32>
          %add3A_224 = arith.addi %broadcast_in_dim3A_222, %add3A_223 : vector<16xi32>
          %reshape3A = vector.shape_cast %add3A_224 : vector<16xi32> to vector<16x1xi32>
          %gather3A = vector.shape_cast %reshape3A : vector<16x1xi32> to vector<16xi32>
          %gather3A_225 = tpu.dynamic_gather %get3A_213[%gather3A] in [0] : vector<16xi32>, vector<16xi32> -> vector<16xi32>
          %shift_right_arithmetic3A_226 = arith.constant 14 : i32
          %shift_right_arithmetic3A_227 = vector.broadcast %shift_right_arithmetic3A_226 : i32 to vector<16xi32>
          %shift_right_arithmetic3A_228 = arith.shrsi %gather3A_225, %shift_right_arithmetic3A_227 : vector<16xi32>
          %mul3A_229 = arith.constant 256 : i32
          %mul3A_230 = arith.muli %add3A_184, %mul3A_229 : i32
          %sub3A_231 = vector.broadcast %mul3A_230 : i32 to vector<16xi32>
          %sub3A_232 = arith.subi %shift_right_arithmetic3A_228, %sub3A_231 : vector<16xi32>
          %slice3A_233 = vector.extract_strided_slice %gather3A_225 {offsets = [0], sizes = [1], strides = [1]} : vector<16xi32> to vector<1xi32>
          %squeeze3A_234 = vector.extract %slice3A_233[0] : i32 from vector<1xi32>
          %and3A_235 = arith.constant 16383 : i32
          %and3A_236 = arith.andi %squeeze3A_234, %and3A_235 : i32
          %and3A_237 = arith.constant 7 : i32
          %and3A_238 = arith.andi %while3A_220, %and3A_237 : i32
          %add3A_239 = arith.constant 0 : i32
          %add3A_240 = vector.broadcast %add3A_239 : i32 to vector<16xi32>
          %add3A_241 = arith.addi %add3A_240, %iota3A_185 : vector<16xi32>
          %gather3A_242 = tpu.vector_load_idx %arg14[%add3A_241, %sub3A_232] : memref<64x256xf32, #tpu.memory_space<vmem>>[vector<16xi32>, vector<16xi32>], vector<16xf32>,
          %swap3A = arith.index_cast %and3A_238 : i32 to index
          %swap3A_243 = arith.constant 0 : index
          %swap3A_244 = tpu.vector_load %arg18[%swap3A, %swap3A_243] {strides = array<i32>} : memref<8x64xf32, #tpu.memory_space<vmem>>, vector<16xf32>,
          tpu.vector_store %arg18[%swap3A, %swap3A_243], %gather3A_242 {strides = array<i32>} : memref<8x64xf32, #tpu.memory_space<vmem>>, vector<16xf32>,
          %add3A_245 = arith.constant 16 : i32
          %add3A_246 = vector.broadcast %add3A_245 : i32 to vector<16xi32>
          %add3A_247 = arith.addi %add3A_246, %iota3A_185 : vector<16xi32>
          %gather3A_248 = tpu.vector_load_idx %arg14[%add3A_247, %sub3A_232] : memref<64x256xf32, #tpu.memory_space<vmem>>[vector<16xi32>, vector<16xi32>], vector<16xf32>,
          %swap3A_249 = arith.index_cast %and3A_238 : i32 to index
          %swap3A_250 = arith.constant 16 : index
          %swap3A_251 = tpu.vector_load %arg18[%swap3A_249, %swap3A_250] {strides = array<i32>} : memref<8x64xf32, #tpu.memory_space<vmem>>, vector<16xf32>,
          tpu.vector_store %arg18[%swap3A_249, %swap3A_250], %gather3A_248 {strides = array<i32>} : memref<8x64xf32, #tpu.memory_space<vmem>>, vector<16xf32>,
          %add3A_252 = arith.constant 32 : i32
          %add3A_253 = vector.broadcast %add3A_252 : i32 to vector<16xi32>
          %add3A_254 = arith.addi %add3A_253, %iota3A_185 : vector<16xi32>
          %gather3A_255 = tpu.vector_load_idx %arg14[%add3A_254, %sub3A_232] : memref<64x256xf32, #tpu.memory_space<vmem>>[vector<16xi32>, vector<16xi32>], vector<16xf32>,
          %swap3A_256 = arith.index_cast %and3A_238 : i32 to index
          %swap3A_257 = arith.constant 32 : index
          %swap3A_258 = tpu.vector_load %arg18[%swap3A_256, %swap3A_257] {strides = array<i32>} : memref<8x64xf32, #tpu.memory_space<vmem>>, vector<16xf32>,
          tpu.vector_store %arg18[%swap3A_256, %swap3A_257], %gather3A_255 {strides = array<i32>} : memref<8x64xf32, #tpu.memory_space<vmem>>, vector<16xf32>,
          %add3A_259 = arith.constant 48 : i32
          %add3A_260 = vector.broadcast %add3A_259 : i32 to vector<16xi32>
          %add3A_261 = arith.addi %add3A_260, %iota3A_185 : vector<16xi32>
          %gather3A_262 = tpu.vector_load_idx %arg14[%add3A_261, %sub3A_232] : memref<64x256xf32, #tpu.memory_space<vmem>>[vector<16xi32>, vector<16xi32>], vector<16xf32>,
          %swap3A_263 = arith.index_cast %and3A_238 : i32 to index
          %swap3A_264 = arith.constant 48 : index
          %swap3A_265 = tpu.vector_load %arg18[%swap3A_263, %swap3A_264] {strides = array<i32>} : memref<8x64xf32, #tpu.memory_space<vmem>>, vector<16xf32>,
          tpu.vector_store %arg18[%swap3A_263, %swap3A_264], %gather3A_262 {strides = array<i32>} : memref<8x64xf32, #tpu.memory_space<vmem>>, vector<16xf32>,
          %ge3A = arith.constant 8 : i32
          %ge3A_266 = arith.cmpi sge, %while3A_220, %ge3A : i32
          %convert_element_type3A_267 = arith.extui %ge3A_266 : i1 to i32
          %cond3A_268 = arith.constant 0 : i32
          %cond3A_269 = arith.cmpi ne, %convert_element_type3A_267, %cond3A_268 : i32
          scf.if %cond3A_269 {
            %dma_wait3A_287 = arith.constant 0 : i32
            %dma_wait3A_288 = arith.constant 0 : i32
            %dma_wait3A_289 = arith.constant 0 : i32
            %dma_wait3A_290 = tpu.memref_slice %arg18[%dma_wait3A_287, %dma_wait3A_289] : memref<8x64xf32, #tpu.memory_space<vmem>> -> memref<1x64xf32, #tpu.memory_space<vmem>>
            %dma_wait3A_291 = tpu.memref_squeeze %dma_wait3A_290 : memref<1x64xf32, #tpu.memory_space<vmem>> -> memref<64xf32, #tpu.memory_space<vmem>>
            %dma_wait3A_292 = arith.constant 0 : i32
            %dma_wait3A_293 = tpu.memref_slice %arg6[%dma_wait3A_288, %dma_wait3A_292] : memref<16384x64xf32, #tpu.memory_space<hbm>> -> memref<1x64xf32, #tpu.memory_space<hbm>>
            %dma_wait3A_294 = tpu.memref_squeeze %dma_wait3A_293 : memref<1x64xf32, #tpu.memory_space<hbm>> -> memref<64xf32, #tpu.memory_space<hbm>>
            %dma_wait3A_295 = arith.constant 0 : i32
            %dma_wait3A_296 = tpu.memref_slice %arg6[%dma_wait3A_288, %dma_wait3A_295] : memref<16384x64xf32, #tpu.memory_space<hbm>> -> memref<1x64xf32, #tpu.memory_space<hbm>>
            %dma_wait3A_297 = tpu.memref_squeeze %dma_wait3A_296 : memref<1x64xf32, #tpu.memory_space<hbm>> -> memref<64xf32, #tpu.memory_space<hbm>>
            %dma_wait3A_298 = arith.constant 0 : i32
            %dma_wait3A_299 = tpu.memref_slice %arg18[%dma_wait3A_287, %dma_wait3A_298] : memref<8x64xf32, #tpu.memory_space<vmem>> -> memref<1x64xf32, #tpu.memory_space<vmem>>
            %dma_wait3A_300 = tpu.memref_squeeze %dma_wait3A_299 : memref<1x64xf32, #tpu.memory_space<vmem>> -> memref<64xf32, #tpu.memory_space<vmem>>
            tpu.wait_dma2 semaphore(%arg24 : memref<!tpu.dma_semaphore, #tpu.memory_space<semaphore_mem>>) src(%dma_wait3A_300 : memref<64xf32, #tpu.memory_space<vmem>>) dst(%dma_wait3A_297 : memref<64xf32, #tpu.memory_space<hbm>>)
          } else {
          }
          %dma_start3A_270 = arith.constant 0 : i32
          %dma_start3A_271 = tpu.memref_slice %arg18[%and3A_238, %dma_start3A_270] : memref<8x64xf32, #tpu.memory_space<vmem>> -> memref<1x64xf32, #tpu.memory_space<vmem>>
          %dma_start3A_272 = tpu.memref_squeeze %dma_start3A_271 : memref<1x64xf32, #tpu.memory_space<vmem>> -> memref<64xf32, #tpu.memory_space<vmem>>
          %dma_start3A_273 = arith.constant 0 : i32
          %dma_start3A_274 = tpu.memref_slice %arg6[%and3A_236, %dma_start3A_273] : memref<16384x64xf32, #tpu.memory_space<hbm>> -> memref<1x64xf32, #tpu.memory_space<hbm>>
          %dma_start3A_275 = tpu.memref_squeeze %dma_start3A_274 : memref<1x64xf32, #tpu.memory_space<hbm>> -> memref<64xf32, #tpu.memory_space<hbm>>
          %dma_start3A_276 = arith.constant 0 : i32
          %dma_start3A_277 = tpu.memref_slice %arg6[%and3A_236, %dma_start3A_276] : memref<16384x64xf32, #tpu.memory_space<hbm>> -> memref<1x64xf32, #tpu.memory_space<hbm>>
          %dma_start3A_278 = tpu.memref_squeeze %dma_start3A_277 : memref<1x64xf32, #tpu.memory_space<hbm>> -> memref<64xf32, #tpu.memory_space<hbm>>
          %dma_start3A_279 = arith.constant 0 : i32
          %dma_start3A_280 = tpu.memref_slice %arg18[%and3A_238, %dma_start3A_279] : memref<8x64xf32, #tpu.memory_space<vmem>> -> memref<1x64xf32, #tpu.memory_space<vmem>>
          %dma_start3A_281 = tpu.memref_squeeze %dma_start3A_280 : memref<1x64xf32, #tpu.memory_space<vmem>> -> memref<64xf32, #tpu.memory_space<vmem>>
          tpu.enqueue_dma source(%dma_start3A_281 : memref<64xf32, #tpu.memory_space<vmem>>) target(%dma_start3A_278 : memref<64xf32, #tpu.memory_space<hbm>>) target_semaphore(%arg24 : memref<!tpu.dma_semaphore, #tpu.memory_space<semaphore_mem>>)
          %ne3A_282 = vector.broadcast %squeeze3A : i32 to vector<16xi32>
          %ne3A_283 = arith.cmpi ne, %iota3A_185, %ne3A_282 : vector<16xi32>
          %and3A_284 = arith.andi %while3A_219, %ne3A_283 : vector<16xi1>
          %add3A_285 = arith.constant 1 : i32
          %add3A_286 = arith.addi %while3A_220, %add3A_285 : i32
          scf.yield %and3A_284, %add3A_286 : vector<16xi1>, i32
        }
        scf.yield %while3A_218#1 : i32
      }
      %iota3A_197 = tpu.iota {dimensions = array<i32: 0>} : vector<16xi32>
      %while3A_198 = arith.constant 0 : i32
      %while3A_199 = arith.subi %select_n3A_85, %while3A_198 : i32
      %while3A_200 = arith.addi %while3A_198, %while3A_199 : i32
      %while3A_201 = arith.constant 1 : i32
      %while3A_202 = arith.divsi %while3A_199, %while3A_201 : i32
      %while3A_203 = arith.muli %while3A_202, %while3A_201 : i32
      %while3A_204 = arith.addi %while3A_198, %while3A_203 : i32
      %while3A_205 = arith.constant 1 : i32
      %while3A_206 = scf.for %while3A_209 = %while3A_198 to %while3A_204 step %while3A_205 iter_args(%while3A_210 = %while3A_164) -> (i32)  : i32 {
        %mul3A_211 = arith.constant 16 : i32
        %mul3A_212 = arith.muli %while3A_209, %mul3A_211 : i32
        %get3A = arith.index_cast %mul3A_212 : i32 to index
        %get3A_213 = tpu.vector_load %arg11[%get3A] {strides = array<i32>} : memref<1024xi32, #tpu.memory_space<vmem>>, vector<16xi32>,
        %shift_right_arithmetic3A = arith.constant 22 : i32
        %shift_right_arithmetic3A_214 = vector.broadcast %shift_right_arithmetic3A : i32 to vector<16xi32>
        %shift_right_arithmetic3A_215 = arith.shrsi %get3A_213, %shift_right_arithmetic3A_214 : vector<16xi32>
        %eq3A_216 = vector.broadcast %add3A_184 : i32 to vector<16xi32>
        %eq3A_217 = arith.cmpi eq, %shift_right_arithmetic3A_215, %eq3A_216 : vector<16xi32>
        %while3A_218:2 = scf.while (%while3A_219 = %eq3A_217, %while3A_220 = %while3A_210) : (vector<16xi1>, i32) -> (vector<16xi1>, i32) {
          %all_reduce_population_count3A = tpu.all_reduce %while3A_219 {dim = 0 : i64, kind = #tpu.reduction_kind<sum>} : vector<16xi1> -> vector<16xi32>
          %slice3A = vector.extract_strided_slice %all_reduce_population_count3A {offsets = [0], sizes = [1], strides = [1]} : vector<16xi32> to vector<1xi32>
          %squeeze3A = vector.extract %slice3A[0] : i32 from vector<1xi32>
          %gt3A = arith.constant 0 : i32
          %gt3A_221 = arith.cmpi sgt, %squeeze3A, %gt3A : i32
          scf.condition(%gt3A_221) %while3A_219, %while3A_220 : vector<16xi1>, i32
        } do {
        ^bb0(%while3A_219: vector<16xi1>, %while3A_220: i32):
          %all_reduce_ffs3A = tpu.all_reduce %while3A_219 {dim = 0 : i64, kind = #tpu.reduction_kind<find_first_set>} : vector<16xi1> -> vector<16xi32>
          %slice3A = vector.extract_strided_slice %all_reduce_ffs3A {offsets = [0], sizes = [1], strides = [1]} : vector<16xi32> to vector<1xi32>
          %squeeze3A = vector.extract %slice3A[0] : i32 from vector<1xi32>
          %broadcast_in_dim3A_221 = arith.constant 0 : i32
          %broadcast_in_dim3A_222 = vector.broadcast %broadcast_in_dim3A_221 : i32 to vector<16xi32>
          %add3A_223 = vector.broadcast %squeeze3A : i32 to vector<16xi32>
          %add3A_224 = arith.addi %broadcast_in_dim3A_222, %add3A_223 : vector<16xi32>
          %reshape3A = vector.shape_cast %add3A_224 : vector<16xi32> to vector<16x1xi32>
          %gather3A = vector.shape_cast %reshape3A : vector<16x1xi32> to vector<16xi32>
          %gather3A_225 = tpu.dynamic_gather %get3A_213[%gather3A] in [0] : vector<16xi32>, vector<16xi32> -> vector<16xi32>
          %shift_right_arithmetic3A_226 = arith.constant 14 : i32
          %shift_right_arithmetic3A_227 = vector.broadcast %shift_right_arithmetic3A_226 : i32 to vector<16xi32>
          %shift_right_arithmetic3A_228 = arith.shrsi %gather3A_225, %shift_right_arithmetic3A_227 : vector<16xi32>
          %mul3A_229 = arith.constant 256 : i32
          %mul3A_230 = arith.muli %add3A_184, %mul3A_229 : i32
          %sub3A_231 = vector.broadcast %mul3A_230 : i32 to vector<16xi32>
          %sub3A_232 = arith.subi %shift_right_arithmetic3A_228, %sub3A_231 : vector<16xi32>
          %slice3A_233 = vector.extract_strided_slice %gather3A_225 {offsets = [0], sizes = [1], strides = [1]} : vector<16xi32> to vector<1xi32>
          %squeeze3A_234 = vector.extract %slice3A_233[0] : i32 from vector<1xi32>
          %and3A_235 = arith.constant 16383 : i32
          %and3A_236 = arith.andi %squeeze3A_234, %and3A_235 : i32
          %and3A_237 = arith.constant 7 : i32
          %and3A_238 = arith.andi %while3A_220, %and3A_237 : i32
          %add3A_239 = arith.constant 0 : i32
          %add3A_240 = vector.broadcast %add3A_239 : i32 to vector<16xi32>
          %add3A_241 = arith.addi %add3A_240, %iota3A_197 : vector<16xi32>
          %gather3A_242 = tpu.vector_load_idx %arg15[%add3A_241, %sub3A_232] : memref<64x256xf32, #tpu.memory_space<vmem>>[vector<16xi32>, vector<16xi32>], vector<16xf32>,
          %swap3A = arith.index_cast %and3A_238 : i32 to index
          %swap3A_243 = arith.constant 0 : index
          %swap3A_244 = tpu.vector_load %arg19[%swap3A, %swap3A_243] {strides = array<i32>} : memref<8x64xf32, #tpu.memory_space<vmem>>, vector<16xf32>,
          tpu.vector_store %arg19[%swap3A, %swap3A_243], %gather3A_242 {strides = array<i32>} : memref<8x64xf32, #tpu.memory_space<vmem>>, vector<16xf32>,
          %add3A_245 = arith.constant 16 : i32
          %add3A_246 = vector.broadcast %add3A_245 : i32 to vector<16xi32>
          %add3A_247 = arith.addi %add3A_246, %iota3A_197 : vector<16xi32>
          %gather3A_248 = tpu.vector_load_idx %arg15[%add3A_247, %sub3A_232] : memref<64x256xf32, #tpu.memory_space<vmem>>[vector<16xi32>, vector<16xi32>], vector<16xf32>,
          %swap3A_249 = arith.index_cast %and3A_238 : i32 to index
          %swap3A_250 = arith.constant 16 : index
          %swap3A_251 = tpu.vector_load %arg19[%swap3A_249, %swap3A_250] {strides = array<i32>} : memref<8x64xf32, #tpu.memory_space<vmem>>, vector<16xf32>,
          tpu.vector_store %arg19[%swap3A_249, %swap3A_250], %gather3A_248 {strides = array<i32>} : memref<8x64xf32, #tpu.memory_space<vmem>>, vector<16xf32>,
          %add3A_252 = arith.constant 32 : i32
          %add3A_253 = vector.broadcast %add3A_252 : i32 to vector<16xi32>
          %add3A_254 = arith.addi %add3A_253, %iota3A_197 : vector<16xi32>
          %gather3A_255 = tpu.vector_load_idx %arg15[%add3A_254, %sub3A_232] : memref<64x256xf32, #tpu.memory_space<vmem>>[vector<16xi32>, vector<16xi32>], vector<16xf32>,
          %swap3A_256 = arith.index_cast %and3A_238 : i32 to index
          %swap3A_257 = arith.constant 32 : index
          %swap3A_258 = tpu.vector_load %arg19[%swap3A_256, %swap3A_257] {strides = array<i32>} : memref<8x64xf32, #tpu.memory_space<vmem>>, vector<16xf32>,
          tpu.vector_store %arg19[%swap3A_256, %swap3A_257], %gather3A_255 {strides = array<i32>} : memref<8x64xf32, #tpu.memory_space<vmem>>, vector<16xf32>,
          %add3A_259 = arith.constant 48 : i32
          %add3A_260 = vector.broadcast %add3A_259 : i32 to vector<16xi32>
          %add3A_261 = arith.addi %add3A_260, %iota3A_197 : vector<16xi32>
          %gather3A_262 = tpu.vector_load_idx %arg15[%add3A_261, %sub3A_232] : memref<64x256xf32, #tpu.memory_space<vmem>>[vector<16xi32>, vector<16xi32>], vector<16xf32>,
          %swap3A_263 = arith.index_cast %and3A_238 : i32 to index
          %swap3A_264 = arith.constant 48 : index
          %swap3A_265 = tpu.vector_load %arg19[%swap3A_263, %swap3A_264] {strides = array<i32>} : memref<8x64xf32, #tpu.memory_space<vmem>>, vector<16xf32>,
          tpu.vector_store %arg19[%swap3A_263, %swap3A_264], %gather3A_262 {strides = array<i32>} : memref<8x64xf32, #tpu.memory_space<vmem>>, vector<16xf32>,
          %ge3A = arith.constant 8 : i32
          %ge3A_266 = arith.cmpi sge, %while3A_220, %ge3A : i32
          %convert_element_type3A_267 = arith.extui %ge3A_266 : i1 to i32
          %cond3A_268 = arith.constant 0 : i32
          %cond3A_269 = arith.cmpi ne, %convert_element_type3A_267, %cond3A_268 : i32
          scf.if %cond3A_269 {
            %dma_wait3A_287 = arith.constant 0 : i32
            %dma_wait3A_288 = arith.constant 0 : i32
            %dma_wait3A_289 = arith.constant 0 : i32
            %dma_wait3A_290 = tpu.memref_slice %arg19[%dma_wait3A_287, %dma_wait3A_289] : memref<8x64xf32, #tpu.memory_space<vmem>> -> memref<1x64xf32, #tpu.memory_space<vmem>>
            %dma_wait3A_291 = tpu.memref_squeeze %dma_wait3A_290 : memref<1x64xf32, #tpu.memory_space<vmem>> -> memref<64xf32, #tpu.memory_space<vmem>>
            %dma_wait3A_292 = arith.constant 0 : i32
            %dma_wait3A_293 = tpu.memref_slice %arg7[%dma_wait3A_288, %dma_wait3A_292] : memref<16384x64xf32, #tpu.memory_space<hbm>> -> memref<1x64xf32, #tpu.memory_space<hbm>>
            %dma_wait3A_294 = tpu.memref_squeeze %dma_wait3A_293 : memref<1x64xf32, #tpu.memory_space<hbm>> -> memref<64xf32, #tpu.memory_space<hbm>>
            %dma_wait3A_295 = arith.constant 0 : i32
            %dma_wait3A_296 = tpu.memref_slice %arg7[%dma_wait3A_288, %dma_wait3A_295] : memref<16384x64xf32, #tpu.memory_space<hbm>> -> memref<1x64xf32, #tpu.memory_space<hbm>>
            %dma_wait3A_297 = tpu.memref_squeeze %dma_wait3A_296 : memref<1x64xf32, #tpu.memory_space<hbm>> -> memref<64xf32, #tpu.memory_space<hbm>>
            %dma_wait3A_298 = arith.constant 0 : i32
            %dma_wait3A_299 = tpu.memref_slice %arg19[%dma_wait3A_287, %dma_wait3A_298] : memref<8x64xf32, #tpu.memory_space<vmem>> -> memref<1x64xf32, #tpu.memory_space<vmem>>
            %dma_wait3A_300 = tpu.memref_squeeze %dma_wait3A_299 : memref<1x64xf32, #tpu.memory_space<vmem>> -> memref<64xf32, #tpu.memory_space<vmem>>
            tpu.wait_dma2 semaphore(%arg25 : memref<!tpu.dma_semaphore, #tpu.memory_space<semaphore_mem>>) src(%dma_wait3A_300 : memref<64xf32, #tpu.memory_space<vmem>>) dst(%dma_wait3A_297 : memref<64xf32, #tpu.memory_space<hbm>>)
          } else {
          }
          %dma_start3A_270 = arith.constant 0 : i32
          %dma_start3A_271 = tpu.memref_slice %arg19[%and3A_238, %dma_start3A_270] : memref<8x64xf32, #tpu.memory_space<vmem>> -> memref<1x64xf32, #tpu.memory_space<vmem>>
          %dma_start3A_272 = tpu.memref_squeeze %dma_start3A_271 : memref<1x64xf32, #tpu.memory_space<vmem>> -> memref<64xf32, #tpu.memory_space<vmem>>
          %dma_start3A_273 = arith.constant 0 : i32
          %dma_start3A_274 = tpu.memref_slice %arg7[%and3A_236, %dma_start3A_273] : memref<16384x64xf32, #tpu.memory_space<hbm>> -> memref<1x64xf32, #tpu.memory_space<hbm>>
          %dma_start3A_275 = tpu.memref_squeeze %dma_start3A_274 : memref<1x64xf32, #tpu.memory_space<hbm>> -> memref<64xf32, #tpu.memory_space<hbm>>
          %dma_start3A_276 = arith.constant 0 : i32
          %dma_start3A_277 = tpu.memref_slice %arg7[%and3A_236, %dma_start3A_276] : memref<16384x64xf32, #tpu.memory_space<hbm>> -> memref<1x64xf32, #tpu.memory_space<hbm>>
          %dma_start3A_278 = tpu.memref_squeeze %dma_start3A_277 : memref<1x64xf32, #tpu.memory_space<hbm>> -> memref<64xf32, #tpu.memory_space<hbm>>
          %dma_start3A_279 = arith.constant 0 : i32
          %dma_start3A_280 = tpu.memref_slice %arg19[%and3A_238, %dma_start3A_279] : memref<8x64xf32, #tpu.memory_space<vmem>> -> memref<1x64xf32, #tpu.memory_space<vmem>>
          %dma_start3A_281 = tpu.memref_squeeze %dma_start3A_280 : memref<1x64xf32, #tpu.memory_space<vmem>> -> memref<64xf32, #tpu.memory_space<vmem>>
          tpu.enqueue_dma source(%dma_start3A_281 : memref<64xf32, #tpu.memory_space<vmem>>) target(%dma_start3A_278 : memref<64xf32, #tpu.memory_space<hbm>>) target_semaphore(%arg25 : memref<!tpu.dma_semaphore, #tpu.memory_space<semaphore_mem>>)
          %ne3A_282 = vector.broadcast %squeeze3A : i32 to vector<16xi32>
          %ne3A_283 = arith.cmpi ne, %iota3A_197, %ne3A_282 : vector<16xi32>
          %and3A_284 = arith.andi %while3A_219, %ne3A_283 : vector<16xi1>
          %add3A_285 = arith.constant 1 : i32
          %add3A_286 = arith.addi %while3A_220, %add3A_285 : i32
          scf.yield %and3A_284, %add3A_286 : vector<16xi1>, i32
        }
        scf.yield %while3A_218#1 : i32
      }
      %while3A_207 = arith.constant 1 : i32
      %while3A_208 = scf.for %while3A_209 = %while3A_204 to %while3A_200 step %while3A_207 iter_args(%while3A_210 = %while3A_206) -> (i32)  : i32 {
        %mul3A_211 = arith.constant 16 : i32
        %mul3A_212 = arith.muli %while3A_209, %mul3A_211 : i32
        %get3A = arith.index_cast %mul3A_212 : i32 to index
        %get3A_213 = tpu.vector_load %arg11[%get3A] {strides = array<i32>} : memref<1024xi32, #tpu.memory_space<vmem>>, vector<16xi32>,
        %shift_right_arithmetic3A = arith.constant 22 : i32
        %shift_right_arithmetic3A_214 = vector.broadcast %shift_right_arithmetic3A : i32 to vector<16xi32>
        %shift_right_arithmetic3A_215 = arith.shrsi %get3A_213, %shift_right_arithmetic3A_214 : vector<16xi32>
        %eq3A_216 = vector.broadcast %add3A_184 : i32 to vector<16xi32>
        %eq3A_217 = arith.cmpi eq, %shift_right_arithmetic3A_215, %eq3A_216 : vector<16xi32>
        %while3A_218:2 = scf.while (%while3A_219 = %eq3A_217, %while3A_220 = %while3A_210) : (vector<16xi1>, i32) -> (vector<16xi1>, i32) {
          %all_reduce_population_count3A = tpu.all_reduce %while3A_219 {dim = 0 : i64, kind = #tpu.reduction_kind<sum>} : vector<16xi1> -> vector<16xi32>
          %slice3A = vector.extract_strided_slice %all_reduce_population_count3A {offsets = [0], sizes = [1], strides = [1]} : vector<16xi32> to vector<1xi32>
          %squeeze3A = vector.extract %slice3A[0] : i32 from vector<1xi32>
          %gt3A = arith.constant 0 : i32
          %gt3A_221 = arith.cmpi sgt, %squeeze3A, %gt3A : i32
          scf.condition(%gt3A_221) %while3A_219, %while3A_220 : vector<16xi1>, i32
        } do {
        ^bb0(%while3A_219: vector<16xi1>, %while3A_220: i32):
          %all_reduce_ffs3A = tpu.all_reduce %while3A_219 {dim = 0 : i64, kind = #tpu.reduction_kind<find_first_set>} : vector<16xi1> -> vector<16xi32>
          %slice3A = vector.extract_strided_slice %all_reduce_ffs3A {offsets = [0], sizes = [1], strides = [1]} : vector<16xi32> to vector<1xi32>
          %squeeze3A = vector.extract %slice3A[0] : i32 from vector<1xi32>
          %broadcast_in_dim3A_221 = arith.constant 0 : i32
          %broadcast_in_dim3A_222 = vector.broadcast %broadcast_in_dim3A_221 : i32 to vector<16xi32>
          %add3A_223 = vector.broadcast %squeeze3A : i32 to vector<16xi32>
          %add3A_224 = arith.addi %broadcast_in_dim3A_222, %add3A_223 : vector<16xi32>
          %reshape3A = vector.shape_cast %add3A_224 : vector<16xi32> to vector<16x1xi32>
          %gather3A = vector.shape_cast %reshape3A : vector<16x1xi32> to vector<16xi32>
          %gather3A_225 = tpu.dynamic_gather %get3A_213[%gather3A] in [0] : vector<16xi32>, vector<16xi32> -> vector<16xi32>
          %shift_right_arithmetic3A_226 = arith.constant 14 : i32
          %shift_right_arithmetic3A_227 = vector.broadcast %shift_right_arithmetic3A_226 : i32 to vector<16xi32>
          %shift_right_arithmetic3A_228 = arith.shrsi %gather3A_225, %shift_right_arithmetic3A_227 : vector<16xi32>
          %mul3A_229 = arith.constant 256 : i32
          %mul3A_230 = arith.muli %add3A_184, %mul3A_229 : i32
          %sub3A_231 = vector.broadcast %mul3A_230 : i32 to vector<16xi32>
          %sub3A_232 = arith.subi %shift_right_arithmetic3A_228, %sub3A_231 : vector<16xi32>
          %slice3A_233 = vector.extract_strided_slice %gather3A_225 {offsets = [0], sizes = [1], strides = [1]} : vector<16xi32> to vector<1xi32>
          %squeeze3A_234 = vector.extract %slice3A_233[0] : i32 from vector<1xi32>
          %and3A_235 = arith.constant 16383 : i32
          %and3A_236 = arith.andi %squeeze3A_234, %and3A_235 : i32
          %and3A_237 = arith.constant 7 : i32
          %and3A_238 = arith.andi %while3A_220, %and3A_237 : i32
          %add3A_239 = arith.constant 0 : i32
          %add3A_240 = vector.broadcast %add3A_239 : i32 to vector<16xi32>
          %add3A_241 = arith.addi %add3A_240, %iota3A_197 : vector<16xi32>
          %gather3A_242 = tpu.vector_load_idx %arg15[%add3A_241, %sub3A_232] : memref<64x256xf32, #tpu.memory_space<vmem>>[vector<16xi32>, vector<16xi32>], vector<16xf32>,
          %swap3A = arith.index_cast %and3A_238 : i32 to index
          %swap3A_243 = arith.constant 0 : index
          %swap3A_244 = tpu.vector_load %arg19[%swap3A, %swap3A_243] {strides = array<i32>} : memref<8x64xf32, #tpu.memory_space<vmem>>, vector<16xf32>,
          tpu.vector_store %arg19[%swap3A, %swap3A_243], %gather3A_242 {strides = array<i32>} : memref<8x64xf32, #tpu.memory_space<vmem>>, vector<16xf32>,
          %add3A_245 = arith.constant 16 : i32
          %add3A_246 = vector.broadcast %add3A_245 : i32 to vector<16xi32>
          %add3A_247 = arith.addi %add3A_246, %iota3A_197 : vector<16xi32>
          %gather3A_248 = tpu.vector_load_idx %arg15[%add3A_247, %sub3A_232] : memref<64x256xf32, #tpu.memory_space<vmem>>[vector<16xi32>, vector<16xi32>], vector<16xf32>,
          %swap3A_249 = arith.index_cast %and3A_238 : i32 to index
          %swap3A_250 = arith.constant 16 : index
          %swap3A_251 = tpu.vector_load %arg19[%swap3A_249, %swap3A_250] {strides = array<i32>} : memref<8x64xf32, #tpu.memory_space<vmem>>, vector<16xf32>,
          tpu.vector_store %arg19[%swap3A_249, %swap3A_250], %gather3A_248 {strides = array<i32>} : memref<8x64xf32, #tpu.memory_space<vmem>>, vector<16xf32>,
          %add3A_252 = arith.constant 32 : i32
          %add3A_253 = vector.broadcast %add3A_252 : i32 to vector<16xi32>
          %add3A_254 = arith.addi %add3A_253, %iota3A_197 : vector<16xi32>
          %gather3A_255 = tpu.vector_load_idx %arg15[%add3A_254, %sub3A_232] : memref<64x256xf32, #tpu.memory_space<vmem>>[vector<16xi32>, vector<16xi32>], vector<16xf32>,
          %swap3A_256 = arith.index_cast %and3A_238 : i32 to index
          %swap3A_257 = arith.constant 32 : index
          %swap3A_258 = tpu.vector_load %arg19[%swap3A_256, %swap3A_257] {strides = array<i32>} : memref<8x64xf32, #tpu.memory_space<vmem>>, vector<16xf32>,
          tpu.vector_store %arg19[%swap3A_256, %swap3A_257], %gather3A_255 {strides = array<i32>} : memref<8x64xf32, #tpu.memory_space<vmem>>, vector<16xf32>,
          %add3A_259 = arith.constant 48 : i32
          %add3A_260 = vector.broadcast %add3A_259 : i32 to vector<16xi32>
          %add3A_261 = arith.addi %add3A_260, %iota3A_197 : vector<16xi32>
          %gather3A_262 = tpu.vector_load_idx %arg15[%add3A_261, %sub3A_232] : memref<64x256xf32, #tpu.memory_space<vmem>>[vector<16xi32>, vector<16xi32>], vector<16xf32>,
          %swap3A_263 = arith.index_cast %and3A_238 : i32 to index
          %swap3A_264 = arith.constant 48 : index
          %swap3A_265 = tpu.vector_load %arg19[%swap3A_263, %swap3A_264] {strides = array<i32>} : memref<8x64xf32, #tpu.memory_space<vmem>>, vector<16xf32>,
          tpu.vector_store %arg19[%swap3A_263, %swap3A_264], %gather3A_262 {strides = array<i32>} : memref<8x64xf32, #tpu.memory_space<vmem>>, vector<16xf32>,
          %ge3A = arith.constant 8 : i32
          %ge3A_266 = arith.cmpi sge, %while3A_220, %ge3A : i32
          %convert_element_type3A_267 = arith.extui %ge3A_266 : i1 to i32
          %cond3A_268 = arith.constant 0 : i32
          %cond3A_269 = arith.cmpi ne, %convert_element_type3A_267, %cond3A_268 : i32
          scf.if %cond3A_269 {
            %dma_wait3A_287 = arith.constant 0 : i32
            %dma_wait3A_288 = arith.constant 0 : i32
            %dma_wait3A_289 = arith.constant 0 : i32
            %dma_wait3A_290 = tpu.memref_slice %arg19[%dma_wait3A_287, %dma_wait3A_289] : memref<8x64xf32, #tpu.memory_space<vmem>> -> memref<1x64xf32, #tpu.memory_space<vmem>>
            %dma_wait3A_291 = tpu.memref_squeeze %dma_wait3A_290 : memref<1x64xf32, #tpu.memory_space<vmem>> -> memref<64xf32, #tpu.memory_space<vmem>>
            %dma_wait3A_292 = arith.constant 0 : i32
            %dma_wait3A_293 = tpu.memref_slice %arg7[%dma_wait3A_288, %dma_wait3A_292] : memref<16384x64xf32, #tpu.memory_space<hbm>> -> memref<1x64xf32, #tpu.memory_space<hbm>>
            %dma_wait3A_294 = tpu.memref_squeeze %dma_wait3A_293 : memref<1x64xf32, #tpu.memory_space<hbm>> -> memref<64xf32, #tpu.memory_space<hbm>>
            %dma_wait3A_295 = arith.constant 0 : i32
            %dma_wait3A_296 = tpu.memref_slice %arg7[%dma_wait3A_288, %dma_wait3A_295] : memref<16384x64xf32, #tpu.memory_space<hbm>> -> memref<1x64xf32, #tpu.memory_space<hbm>>
            %dma_wait3A_297 = tpu.memref_squeeze %dma_wait3A_296 : memref<1x64xf32, #tpu.memory_space<hbm>> -> memref<64xf32, #tpu.memory_space<hbm>>
            %dma_wait3A_298 = arith.constant 0 : i32
            %dma_wait3A_299 = tpu.memref_slice %arg19[%dma_wait3A_287, %dma_wait3A_298] : memref<8x64xf32, #tpu.memory_space<vmem>> -> memref<1x64xf32, #tpu.memory_space<vmem>>
            %dma_wait3A_300 = tpu.memref_squeeze %dma_wait3A_299 : memref<1x64xf32, #tpu.memory_space<vmem>> -> memref<64xf32, #tpu.memory_space<vmem>>
            tpu.wait_dma2 semaphore(%arg25 : memref<!tpu.dma_semaphore, #tpu.memory_space<semaphore_mem>>) src(%dma_wait3A_300 : memref<64xf32, #tpu.memory_space<vmem>>) dst(%dma_wait3A_297 : memref<64xf32, #tpu.memory_space<hbm>>)
          } else {
          }
          %dma_start3A_270 = arith.constant 0 : i32
          %dma_start3A_271 = tpu.memref_slice %arg19[%and3A_238, %dma_start3A_270] : memref<8x64xf32, #tpu.memory_space<vmem>> -> memref<1x64xf32, #tpu.memory_space<vmem>>
          %dma_start3A_272 = tpu.memref_squeeze %dma_start3A_271 : memref<1x64xf32, #tpu.memory_space<vmem>> -> memref<64xf32, #tpu.memory_space<vmem>>
          %dma_start3A_273 = arith.constant 0 : i32
          %dma_start3A_274 = tpu.memref_slice %arg7[%and3A_236, %dma_start3A_273] : memref<16384x64xf32, #tpu.memory_space<hbm>> -> memref<1x64xf32, #tpu.memory_space<hbm>>
          %dma_start3A_275 = tpu.memref_squeeze %dma_start3A_274 : memref<1x64xf32, #tpu.memory_space<hbm>> -> memref<64xf32, #tpu.memory_space<hbm>>
          %dma_start3A_276 = arith.constant 0 : i32
          %dma_start3A_277 = tpu.memref_slice %arg7[%and3A_236, %dma_start3A_276] : memref<16384x64xf32, #tpu.memory_space<hbm>> -> memref<1x64xf32, #tpu.memory_space<hbm>>
          %dma_start3A_278 = tpu.memref_squeeze %dma_start3A_277 : memref<1x64xf32, #tpu.memory_space<hbm>> -> memref<64xf32, #tpu.memory_space<hbm>>
          %dma_start3A_279 = arith.constant 0 : i32
          %dma_start3A_280 = tpu.memref_slice %arg19[%and3A_238, %dma_start3A_279] : memref<8x64xf32, #tpu.memory_space<vmem>> -> memref<1x64xf32, #tpu.memory_space<vmem>>
          %dma_start3A_281 = tpu.memref_squeeze %dma_start3A_280 : memref<1x64xf32, #tpu.memory_space<vmem>> -> memref<64xf32, #tpu.memory_space<vmem>>
          tpu.enqueue_dma source(%dma_start3A_281 : memref<64xf32, #tpu.memory_space<vmem>>) target(%dma_start3A_278 : memref<64xf32, #tpu.memory_space<hbm>>) target_semaphore(%arg25 : memref<!tpu.dma_semaphore, #tpu.memory_space<semaphore_mem>>)
          %ne3A_282 = vector.broadcast %squeeze3A : i32 to vector<16xi32>
          %ne3A_283 = arith.cmpi ne, %iota3A_197, %ne3A_282 : vector<16xi32>
          %and3A_284 = arith.andi %while3A_219, %ne3A_283 : vector<16xi1>
          %add3A_285 = arith.constant 1 : i32
          %add3A_286 = arith.addi %while3A_220, %add3A_285 : i32
          scf.yield %and3A_284, %add3A_286 : vector<16xi1>, i32
        }
        scf.yield %while3A_218#1 : i32
      }
      scf.yield %while3A_196, %while3A_208 : i32, i32
    }
    %scan3A_102 = arith.constant 61 : i32
    %eq3A_103 = arith.constant 31 : i32
    %eq3A_104 = arith.cmpi eq, %add3A, %eq3A_103 : i32
    %convert_element_type3A = arith.extui %eq3A_104 : i1 to i32
    %cond3A = arith.constant 0 : i32
    %cond3A_105 = arith.cmpi ne, %convert_element_type3A, %cond3A : i32
    scf.if %cond3A_105 {
      %scan3A_111 = arith.constant 122 : i32
      %scan3A_112 = arith.constant 2 : i32
      %scan3A_113 = arith.addi %scan3A_111, %scan3A_112 : i32
      %scan3A_114 = arith.constant 1 : i32
      %scan3A_115:2 = scf.for %scan3A_186 = %scan3A_111 to %scan3A_113 step %scan3A_114 iter_args(%scan3A_187 = %scan3A_101#0, %scan3A_188 = %scan3A_101#1) -> (i32, i32)  : i32 {
        %mul3A_189 = arith.constant 256 : i32
        %mul3A_190 = arith.muli %scan3A_186, %mul3A_189 : i32
        %add3A_191 = arith.addi %mul3A_2, %mul3A_190 : i32
        %dma_start3A_192 = arith.constant 0 : i32
        %dma_start3A_193 = tpu.memref_slice %arg4[%dma_start3A_192, %add3A_191] : memref<64x1000000xf32, #tpu.memory_space<hbm>> -> memref<64x256xf32, #tpu.memory_space<hbm>>
        %dma_start3A_194 = arith.constant 0 : i32
        %dma_start3A_195 = tpu.memref_slice %arg4[%dma_start3A_194, %add3A_191] : memref<64x1000000xf32, #tpu.memory_space<hbm>> -> memref<64x256xf32, #tpu.memory_space<hbm>>
        tpu.enqueue_dma source(%dma_start3A_195 : memref<64x256xf32, #tpu.memory_space<hbm>>) target(%arg12 : memref<64x256xf32, #tpu.memory_space<vmem>>) target_semaphore(%arg20 : memref<!tpu.dma_semaphore, #tpu.memory_space<semaphore_mem>>)
        %dma_start3A_196 = arith.constant 0 : i32
        %dma_start3A_197 = tpu.memref_slice %arg5[%dma_start3A_196, %add3A_191] : memref<64x1000000xf32, #tpu.memory_space<hbm>> -> memref<64x256xf32, #tpu.memory_space<hbm>>
        %dma_start3A_198 = arith.constant 0 : i32
        %dma_start3A_199 = tpu.memref_slice %arg5[%dma_start3A_198, %add3A_191] : memref<64x1000000xf32, #tpu.memory_space<hbm>> -> memref<64x256xf32, #tpu.memory_space<hbm>>
        tpu.enqueue_dma source(%dma_start3A_199 : memref<64x256xf32, #tpu.memory_space<hbm>>) target(%arg13 : memref<64x256xf32, #tpu.memory_space<vmem>>) target_semaphore(%arg21 : memref<!tpu.dma_semaphore, #tpu.memory_space<semaphore_mem>>)
        %dma_wait3A_200 = arith.constant 0 : i32
        %dma_wait3A_201 = arith.constant 0 : i32
        %dma_wait3A_202 = tpu.memref_slice %arg4[%dma_wait3A_200, %dma_wait3A_201] : memref<64x1000000xf32, #tpu.memory_space<hbm>> -> memref<64x256xf32, #tpu.memory_space<hbm>>
        %dma_wait3A_203 = arith.constant 0 : i32
        %dma_wait3A_204 = arith.constant 0 : i32
        %dma_wait3A_205 = tpu.memref_slice %arg4[%dma_wait3A_203, %dma_wait3A_204] : memref<64x1000000xf32, #tpu.memory_space<hbm>> -> memref<64x256xf32, #tpu.memory_space<hbm>>
        tpu.wait_dma2 semaphore(%arg20 : memref<!tpu.dma_semaphore, #tpu.memory_space<semaphore_mem>>) src(%dma_wait3A_205 : memref<64x256xf32, #tpu.memory_space<hbm>>) dst(%arg12 : memref<64x256xf32, #tpu.memory_space<vmem>>)
        %dma_wait3A_206 = arith.constant 0 : i32
        %dma_wait3A_207 = arith.constant 0 : i32
        %dma_wait3A_208 = tpu.memref_slice %arg5[%dma_wait3A_206, %dma_wait3A_207] : memref<64x1000000xf32, #tpu.memory_space<hbm>> -> memref<64x256xf32, #tpu.memory_space<hbm>>
        %dma_wait3A_209 = arith.constant 0 : i32
        %dma_wait3A_210 = arith.constant 0 : i32
        %dma_wait3A_211 = tpu.memref_slice %arg5[%dma_wait3A_209, %dma_wait3A_210] : memref<64x1000000xf32, #tpu.memory_space<hbm>> -> memref<64x256xf32, #tpu.memory_space<hbm>>
        tpu.wait_dma2 semaphore(%arg21 : memref<!tpu.dma_semaphore, #tpu.memory_space<semaphore_mem>>) src(%dma_wait3A_211 : memref<64x256xf32, #tpu.memory_space<hbm>>) dst(%arg13 : memref<64x256xf32, #tpu.memory_space<vmem>>)
        %iota3A_212 = tpu.iota {dimensions = array<i32: 0>} : vector<16xi32>
        %while3A_213 = arith.constant 0 : i32
        %while3A_214 = arith.subi %select_n3A_57, %while3A_213 : i32
        %while3A_215 = arith.addi %while3A_213, %while3A_214 : i32
        %while3A_216 = arith.constant 1 : i32
        %while3A_217 = arith.divsi %while3A_214, %while3A_216 : i32
        %while3A_218 = arith.muli %while3A_217, %while3A_216 : i32
        %while3A_219 = arith.addi %while3A_213, %while3A_218 : i32
        %while3A_220 = arith.constant 1 : i32
        %while3A_221 = scf.for %while3A_236 = %while3A_213 to %while3A_219 step %while3A_220 iter_args(%while3A_237 = %scan3A_187) -> (i32)  : i32 {
          %mul3A_238 = arith.constant 16 : i32
          %mul3A_239 = arith.muli %while3A_236, %mul3A_238 : i32
          %get3A = arith.index_cast %mul3A_239 : i32 to index
          %get3A_240 = tpu.vector_load %arg10[%get3A] {strides = array<i32>} : memref<1024xi32, #tpu.memory_space<vmem>>, vector<16xi32>,
          %shift_right_arithmetic3A = arith.constant 22 : i32
          %shift_right_arithmetic3A_241 = vector.broadcast %shift_right_arithmetic3A : i32 to vector<16xi32>
          %shift_right_arithmetic3A_242 = arith.shrsi %get3A_240, %shift_right_arithmetic3A_241 : vector<16xi32>
          %eq3A_243 = vector.broadcast %scan3A_186 : i32 to vector<16xi32>
          %eq3A_244 = arith.cmpi eq, %shift_right_arithmetic3A_242, %eq3A_243 : vector<16xi32>
          %while3A_245:2 = scf.while (%while3A_246 = %eq3A_244, %while3A_247 = %while3A_237) : (vector<16xi1>, i32) -> (vector<16xi1>, i32) {
            %all_reduce_population_count3A = tpu.all_reduce %while3A_246 {dim = 0 : i64, kind = #tpu.reduction_kind<sum>} : vector<16xi1> -> vector<16xi32>
            %slice3A = vector.extract_strided_slice %all_reduce_population_count3A {offsets = [0], sizes = [1], strides = [1]} : vector<16xi32> to vector<1xi32>
            %squeeze3A = vector.extract %slice3A[0] : i32 from vector<1xi32>
            %gt3A = arith.constant 0 : i32
            %gt3A_248 = arith.cmpi sgt, %squeeze3A, %gt3A : i32
            scf.condition(%gt3A_248) %while3A_246, %while3A_247 : vector<16xi1>, i32
          } do {
          ^bb0(%while3A_246: vector<16xi1>, %while3A_247: i32):
            %all_reduce_ffs3A = tpu.all_reduce %while3A_246 {dim = 0 : i64, kind = #tpu.reduction_kind<find_first_set>} : vector<16xi1> -> vector<16xi32>
            %slice3A = vector.extract_strided_slice %all_reduce_ffs3A {offsets = [0], sizes = [1], strides = [1]} : vector<16xi32> to vector<1xi32>
            %squeeze3A = vector.extract %slice3A[0] : i32 from vector<1xi32>
            %broadcast_in_dim3A_248 = arith.constant 0 : i32
            %broadcast_in_dim3A_249 = vector.broadcast %broadcast_in_dim3A_248 : i32 to vector<16xi32>
            %add3A_250 = vector.broadcast %squeeze3A : i32 to vector<16xi32>
            %add3A_251 = arith.addi %broadcast_in_dim3A_249, %add3A_250 : vector<16xi32>
            %reshape3A = vector.shape_cast %add3A_251 : vector<16xi32> to vector<16x1xi32>
            %gather3A = vector.shape_cast %reshape3A : vector<16x1xi32> to vector<16xi32>
            %gather3A_252 = tpu.dynamic_gather %get3A_240[%gather3A] in [0] : vector<16xi32>, vector<16xi32> -> vector<16xi32>
            %shift_right_arithmetic3A_253 = arith.constant 14 : i32
            %shift_right_arithmetic3A_254 = vector.broadcast %shift_right_arithmetic3A_253 : i32 to vector<16xi32>
            %shift_right_arithmetic3A_255 = arith.shrsi %gather3A_252, %shift_right_arithmetic3A_254 : vector<16xi32>
            %mul3A_256 = arith.constant 256 : i32
            %mul3A_257 = arith.muli %scan3A_186, %mul3A_256 : i32
            %sub3A_258 = vector.broadcast %mul3A_257 : i32 to vector<16xi32>
            %sub3A_259 = arith.subi %shift_right_arithmetic3A_255, %sub3A_258 : vector<16xi32>
            %slice3A_260 = vector.extract_strided_slice %gather3A_252 {offsets = [0], sizes = [1], strides = [1]} : vector<16xi32> to vector<1xi32>
            %squeeze3A_261 = vector.extract %slice3A_260[0] : i32 from vector<1xi32>
            %and3A_262 = arith.constant 16383 : i32
            %and3A_263 = arith.andi %squeeze3A_261, %and3A_262 : i32
            %and3A_264 = arith.constant 7 : i32
            %and3A_265 = arith.andi %while3A_247, %and3A_264 : i32
            %add3A_266 = arith.constant 0 : i32
            %add3A_267 = vector.broadcast %add3A_266 : i32 to vector<16xi32>
            %add3A_268 = arith.addi %add3A_267, %iota3A_212 : vector<16xi32>
            %gather3A_269 = tpu.vector_load_idx %arg12[%add3A_268, %sub3A_259] : memref<64x256xf32, #tpu.memory_space<vmem>>[vector<16xi32>, vector<16xi32>], vector<16xf32>,
            %swap3A = arith.index_cast %and3A_265 : i32 to index
            %swap3A_270 = arith.constant 0 : index
            %swap3A_271 = tpu.vector_load %arg18[%swap3A, %swap3A_270] {strides = array<i32>} : memref<8x64xf32, #tpu.memory_space<vmem>>, vector<16xf32>,
            tpu.vector_store %arg18[%swap3A, %swap3A_270], %gather3A_269 {strides = array<i32>} : memref<8x64xf32, #tpu.memory_space<vmem>>, vector<16xf32>,
            %add3A_272 = arith.constant 16 : i32
            %add3A_273 = vector.broadcast %add3A_272 : i32 to vector<16xi32>
            %add3A_274 = arith.addi %add3A_273, %iota3A_212 : vector<16xi32>
            %gather3A_275 = tpu.vector_load_idx %arg12[%add3A_274, %sub3A_259] : memref<64x256xf32, #tpu.memory_space<vmem>>[vector<16xi32>, vector<16xi32>], vector<16xf32>,
            %swap3A_276 = arith.index_cast %and3A_265 : i32 to index
            %swap3A_277 = arith.constant 16 : index
            %swap3A_278 = tpu.vector_load %arg18[%swap3A_276, %swap3A_277] {strides = array<i32>} : memref<8x64xf32, #tpu.memory_space<vmem>>, vector<16xf32>,
            tpu.vector_store %arg18[%swap3A_276, %swap3A_277], %gather3A_275 {strides = array<i32>} : memref<8x64xf32, #tpu.memory_space<vmem>>, vector<16xf32>,
            %add3A_279 = arith.constant 32 : i32
            %add3A_280 = vector.broadcast %add3A_279 : i32 to vector<16xi32>
            %add3A_281 = arith.addi %add3A_280, %iota3A_212 : vector<16xi32>
            %gather3A_282 = tpu.vector_load_idx %arg12[%add3A_281, %sub3A_259] : memref<64x256xf32, #tpu.memory_space<vmem>>[vector<16xi32>, vector<16xi32>], vector<16xf32>,
            %swap3A_283 = arith.index_cast %and3A_265 : i32 to index
            %swap3A_284 = arith.constant 32 : index
            %swap3A_285 = tpu.vector_load %arg18[%swap3A_283, %swap3A_284] {strides = array<i32>} : memref<8x64xf32, #tpu.memory_space<vmem>>, vector<16xf32>,
            tpu.vector_store %arg18[%swap3A_283, %swap3A_284], %gather3A_282 {strides = array<i32>} : memref<8x64xf32, #tpu.memory_space<vmem>>, vector<16xf32>,
            %add3A_286 = arith.constant 48 : i32
            %add3A_287 = vector.broadcast %add3A_286 : i32 to vector<16xi32>
            %add3A_288 = arith.addi %add3A_287, %iota3A_212 : vector<16xi32>
            %gather3A_289 = tpu.vector_load_idx %arg12[%add3A_288, %sub3A_259] : memref<64x256xf32, #tpu.memory_space<vmem>>[vector<16xi32>, vector<16xi32>], vector<16xf32>,
            %swap3A_290 = arith.index_cast %and3A_265 : i32 to index
            %swap3A_291 = arith.constant 48 : index
            %swap3A_292 = tpu.vector_load %arg18[%swap3A_290, %swap3A_291] {strides = array<i32>} : memref<8x64xf32, #tpu.memory_space<vmem>>, vector<16xf32>,
            tpu.vector_store %arg18[%swap3A_290, %swap3A_291], %gather3A_289 {strides = array<i32>} : memref<8x64xf32, #tpu.memory_space<vmem>>, vector<16xf32>,
            %ge3A = arith.constant 8 : i32
            %ge3A_293 = arith.cmpi sge, %while3A_247, %ge3A : i32
            %convert_element_type3A_294 = arith.extui %ge3A_293 : i1 to i32
            %cond3A_295 = arith.constant 0 : i32
            %cond3A_296 = arith.cmpi ne, %convert_element_type3A_294, %cond3A_295 : i32
            scf.if %cond3A_296 {
              %dma_wait3A_314 = arith.constant 0 : i32
              %dma_wait3A_315 = arith.constant 0 : i32
              %dma_wait3A_316 = arith.constant 0 : i32
              %dma_wait3A_317 = tpu.memref_slice %arg18[%dma_wait3A_314, %dma_wait3A_316] : memref<8x64xf32, #tpu.memory_space<vmem>> -> memref<1x64xf32, #tpu.memory_space<vmem>>
              %dma_wait3A_318 = tpu.memref_squeeze %dma_wait3A_317 : memref<1x64xf32, #tpu.memory_space<vmem>> -> memref<64xf32, #tpu.memory_space<vmem>>
              %dma_wait3A_319 = arith.constant 0 : i32
              %dma_wait3A_320 = tpu.memref_slice %arg6[%dma_wait3A_315, %dma_wait3A_319] : memref<16384x64xf32, #tpu.memory_space<hbm>> -> memref<1x64xf32, #tpu.memory_space<hbm>>
              %dma_wait3A_321 = tpu.memref_squeeze %dma_wait3A_320 : memref<1x64xf32, #tpu.memory_space<hbm>> -> memref<64xf32, #tpu.memory_space<hbm>>
              %dma_wait3A_322 = arith.constant 0 : i32
              %dma_wait3A_323 = tpu.memref_slice %arg6[%dma_wait3A_315, %dma_wait3A_322] : memref<16384x64xf32, #tpu.memory_space<hbm>> -> memref<1x64xf32, #tpu.memory_space<hbm>>
              %dma_wait3A_324 = tpu.memref_squeeze %dma_wait3A_323 : memref<1x64xf32, #tpu.memory_space<hbm>> -> memref<64xf32, #tpu.memory_space<hbm>>
              %dma_wait3A_325 = arith.constant 0 : i32
              %dma_wait3A_326 = tpu.memref_slice %arg18[%dma_wait3A_314, %dma_wait3A_325] : memref<8x64xf32, #tpu.memory_space<vmem>> -> memref<1x64xf32, #tpu.memory_space<vmem>>
              %dma_wait3A_327 = tpu.memref_squeeze %dma_wait3A_326 : memref<1x64xf32, #tpu.memory_space<vmem>> -> memref<64xf32, #tpu.memory_space<vmem>>
              tpu.wait_dma2 semaphore(%arg24 : memref<!tpu.dma_semaphore, #tpu.memory_space<semaphore_mem>>) src(%dma_wait3A_327 : memref<64xf32, #tpu.memory_space<vmem>>) dst(%dma_wait3A_324 : memref<64xf32, #tpu.memory_space<hbm>>)
            } else {
            }
            %dma_start3A_297 = arith.constant 0 : i32
            %dma_start3A_298 = tpu.memref_slice %arg18[%and3A_265, %dma_start3A_297] : memref<8x64xf32, #tpu.memory_space<vmem>> -> memref<1x64xf32, #tpu.memory_space<vmem>>
            %dma_start3A_299 = tpu.memref_squeeze %dma_start3A_298 : memref<1x64xf32, #tpu.memory_space<vmem>> -> memref<64xf32, #tpu.memory_space<vmem>>
            %dma_start3A_300 = arith.constant 0 : i32
            %dma_start3A_301 = tpu.memref_slice %arg6[%and3A_263, %dma_start3A_300] : memref<16384x64xf32, #tpu.memory_space<hbm>> -> memref<1x64xf32, #tpu.memory_space<hbm>>
            %dma_start3A_302 = tpu.memref_squeeze %dma_start3A_301 : memref<1x64xf32, #tpu.memory_space<hbm>> -> memref<64xf32, #tpu.memory_space<hbm>>
            %dma_start3A_303 = arith.constant 0 : i32
            %dma_start3A_304 = tpu.memref_slice %arg6[%and3A_263, %dma_start3A_303] : memref<16384x64xf32, #tpu.memory_space<hbm>> -> memref<1x64xf32, #tpu.memory_space<hbm>>
            %dma_start3A_305 = tpu.memref_squeeze %dma_start3A_304 : memref<1x64xf32, #tpu.memory_space<hbm>> -> memref<64xf32, #tpu.memory_space<hbm>>
            %dma_start3A_306 = arith.constant 0 : i32
            %dma_start3A_307 = tpu.memref_slice %arg18[%and3A_265, %dma_start3A_306] : memref<8x64xf32, #tpu.memory_space<vmem>> -> memref<1x64xf32, #tpu.memory_space<vmem>>
            %dma_start3A_308 = tpu.memref_squeeze %dma_start3A_307 : memref<1x64xf32, #tpu.memory_space<vmem>> -> memref<64xf32, #tpu.memory_space<vmem>>
            tpu.enqueue_dma source(%dma_start3A_308 : memref<64xf32, #tpu.memory_space<vmem>>) target(%dma_start3A_305 : memref<64xf32, #tpu.memory_space<hbm>>) target_semaphore(%arg24 : memref<!tpu.dma_semaphore, #tpu.memory_space<semaphore_mem>>)
            %ne3A_309 = vector.broadcast %squeeze3A : i32 to vector<16xi32>
            %ne3A_310 = arith.cmpi ne, %iota3A_212, %ne3A_309 : vector<16xi32>
            %and3A_311 = arith.andi %while3A_246, %ne3A_310 : vector<16xi1>
            %add3A_312 = arith.constant 1 : i32
            %add3A_313 = arith.addi %while3A_247, %add3A_312 : i32
            scf.yield %and3A_311, %add3A_313 : vector<16xi1>, i32
          }
          scf.yield %while3A_245#1 : i32
        }
        %while3A_222 = arith.constant 1 : i32
        %while3A_223 = scf.for %while3A_236 = %while3A_219 to %while3A_215 step %while3A_222 iter_args(%while3A_237 = %while3A_221) -> (i32)  : i32 {
          %mul3A_238 = arith.constant 16 : i32
          %mul3A_239 = arith.muli %while3A_236, %mul3A_238 : i32
          %get3A = arith.index_cast %mul3A_239 : i32 to index
          %get3A_240 = tpu.vector_load %arg10[%get3A] {strides = array<i32>} : memref<1024xi32, #tpu.memory_space<vmem>>, vector<16xi32>,
          %shift_right_arithmetic3A = arith.constant 22 : i32
          %shift_right_arithmetic3A_241 = vector.broadcast %shift_right_arithmetic3A : i32 to vector<16xi32>
          %shift_right_arithmetic3A_242 = arith.shrsi %get3A_240, %shift_right_arithmetic3A_241 : vector<16xi32>
          %eq3A_243 = vector.broadcast %scan3A_186 : i32 to vector<16xi32>
          %eq3A_244 = arith.cmpi eq, %shift_right_arithmetic3A_242, %eq3A_243 : vector<16xi32>
          %while3A_245:2 = scf.while (%while3A_246 = %eq3A_244, %while3A_247 = %while3A_237) : (vector<16xi1>, i32) -> (vector<16xi1>, i32) {
            %all_reduce_population_count3A = tpu.all_reduce %while3A_246 {dim = 0 : i64, kind = #tpu.reduction_kind<sum>} : vector<16xi1> -> vector<16xi32>
            %slice3A = vector.extract_strided_slice %all_reduce_population_count3A {offsets = [0], sizes = [1], strides = [1]} : vector<16xi32> to vector<1xi32>
            %squeeze3A = vector.extract %slice3A[0] : i32 from vector<1xi32>
            %gt3A = arith.constant 0 : i32
            %gt3A_248 = arith.cmpi sgt, %squeeze3A, %gt3A : i32
            scf.condition(%gt3A_248) %while3A_246, %while3A_247 : vector<16xi1>, i32
          } do {
          ^bb0(%while3A_246: vector<16xi1>, %while3A_247: i32):
            %all_reduce_ffs3A = tpu.all_reduce %while3A_246 {dim = 0 : i64, kind = #tpu.reduction_kind<find_first_set>} : vector<16xi1> -> vector<16xi32>
            %slice3A = vector.extract_strided_slice %all_reduce_ffs3A {offsets = [0], sizes = [1], strides = [1]} : vector<16xi32> to vector<1xi32>
            %squeeze3A = vector.extract %slice3A[0] : i32 from vector<1xi32>
            %broadcast_in_dim3A_248 = arith.constant 0 : i32
            %broadcast_in_dim3A_249 = vector.broadcast %broadcast_in_dim3A_248 : i32 to vector<16xi32>
            %add3A_250 = vector.broadcast %squeeze3A : i32 to vector<16xi32>
            %add3A_251 = arith.addi %broadcast_in_dim3A_249, %add3A_250 : vector<16xi32>
            %reshape3A = vector.shape_cast %add3A_251 : vector<16xi32> to vector<16x1xi32>
            %gather3A = vector.shape_cast %reshape3A : vector<16x1xi32> to vector<16xi32>
            %gather3A_252 = tpu.dynamic_gather %get3A_240[%gather3A] in [0] : vector<16xi32>, vector<16xi32> -> vector<16xi32>
            %shift_right_arithmetic3A_253 = arith.constant 14 : i32
            %shift_right_arithmetic3A_254 = vector.broadcast %shift_right_arithmetic3A_253 : i32 to vector<16xi32>
            %shift_right_arithmetic3A_255 = arith.shrsi %gather3A_252, %shift_right_arithmetic3A_254 : vector<16xi32>
            %mul3A_256 = arith.constant 256 : i32
            %mul3A_257 = arith.muli %scan3A_186, %mul3A_256 : i32
            %sub3A_258 = vector.broadcast %mul3A_257 : i32 to vector<16xi32>
            %sub3A_259 = arith.subi %shift_right_arithmetic3A_255, %sub3A_258 : vector<16xi32>
            %slice3A_260 = vector.extract_strided_slice %gather3A_252 {offsets = [0], sizes = [1], strides = [1]} : vector<16xi32> to vector<1xi32>
            %squeeze3A_261 = vector.extract %slice3A_260[0] : i32 from vector<1xi32>
            %and3A_262 = arith.constant 16383 : i32
            %and3A_263 = arith.andi %squeeze3A_261, %and3A_262 : i32
            %and3A_264 = arith.constant 7 : i32
            %and3A_265 = arith.andi %while3A_247, %and3A_264 : i32
            %add3A_266 = arith.constant 0 : i32
            %add3A_267 = vector.broadcast %add3A_266 : i32 to vector<16xi32>
            %add3A_268 = arith.addi %add3A_267, %iota3A_212 : vector<16xi32>
            %gather3A_269 = tpu.vector_load_idx %arg12[%add3A_268, %sub3A_259] : memref<64x256xf32, #tpu.memory_space<vmem>>[vector<16xi32>, vector<16xi32>], vector<16xf32>,
            %swap3A = arith.index_cast %and3A_265 : i32 to index
            %swap3A_270 = arith.constant 0 : index
            %swap3A_271 = tpu.vector_load %arg18[%swap3A, %swap3A_270] {strides = array<i32>} : memref<8x64xf32, #tpu.memory_space<vmem>>, vector<16xf32>,
            tpu.vector_store %arg18[%swap3A, %swap3A_270], %gather3A_269 {strides = array<i32>} : memref<8x64xf32, #tpu.memory_space<vmem>>, vector<16xf32>,
            %add3A_272 = arith.constant 16 : i32
            %add3A_273 = vector.broadcast %add3A_272 : i32 to vector<16xi32>
            %add3A_274 = arith.addi %add3A_273, %iota3A_212 : vector<16xi32>
            %gather3A_275 = tpu.vector_load_idx %arg12[%add3A_274, %sub3A_259] : memref<64x256xf32, #tpu.memory_space<vmem>>[vector<16xi32>, vector<16xi32>], vector<16xf32>,
            %swap3A_276 = arith.index_cast %and3A_265 : i32 to index
            %swap3A_277 = arith.constant 16 : index
            %swap3A_278 = tpu.vector_load %arg18[%swap3A_276, %swap3A_277] {strides = array<i32>} : memref<8x64xf32, #tpu.memory_space<vmem>>, vector<16xf32>,
            tpu.vector_store %arg18[%swap3A_276, %swap3A_277], %gather3A_275 {strides = array<i32>} : memref<8x64xf32, #tpu.memory_space<vmem>>, vector<16xf32>,
            %add3A_279 = arith.constant 32 : i32
            %add3A_280 = vector.broadcast %add3A_279 : i32 to vector<16xi32>
            %add3A_281 = arith.addi %add3A_280, %iota3A_212 : vector<16xi32>
            %gather3A_282 = tpu.vector_load_idx %arg12[%add3A_281, %sub3A_259] : memref<64x256xf32, #tpu.memory_space<vmem>>[vector<16xi32>, vector<16xi32>], vector<16xf32>,
            %swap3A_283 = arith.index_cast %and3A_265 : i32 to index
            %swap3A_284 = arith.constant 32 : index
            %swap3A_285 = tpu.vector_load %arg18[%swap3A_283, %swap3A_284] {strides = array<i32>} : memref<8x64xf32, #tpu.memory_space<vmem>>, vector<16xf32>,
            tpu.vector_store %arg18[%swap3A_283, %swap3A_284], %gather3A_282 {strides = array<i32>} : memref<8x64xf32, #tpu.memory_space<vmem>>, vector<16xf32>,
            %add3A_286 = arith.constant 48 : i32
            %add3A_287 = vector.broadcast %add3A_286 : i32 to vector<16xi32>
            %add3A_288 = arith.addi %add3A_287, %iota3A_212 : vector<16xi32>
            %gather3A_289 = tpu.vector_load_idx %arg12[%add3A_288, %sub3A_259] : memref<64x256xf32, #tpu.memory_space<vmem>>[vector<16xi32>, vector<16xi32>], vector<16xf32>,
            %swap3A_290 = arith.index_cast %and3A_265 : i32 to index
            %swap3A_291 = arith.constant 48 : index
            %swap3A_292 = tpu.vector_load %arg18[%swap3A_290, %swap3A_291] {strides = array<i32>} : memref<8x64xf32, #tpu.memory_space<vmem>>, vector<16xf32>,
            tpu.vector_store %arg18[%swap3A_290, %swap3A_291], %gather3A_289 {strides = array<i32>} : memref<8x64xf32, #tpu.memory_space<vmem>>, vector<16xf32>,
            %ge3A = arith.constant 8 : i32
            %ge3A_293 = arith.cmpi sge, %while3A_247, %ge3A : i32
            %convert_element_type3A_294 = arith.extui %ge3A_293 : i1 to i32
            %cond3A_295 = arith.constant 0 : i32
            %cond3A_296 = arith.cmpi ne, %convert_element_type3A_294, %cond3A_295 : i32
            scf.if %cond3A_296 {
              %dma_wait3A_314 = arith.constant 0 : i32
              %dma_wait3A_315 = arith.constant 0 : i32
              %dma_wait3A_316 = arith.constant 0 : i32
              %dma_wait3A_317 = tpu.memref_slice %arg18[%dma_wait3A_314, %dma_wait3A_316] : memref<8x64xf32, #tpu.memory_space<vmem>> -> memref<1x64xf32, #tpu.memory_space<vmem>>
              %dma_wait3A_318 = tpu.memref_squeeze %dma_wait3A_317 : memref<1x64xf32, #tpu.memory_space<vmem>> -> memref<64xf32, #tpu.memory_space<vmem>>
              %dma_wait3A_319 = arith.constant 0 : i32
              %dma_wait3A_320 = tpu.memref_slice %arg6[%dma_wait3A_315, %dma_wait3A_319] : memref<16384x64xf32, #tpu.memory_space<hbm>> -> memref<1x64xf32, #tpu.memory_space<hbm>>
              %dma_wait3A_321 = tpu.memref_squeeze %dma_wait3A_320 : memref<1x64xf32, #tpu.memory_space<hbm>> -> memref<64xf32, #tpu.memory_space<hbm>>
              %dma_wait3A_322 = arith.constant 0 : i32
              %dma_wait3A_323 = tpu.memref_slice %arg6[%dma_wait3A_315, %dma_wait3A_322] : memref<16384x64xf32, #tpu.memory_space<hbm>> -> memref<1x64xf32, #tpu.memory_space<hbm>>
              %dma_wait3A_324 = tpu.memref_squeeze %dma_wait3A_323 : memref<1x64xf32, #tpu.memory_space<hbm>> -> memref<64xf32, #tpu.memory_space<hbm>>
              %dma_wait3A_325 = arith.constant 0 : i32
              %dma_wait3A_326 = tpu.memref_slice %arg18[%dma_wait3A_314, %dma_wait3A_325] : memref<8x64xf32, #tpu.memory_space<vmem>> -> memref<1x64xf32, #tpu.memory_space<vmem>>
              %dma_wait3A_327 = tpu.memref_squeeze %dma_wait3A_326 : memref<1x64xf32, #tpu.memory_space<vmem>> -> memref<64xf32, #tpu.memory_space<vmem>>
              tpu.wait_dma2 semaphore(%arg24 : memref<!tpu.dma_semaphore, #tpu.memory_space<semaphore_mem>>) src(%dma_wait3A_327 : memref<64xf32, #tpu.memory_space<vmem>>) dst(%dma_wait3A_324 : memref<64xf32, #tpu.memory_space<hbm>>)
            } else {
            }
            %dma_start3A_297 = arith.constant 0 : i32
            %dma_start3A_298 = tpu.memref_slice %arg18[%and3A_265, %dma_start3A_297] : memref<8x64xf32, #tpu.memory_space<vmem>> -> memref<1x64xf32, #tpu.memory_space<vmem>>
            %dma_start3A_299 = tpu.memref_squeeze %dma_start3A_298 : memref<1x64xf32, #tpu.memory_space<vmem>> -> memref<64xf32, #tpu.memory_space<vmem>>
            %dma_start3A_300 = arith.constant 0 : i32
            %dma_start3A_301 = tpu.memref_slice %arg6[%and3A_263, %dma_start3A_300] : memref<16384x64xf32, #tpu.memory_space<hbm>> -> memref<1x64xf32, #tpu.memory_space<hbm>>
            %dma_start3A_302 = tpu.memref_squeeze %dma_start3A_301 : memref<1x64xf32, #tpu.memory_space<hbm>> -> memref<64xf32, #tpu.memory_space<hbm>>
            %dma_start3A_303 = arith.constant 0 : i32
            %dma_start3A_304 = tpu.memref_slice %arg6[%and3A_263, %dma_start3A_303] : memref<16384x64xf32, #tpu.memory_space<hbm>> -> memref<1x64xf32, #tpu.memory_space<hbm>>
            %dma_start3A_305 = tpu.memref_squeeze %dma_start3A_304 : memref<1x64xf32, #tpu.memory_space<hbm>> -> memref<64xf32, #tpu.memory_space<hbm>>
            %dma_start3A_306 = arith.constant 0 : i32
            %dma_start3A_307 = tpu.memref_slice %arg18[%and3A_265, %dma_start3A_306] : memref<8x64xf32, #tpu.memory_space<vmem>> -> memref<1x64xf32, #tpu.memory_space<vmem>>
            %dma_start3A_308 = tpu.memref_squeeze %dma_start3A_307 : memref<1x64xf32, #tpu.memory_space<vmem>> -> memref<64xf32, #tpu.memory_space<vmem>>
            tpu.enqueue_dma source(%dma_start3A_308 : memref<64xf32, #tpu.memory_space<vmem>>) target(%dma_start3A_305 : memref<64xf32, #tpu.memory_space<hbm>>) target_semaphore(%arg24 : memref<!tpu.dma_semaphore, #tpu.memory_space<semaphore_mem>>)
            %ne3A_309 = vector.broadcast %squeeze3A : i32 to vector<16xi32>
            %ne3A_310 = arith.cmpi ne, %iota3A_212, %ne3A_309 : vector<16xi32>
            %and3A_311 = arith.andi %while3A_246, %ne3A_310 : vector<16xi1>
            %add3A_312 = arith.constant 1 : i32
            %add3A_313 = arith.addi %while3A_247, %add3A_312 : i32
            scf.yield %and3A_311, %add3A_313 : vector<16xi1>, i32
          }
          scf.yield %while3A_245#1 : i32
        }
        %iota3A_224 = tpu.iota {dimensions = array<i32: 0>} : vector<16xi32>
        %while3A_225 = arith.constant 0 : i32
        %while3A_226 = arith.subi %select_n3A_85, %while3A_225 : i32
        %while3A_227 = arith.addi %while3A_225, %while3A_226 : i32
        %while3A_228 = arith.constant 1 : i32
        %while3A_229 = arith.divsi %while3A_226, %while3A_228 : i32
        %while3A_230 = arith.muli %while3A_229, %while3A_228 : i32
        %while3A_231 = arith.addi %while3A_225, %while3A_230 : i32
        %while3A_232 = arith.constant 1 : i32
        %while3A_233 = scf.for %while3A_236 = %while3A_225 to %while3A_231 step %while3A_232 iter_args(%while3A_237 = %scan3A_188) -> (i32)  : i32 {
          %mul3A_238 = arith.constant 16 : i32
          %mul3A_239 = arith.muli %while3A_236, %mul3A_238 : i32
          %get3A = arith.index_cast %mul3A_239 : i32 to index
          %get3A_240 = tpu.vector_load %arg11[%get3A] {strides = array<i32>} : memref<1024xi32, #tpu.memory_space<vmem>>, vector<16xi32>,
          %shift_right_arithmetic3A = arith.constant 22 : i32
          %shift_right_arithmetic3A_241 = vector.broadcast %shift_right_arithmetic3A : i32 to vector<16xi32>
          %shift_right_arithmetic3A_242 = arith.shrsi %get3A_240, %shift_right_arithmetic3A_241 : vector<16xi32>
          %eq3A_243 = vector.broadcast %scan3A_186 : i32 to vector<16xi32>
          %eq3A_244 = arith.cmpi eq, %shift_right_arithmetic3A_242, %eq3A_243 : vector<16xi32>
          %while3A_245:2 = scf.while (%while3A_246 = %eq3A_244, %while3A_247 = %while3A_237) : (vector<16xi1>, i32) -> (vector<16xi1>, i32) {
            %all_reduce_population_count3A = tpu.all_reduce %while3A_246 {dim = 0 : i64, kind = #tpu.reduction_kind<sum>} : vector<16xi1> -> vector<16xi32>
            %slice3A = vector.extract_strided_slice %all_reduce_population_count3A {offsets = [0], sizes = [1], strides = [1]} : vector<16xi32> to vector<1xi32>
            %squeeze3A = vector.extract %slice3A[0] : i32 from vector<1xi32>
            %gt3A = arith.constant 0 : i32
            %gt3A_248 = arith.cmpi sgt, %squeeze3A, %gt3A : i32
            scf.condition(%gt3A_248) %while3A_246, %while3A_247 : vector<16xi1>, i32
          } do {
          ^bb0(%while3A_246: vector<16xi1>, %while3A_247: i32):
            %all_reduce_ffs3A = tpu.all_reduce %while3A_246 {dim = 0 : i64, kind = #tpu.reduction_kind<find_first_set>} : vector<16xi1> -> vector<16xi32>
            %slice3A = vector.extract_strided_slice %all_reduce_ffs3A {offsets = [0], sizes = [1], strides = [1]} : vector<16xi32> to vector<1xi32>
            %squeeze3A = vector.extract %slice3A[0] : i32 from vector<1xi32>
            %broadcast_in_dim3A_248 = arith.constant 0 : i32
            %broadcast_in_dim3A_249 = vector.broadcast %broadcast_in_dim3A_248 : i32 to vector<16xi32>
            %add3A_250 = vector.broadcast %squeeze3A : i32 to vector<16xi32>
            %add3A_251 = arith.addi %broadcast_in_dim3A_249, %add3A_250 : vector<16xi32>
            %reshape3A = vector.shape_cast %add3A_251 : vector<16xi32> to vector<16x1xi32>
            %gather3A = vector.shape_cast %reshape3A : vector<16x1xi32> to vector<16xi32>
            %gather3A_252 = tpu.dynamic_gather %get3A_240[%gather3A] in [0] : vector<16xi32>, vector<16xi32> -> vector<16xi32>
            %shift_right_arithmetic3A_253 = arith.constant 14 : i32
            %shift_right_arithmetic3A_254 = vector.broadcast %shift_right_arithmetic3A_253 : i32 to vector<16xi32>
            %shift_right_arithmetic3A_255 = arith.shrsi %gather3A_252, %shift_right_arithmetic3A_254 : vector<16xi32>
            %mul3A_256 = arith.constant 256 : i32
            %mul3A_257 = arith.muli %scan3A_186, %mul3A_256 : i32
            %sub3A_258 = vector.broadcast %mul3A_257 : i32 to vector<16xi32>
            %sub3A_259 = arith.subi %shift_right_arithmetic3A_255, %sub3A_258 : vector<16xi32>
            %slice3A_260 = vector.extract_strided_slice %gather3A_252 {offsets = [0], sizes = [1], strides = [1]} : vector<16xi32> to vector<1xi32>
            %squeeze3A_261 = vector.extract %slice3A_260[0] : i32 from vector<1xi32>
            %and3A_262 = arith.constant 16383 : i32
            %and3A_263 = arith.andi %squeeze3A_261, %and3A_262 : i32
            %and3A_264 = arith.constant 7 : i32
            %and3A_265 = arith.andi %while3A_247, %and3A_264 : i32
            %add3A_266 = arith.constant 0 : i32
            %add3A_267 = vector.broadcast %add3A_266 : i32 to vector<16xi32>
            %add3A_268 = arith.addi %add3A_267, %iota3A_224 : vector<16xi32>
            %gather3A_269 = tpu.vector_load_idx %arg13[%add3A_268, %sub3A_259] : memref<64x256xf32, #tpu.memory_space<vmem>>[vector<16xi32>, vector<16xi32>], vector<16xf32>,
            %swap3A = arith.index_cast %and3A_265 : i32 to index
            %swap3A_270 = arith.constant 0 : index
            %swap3A_271 = tpu.vector_load %arg19[%swap3A, %swap3A_270] {strides = array<i32>} : memref<8x64xf32, #tpu.memory_space<vmem>>, vector<16xf32>,
            tpu.vector_store %arg19[%swap3A, %swap3A_270], %gather3A_269 {strides = array<i32>} : memref<8x64xf32, #tpu.memory_space<vmem>>, vector<16xf32>,
            %add3A_272 = arith.constant 16 : i32
            %add3A_273 = vector.broadcast %add3A_272 : i32 to vector<16xi32>
            %add3A_274 = arith.addi %add3A_273, %iota3A_224 : vector<16xi32>
            %gather3A_275 = tpu.vector_load_idx %arg13[%add3A_274, %sub3A_259] : memref<64x256xf32, #tpu.memory_space<vmem>>[vector<16xi32>, vector<16xi32>], vector<16xf32>,
            %swap3A_276 = arith.index_cast %and3A_265 : i32 to index
            %swap3A_277 = arith.constant 16 : index
            %swap3A_278 = tpu.vector_load %arg19[%swap3A_276, %swap3A_277] {strides = array<i32>} : memref<8x64xf32, #tpu.memory_space<vmem>>, vector<16xf32>,
            tpu.vector_store %arg19[%swap3A_276, %swap3A_277], %gather3A_275 {strides = array<i32>} : memref<8x64xf32, #tpu.memory_space<vmem>>, vector<16xf32>,
            %add3A_279 = arith.constant 32 : i32
            %add3A_280 = vector.broadcast %add3A_279 : i32 to vector<16xi32>
            %add3A_281 = arith.addi %add3A_280, %iota3A_224 : vector<16xi32>
            %gather3A_282 = tpu.vector_load_idx %arg13[%add3A_281, %sub3A_259] : memref<64x256xf32, #tpu.memory_space<vmem>>[vector<16xi32>, vector<16xi32>], vector<16xf32>,
            %swap3A_283 = arith.index_cast %and3A_265 : i32 to index
            %swap3A_284 = arith.constant 32 : index
            %swap3A_285 = tpu.vector_load %arg19[%swap3A_283, %swap3A_284] {strides = array<i32>} : memref<8x64xf32, #tpu.memory_space<vmem>>, vector<16xf32>,
            tpu.vector_store %arg19[%swap3A_283, %swap3A_284], %gather3A_282 {strides = array<i32>} : memref<8x64xf32, #tpu.memory_space<vmem>>, vector<16xf32>,
            %add3A_286 = arith.constant 48 : i32
            %add3A_287 = vector.broadcast %add3A_286 : i32 to vector<16xi32>
            %add3A_288 = arith.addi %add3A_287, %iota3A_224 : vector<16xi32>
            %gather3A_289 = tpu.vector_load_idx %arg13[%add3A_288, %sub3A_259] : memref<64x256xf32, #tpu.memory_space<vmem>>[vector<16xi32>, vector<16xi32>], vector<16xf32>,
            %swap3A_290 = arith.index_cast %and3A_265 : i32 to index
            %swap3A_291 = arith.constant 48 : index
            %swap3A_292 = tpu.vector_load %arg19[%swap3A_290, %swap3A_291] {strides = array<i32>} : memref<8x64xf32, #tpu.memory_space<vmem>>, vector<16xf32>,
            tpu.vector_store %arg19[%swap3A_290, %swap3A_291], %gather3A_289 {strides = array<i32>} : memref<8x64xf32, #tpu.memory_space<vmem>>, vector<16xf32>,
            %ge3A = arith.constant 8 : i32
            %ge3A_293 = arith.cmpi sge, %while3A_247, %ge3A : i32
            %convert_element_type3A_294 = arith.extui %ge3A_293 : i1 to i32
            %cond3A_295 = arith.constant 0 : i32
            %cond3A_296 = arith.cmpi ne, %convert_element_type3A_294, %cond3A_295 : i32
            scf.if %cond3A_296 {
              %dma_wait3A_314 = arith.constant 0 : i32
              %dma_wait3A_315 = arith.constant 0 : i32
              %dma_wait3A_316 = arith.constant 0 : i32
              %dma_wait3A_317 = tpu.memref_slice %arg19[%dma_wait3A_314, %dma_wait3A_316] : memref<8x64xf32, #tpu.memory_space<vmem>> -> memref<1x64xf32, #tpu.memory_space<vmem>>
              %dma_wait3A_318 = tpu.memref_squeeze %dma_wait3A_317 : memref<1x64xf32, #tpu.memory_space<vmem>> -> memref<64xf32, #tpu.memory_space<vmem>>
              %dma_wait3A_319 = arith.constant 0 : i32
              %dma_wait3A_320 = tpu.memref_slice %arg7[%dma_wait3A_315, %dma_wait3A_319] : memref<16384x64xf32, #tpu.memory_space<hbm>> -> memref<1x64xf32, #tpu.memory_space<hbm>>
              %dma_wait3A_321 = tpu.memref_squeeze %dma_wait3A_320 : memref<1x64xf32, #tpu.memory_space<hbm>> -> memref<64xf32, #tpu.memory_space<hbm>>
              %dma_wait3A_322 = arith.constant 0 : i32
              %dma_wait3A_323 = tpu.memref_slice %arg7[%dma_wait3A_315, %dma_wait3A_322] : memref<16384x64xf32, #tpu.memory_space<hbm>> -> memref<1x64xf32, #tpu.memory_space<hbm>>
              %dma_wait3A_324 = tpu.memref_squeeze %dma_wait3A_323 : memref<1x64xf32, #tpu.memory_space<hbm>> -> memref<64xf32, #tpu.memory_space<hbm>>
              %dma_wait3A_325 = arith.constant 0 : i32
              %dma_wait3A_326 = tpu.memref_slice %arg19[%dma_wait3A_314, %dma_wait3A_325] : memref<8x64xf32, #tpu.memory_space<vmem>> -> memref<1x64xf32, #tpu.memory_space<vmem>>
              %dma_wait3A_327 = tpu.memref_squeeze %dma_wait3A_326 : memref<1x64xf32, #tpu.memory_space<vmem>> -> memref<64xf32, #tpu.memory_space<vmem>>
              tpu.wait_dma2 semaphore(%arg25 : memref<!tpu.dma_semaphore, #tpu.memory_space<semaphore_mem>>) src(%dma_wait3A_327 : memref<64xf32, #tpu.memory_space<vmem>>) dst(%dma_wait3A_324 : memref<64xf32, #tpu.memory_space<hbm>>)
            } else {
            }
            %dma_start3A_297 = arith.constant 0 : i32
            %dma_start3A_298 = tpu.memref_slice %arg19[%and3A_265, %dma_start3A_297] : memref<8x64xf32, #tpu.memory_space<vmem>> -> memref<1x64xf32, #tpu.memory_space<vmem>>
            %dma_start3A_299 = tpu.memref_squeeze %dma_start3A_298 : memref<1x64xf32, #tpu.memory_space<vmem>> -> memref<64xf32, #tpu.memory_space<vmem>>
            %dma_start3A_300 = arith.constant 0 : i32
            %dma_start3A_301 = tpu.memref_slice %arg7[%and3A_263, %dma_start3A_300] : memref<16384x64xf32, #tpu.memory_space<hbm>> -> memref<1x64xf32, #tpu.memory_space<hbm>>
            %dma_start3A_302 = tpu.memref_squeeze %dma_start3A_301 : memref<1x64xf32, #tpu.memory_space<hbm>> -> memref<64xf32, #tpu.memory_space<hbm>>
            %dma_start3A_303 = arith.constant 0 : i32
            %dma_start3A_304 = tpu.memref_slice %arg7[%and3A_263, %dma_start3A_303] : memref<16384x64xf32, #tpu.memory_space<hbm>> -> memref<1x64xf32, #tpu.memory_space<hbm>>
            %dma_start3A_305 = tpu.memref_squeeze %dma_start3A_304 : memref<1x64xf32, #tpu.memory_space<hbm>> -> memref<64xf32, #tpu.memory_space<hbm>>
            %dma_start3A_306 = arith.constant 0 : i32
            %dma_start3A_307 = tpu.memref_slice %arg19[%and3A_265, %dma_start3A_306] : memref<8x64xf32, #tpu.memory_space<vmem>> -> memref<1x64xf32, #tpu.memory_space<vmem>>
            %dma_start3A_308 = tpu.memref_squeeze %dma_start3A_307 : memref<1x64xf32, #tpu.memory_space<vmem>> -> memref<64xf32, #tpu.memory_space<vmem>>
            tpu.enqueue_dma source(%dma_start3A_308 : memref<64xf32, #tpu.memory_space<vmem>>) target(%dma_start3A_305 : memref<64xf32, #tpu.memory_space<hbm>>) target_semaphore(%arg25 : memref<!tpu.dma_semaphore, #tpu.memory_space<semaphore_mem>>)
            %ne3A_309 = vector.broadcast %squeeze3A : i32 to vector<16xi32>
            %ne3A_310 = arith.cmpi ne, %iota3A_224, %ne3A_309 : vector<16xi32>
            %and3A_311 = arith.andi %while3A_246, %ne3A_310 : vector<16xi1>
            %add3A_312 = arith.constant 1 : i32
            %add3A_313 = arith.addi %while3A_247, %add3A_312 : i32
            scf.yield %and3A_311, %add3A_313 : vector<16xi1>, i32
          }
          scf.yield %while3A_245#1 : i32
        }
        %while3A_234 = arith.constant 1 : i32
        %while3A_235 = scf.for %while3A_236 = %while3A_231 to %while3A_227 step %while3A_234 iter_args(%while3A_237 = %while3A_233) -> (i32)  : i32 {
          %mul3A_238 = arith.constant 16 : i32
          %mul3A_239 = arith.muli %while3A_236, %mul3A_238 : i32
          %get3A = arith.index_cast %mul3A_239 : i32 to index
          %get3A_240 = tpu.vector_load %arg11[%get3A] {strides = array<i32>} : memref<1024xi32, #tpu.memory_space<vmem>>, vector<16xi32>,
          %shift_right_arithmetic3A = arith.constant 22 : i32
          %shift_right_arithmetic3A_241 = vector.broadcast %shift_right_arithmetic3A : i32 to vector<16xi32>
          %shift_right_arithmetic3A_242 = arith.shrsi %get3A_240, %shift_right_arithmetic3A_241 : vector<16xi32>
          %eq3A_243 = vector.broadcast %scan3A_186 : i32 to vector<16xi32>
          %eq3A_244 = arith.cmpi eq, %shift_right_arithmetic3A_242, %eq3A_243 : vector<16xi32>
          %while3A_245:2 = scf.while (%while3A_246 = %eq3A_244, %while3A_247 = %while3A_237) : (vector<16xi1>, i32) -> (vector<16xi1>, i32) {
            %all_reduce_population_count3A = tpu.all_reduce %while3A_246 {dim = 0 : i64, kind = #tpu.reduction_kind<sum>} : vector<16xi1> -> vector<16xi32>
            %slice3A = vector.extract_strided_slice %all_reduce_population_count3A {offsets = [0], sizes = [1], strides = [1]} : vector<16xi32> to vector<1xi32>
            %squeeze3A = vector.extract %slice3A[0] : i32 from vector<1xi32>
            %gt3A = arith.constant 0 : i32
            %gt3A_248 = arith.cmpi sgt, %squeeze3A, %gt3A : i32
            scf.condition(%gt3A_248) %while3A_246, %while3A_247 : vector<16xi1>, i32
          } do {
          ^bb0(%while3A_246: vector<16xi1>, %while3A_247: i32):
            %all_reduce_ffs3A = tpu.all_reduce %while3A_246 {dim = 0 : i64, kind = #tpu.reduction_kind<find_first_set>} : vector<16xi1> -> vector<16xi32>
            %slice3A = vector.extract_strided_slice %all_reduce_ffs3A {offsets = [0], sizes = [1], strides = [1]} : vector<16xi32> to vector<1xi32>
            %squeeze3A = vector.extract %slice3A[0] : i32 from vector<1xi32>
            %broadcast_in_dim3A_248 = arith.constant 0 : i32
            %broadcast_in_dim3A_249 = vector.broadcast %broadcast_in_dim3A_248 : i32 to vector<16xi32>
            %add3A_250 = vector.broadcast %squeeze3A : i32 to vector<16xi32>
            %add3A_251 = arith.addi %broadcast_in_dim3A_249, %add3A_250 : vector<16xi32>
            %reshape3A = vector.shape_cast %add3A_251 : vector<16xi32> to vector<16x1xi32>
            %gather3A = vector.shape_cast %reshape3A : vector<16x1xi32> to vector<16xi32>
            %gather3A_252 = tpu.dynamic_gather %get3A_240[%gather3A] in [0] : vector<16xi32>, vector<16xi32> -> vector<16xi32>
            %shift_right_arithmetic3A_253 = arith.constant 14 : i32
            %shift_right_arithmetic3A_254 = vector.broadcast %shift_right_arithmetic3A_253 : i32 to vector<16xi32>
            %shift_right_arithmetic3A_255 = arith.shrsi %gather3A_252, %shift_right_arithmetic3A_254 : vector<16xi32>
            %mul3A_256 = arith.constant 256 : i32
            %mul3A_257 = arith.muli %scan3A_186, %mul3A_256 : i32
            %sub3A_258 = vector.broadcast %mul3A_257 : i32 to vector<16xi32>
            %sub3A_259 = arith.subi %shift_right_arithmetic3A_255, %sub3A_258 : vector<16xi32>
            %slice3A_260 = vector.extract_strided_slice %gather3A_252 {offsets = [0], sizes = [1], strides = [1]} : vector<16xi32> to vector<1xi32>
            %squeeze3A_261 = vector.extract %slice3A_260[0] : i32 from vector<1xi32>
            %and3A_262 = arith.constant 16383 : i32
            %and3A_263 = arith.andi %squeeze3A_261, %and3A_262 : i32
            %and3A_264 = arith.constant 7 : i32
            %and3A_265 = arith.andi %while3A_247, %and3A_264 : i32
            %add3A_266 = arith.constant 0 : i32
            %add3A_267 = vector.broadcast %add3A_266 : i32 to vector<16xi32>
            %add3A_268 = arith.addi %add3A_267, %iota3A_224 : vector<16xi32>
            %gather3A_269 = tpu.vector_load_idx %arg13[%add3A_268, %sub3A_259] : memref<64x256xf32, #tpu.memory_space<vmem>>[vector<16xi32>, vector<16xi32>], vector<16xf32>,
            %swap3A = arith.index_cast %and3A_265 : i32 to index
            %swap3A_270 = arith.constant 0 : index
            %swap3A_271 = tpu.vector_load %arg19[%swap3A, %swap3A_270] {strides = array<i32>} : memref<8x64xf32, #tpu.memory_space<vmem>>, vector<16xf32>,
            tpu.vector_store %arg19[%swap3A, %swap3A_270], %gather3A_269 {strides = array<i32>} : memref<8x64xf32, #tpu.memory_space<vmem>>, vector<16xf32>,
            %add3A_272 = arith.constant 16 : i32
            %add3A_273 = vector.broadcast %add3A_272 : i32 to vector<16xi32>
            %add3A_274 = arith.addi %add3A_273, %iota3A_224 : vector<16xi32>
            %gather3A_275 = tpu.vector_load_idx %arg13[%add3A_274, %sub3A_259] : memref<64x256xf32, #tpu.memory_space<vmem>>[vector<16xi32>, vector<16xi32>], vector<16xf32>,
            %swap3A_276 = arith.index_cast %and3A_265 : i32 to index
            %swap3A_277 = arith.constant 16 : index
            %swap3A_278 = tpu.vector_load %arg19[%swap3A_276, %swap3A_277] {strides = array<i32>} : memref<8x64xf32, #tpu.memory_space<vmem>>, vector<16xf32>,
            tpu.vector_store %arg19[%swap3A_276, %swap3A_277], %gather3A_275 {strides = array<i32>} : memref<8x64xf32, #tpu.memory_space<vmem>>, vector<16xf32>,
            %add3A_279 = arith.constant 32 : i32
            %add3A_280 = vector.broadcast %add3A_279 : i32 to vector<16xi32>
            %add3A_281 = arith.addi %add3A_280, %iota3A_224 : vector<16xi32>
            %gather3A_282 = tpu.vector_load_idx %arg13[%add3A_281, %sub3A_259] : memref<64x256xf32, #tpu.memory_space<vmem>>[vector<16xi32>, vector<16xi32>], vector<16xf32>,
            %swap3A_283 = arith.index_cast %and3A_265 : i32 to index
            %swap3A_284 = arith.constant 32 : index
            %swap3A_285 = tpu.vector_load %arg19[%swap3A_283, %swap3A_284] {strides = array<i32>} : memref<8x64xf32, #tpu.memory_space<vmem>>, vector<16xf32>,
            tpu.vector_store %arg19[%swap3A_283, %swap3A_284], %gather3A_282 {strides = array<i32>} : memref<8x64xf32, #tpu.memory_space<vmem>>, vector<16xf32>,
            %add3A_286 = arith.constant 48 : i32
            %add3A_287 = vector.broadcast %add3A_286 : i32 to vector<16xi32>
            %add3A_288 = arith.addi %add3A_287, %iota3A_224 : vector<16xi32>
            %gather3A_289 = tpu.vector_load_idx %arg13[%add3A_288, %sub3A_259] : memref<64x256xf32, #tpu.memory_space<vmem>>[vector<16xi32>, vector<16xi32>], vector<16xf32>,
            %swap3A_290 = arith.index_cast %and3A_265 : i32 to index
            %swap3A_291 = arith.constant 48 : index
            %swap3A_292 = tpu.vector_load %arg19[%swap3A_290, %swap3A_291] {strides = array<i32>} : memref<8x64xf32, #tpu.memory_space<vmem>>, vector<16xf32>,
            tpu.vector_store %arg19[%swap3A_290, %swap3A_291], %gather3A_289 {strides = array<i32>} : memref<8x64xf32, #tpu.memory_space<vmem>>, vector<16xf32>,
            %ge3A = arith.constant 8 : i32
            %ge3A_293 = arith.cmpi sge, %while3A_247, %ge3A : i32
            %convert_element_type3A_294 = arith.extui %ge3A_293 : i1 to i32
            %cond3A_295 = arith.constant 0 : i32
            %cond3A_296 = arith.cmpi ne, %convert_element_type3A_294, %cond3A_295 : i32
            scf.if %cond3A_296 {
              %dma_wait3A_314 = arith.constant 0 : i32
              %dma_wait3A_315 = arith.constant 0 : i32
              %dma_wait3A_316 = arith.constant 0 : i32
              %dma_wait3A_317 = tpu.memref_slice %arg19[%dma_wait3A_314, %dma_wait3A_316] : memref<8x64xf32, #tpu.memory_space<vmem>> -> memref<1x64xf32, #tpu.memory_space<vmem>>
              %dma_wait3A_318 = tpu.memref_squeeze %dma_wait3A_317 : memref<1x64xf32, #tpu.memory_space<vmem>> -> memref<64xf32, #tpu.memory_space<vmem>>
              %dma_wait3A_319 = arith.constant 0 : i32
              %dma_wait3A_320 = tpu.memref_slice %arg7[%dma_wait3A_315, %dma_wait3A_319] : memref<16384x64xf32, #tpu.memory_space<hbm>> -> memref<1x64xf32, #tpu.memory_space<hbm>>
              %dma_wait3A_321 = tpu.memref_squeeze %dma_wait3A_320 : memref<1x64xf32, #tpu.memory_space<hbm>> -> memref<64xf32, #tpu.memory_space<hbm>>
              %dma_wait3A_322 = arith.constant 0 : i32
              %dma_wait3A_323 = tpu.memref_slice %arg7[%dma_wait3A_315, %dma_wait3A_322] : memref<16384x64xf32, #tpu.memory_space<hbm>> -> memref<1x64xf32, #tpu.memory_space<hbm>>
              %dma_wait3A_324 = tpu.memref_squeeze %dma_wait3A_323 : memref<1x64xf32, #tpu.memory_space<hbm>> -> memref<64xf32, #tpu.memory_space<hbm>>
              %dma_wait3A_325 = arith.constant 0 : i32
              %dma_wait3A_326 = tpu.memref_slice %arg19[%dma_wait3A_314, %dma_wait3A_325] : memref<8x64xf32, #tpu.memory_space<vmem>> -> memref<1x64xf32, #tpu.memory_space<vmem>>
              %dma_wait3A_327 = tpu.memref_squeeze %dma_wait3A_326 : memref<1x64xf32, #tpu.memory_space<vmem>> -> memref<64xf32, #tpu.memory_space<vmem>>
              tpu.wait_dma2 semaphore(%arg25 : memref<!tpu.dma_semaphore, #tpu.memory_space<semaphore_mem>>) src(%dma_wait3A_327 : memref<64xf32, #tpu.memory_space<vmem>>) dst(%dma_wait3A_324 : memref<64xf32, #tpu.memory_space<hbm>>)
            } else {
            }
            %dma_start3A_297 = arith.constant 0 : i32
            %dma_start3A_298 = tpu.memref_slice %arg19[%and3A_265, %dma_start3A_297] : memref<8x64xf32, #tpu.memory_space<vmem>> -> memref<1x64xf32, #tpu.memory_space<vmem>>
            %dma_start3A_299 = tpu.memref_squeeze %dma_start3A_298 : memref<1x64xf32, #tpu.memory_space<vmem>> -> memref<64xf32, #tpu.memory_space<vmem>>
            %dma_start3A_300 = arith.constant 0 : i32
            %dma_start3A_301 = tpu.memref_slice %arg7[%and3A_263, %dma_start3A_300] : memref<16384x64xf32, #tpu.memory_space<hbm>> -> memref<1x64xf32, #tpu.memory_space<hbm>>
            %dma_start3A_302 = tpu.memref_squeeze %dma_start3A_301 : memref<1x64xf32, #tpu.memory_space<hbm>> -> memref<64xf32, #tpu.memory_space<hbm>>
            %dma_start3A_303 = arith.constant 0 : i32
            %dma_start3A_304 = tpu.memref_slice %arg7[%and3A_263, %dma_start3A_303] : memref<16384x64xf32, #tpu.memory_space<hbm>> -> memref<1x64xf32, #tpu.memory_space<hbm>>
            %dma_start3A_305 = tpu.memref_squeeze %dma_start3A_304 : memref<1x64xf32, #tpu.memory_space<hbm>> -> memref<64xf32, #tpu.memory_space<hbm>>
            %dma_start3A_306 = arith.constant 0 : i32
            %dma_start3A_307 = tpu.memref_slice %arg19[%and3A_265, %dma_start3A_306] : memref<8x64xf32, #tpu.memory_space<vmem>> -> memref<1x64xf32, #tpu.memory_space<vmem>>
            %dma_start3A_308 = tpu.memref_squeeze %dma_start3A_307 : memref<1x64xf32, #tpu.memory_space<vmem>> -> memref<64xf32, #tpu.memory_space<vmem>>
            tpu.enqueue_dma source(%dma_start3A_308 : memref<64xf32, #tpu.memory_space<vmem>>) target(%dma_start3A_305 : memref<64xf32, #tpu.memory_space<hbm>>) target_semaphore(%arg25 : memref<!tpu.dma_semaphore, #tpu.memory_space<semaphore_mem>>)
            %ne3A_309 = vector.broadcast %squeeze3A : i32 to vector<16xi32>
            %ne3A_310 = arith.cmpi ne, %iota3A_224, %ne3A_309 : vector<16xi32>
            %and3A_311 = arith.andi %while3A_246, %ne3A_310 : vector<16xi1>
            %add3A_312 = arith.constant 1 : i32
            %add3A_313 = arith.addi %while3A_247, %add3A_312 : i32
            scf.yield %and3A_311, %add3A_313 : vector<16xi1>, i32
          }
          scf.yield %while3A_245#1 : i32
        }
        scf.yield %while3A_223, %while3A_235 : i32, i32
      }
      %scan3A_116 = arith.constant 2 : i32
      %dma_start3A_117 = arith.constant 0 : i32
      %dma_start3A_118 = arith.constant 999936 : i32
      %dma_start3A_119 = tpu.memref_slice %arg4[%dma_start3A_117, %dma_start3A_118] : memref<64x1000000xf32, #tpu.memory_space<hbm>> -> memref<64x64xf32, #tpu.memory_space<hbm>>
      %dma_start3A_120 = arith.constant 0 : i32
      %dma_start3A_121 = arith.constant 999936 : i32
      %dma_start3A_122 = tpu.memref_slice %arg4[%dma_start3A_120, %dma_start3A_121] : memref<64x1000000xf32, #tpu.memory_space<hbm>> -> memref<64x64xf32, #tpu.memory_space<hbm>>
      tpu.enqueue_dma source(%dma_start3A_122 : memref<64x64xf32, #tpu.memory_space<hbm>>) target(%arg16 : memref<64x64xf32, #tpu.memory_space<vmem>>) target_semaphore(%arg20 : memref<!tpu.dma_semaphore, #tpu.memory_space<semaphore_mem>>)
      %dma_start3A_123 = arith.constant 0 : i32
      %dma_start3A_124 = arith.constant 999936 : i32
      %dma_start3A_125 = tpu.memref_slice %arg5[%dma_start3A_123, %dma_start3A_124] : memref<64x1000000xf32, #tpu.memory_space<hbm>> -> memref<64x64xf32, #tpu.memory_space<hbm>>
      %dma_start3A_126 = arith.constant 0 : i32
      %dma_start3A_127 = arith.constant 999936 : i32
      %dma_start3A_128 = tpu.memref_slice %arg5[%dma_start3A_126, %dma_start3A_127] : memref<64x1000000xf32, #tpu.memory_space<hbm>> -> memref<64x64xf32, #tpu.memory_space<hbm>>
      tpu.enqueue_dma source(%dma_start3A_128 : memref<64x64xf32, #tpu.memory_space<hbm>>) target(%arg17 : memref<64x64xf32, #tpu.memory_space<vmem>>) target_semaphore(%arg21 : memref<!tpu.dma_semaphore, #tpu.memory_space<semaphore_mem>>)
      %dma_wait3A = arith.constant 0 : i32
      %dma_wait3A_129 = arith.constant 999936 : i32
      %dma_wait3A_130 = tpu.memref_slice %arg4[%dma_wait3A, %dma_wait3A_129] : memref<64x1000000xf32, #tpu.memory_space<hbm>> -> memref<64x64xf32, #tpu.memory_space<hbm>>
      %dma_wait3A_131 = arith.constant 0 : i32
      %dma_wait3A_132 = arith.constant 999936 : i32
      %dma_wait3A_133 = tpu.memref_slice %arg4[%dma_wait3A_131, %dma_wait3A_132] : memref<64x1000000xf32, #tpu.memory_space<hbm>> -> memref<64x64xf32, #tpu.memory_space<hbm>>
      tpu.wait_dma2 semaphore(%arg20 : memref<!tpu.dma_semaphore, #tpu.memory_space<semaphore_mem>>) src(%dma_wait3A_133 : memref<64x64xf32, #tpu.memory_space<hbm>>) dst(%arg16 : memref<64x64xf32, #tpu.memory_space<vmem>>)
      %dma_wait3A_134 = arith.constant 0 : i32
      %dma_wait3A_135 = arith.constant 999936 : i32
      %dma_wait3A_136 = tpu.memref_slice %arg5[%dma_wait3A_134, %dma_wait3A_135] : memref<64x1000000xf32, #tpu.memory_space<hbm>> -> memref<64x64xf32, #tpu.memory_space<hbm>>
      %dma_wait3A_137 = arith.constant 0 : i32
      %dma_wait3A_138 = arith.constant 999936 : i32
      %dma_wait3A_139 = tpu.memref_slice %arg5[%dma_wait3A_137, %dma_wait3A_138] : memref<64x1000000xf32, #tpu.memory_space<hbm>> -> memref<64x64xf32, #tpu.memory_space<hbm>>
      tpu.wait_dma2 semaphore(%arg21 : memref<!tpu.dma_semaphore, #tpu.memory_space<semaphore_mem>>) src(%dma_wait3A_139 : memref<64x64xf32, #tpu.memory_space<hbm>>) dst(%arg17 : memref<64x64xf32, #tpu.memory_space<vmem>>)
      %iota3A_140 = tpu.iota {dimensions = array<i32: 0>} : vector<16xi32>
      %while3A = arith.constant 0 : i32
      %while3A_141 = arith.subi %select_n3A_57, %while3A : i32
      %while3A_142 = arith.addi %while3A, %while3A_141 : i32
      %while3A_143 = arith.constant 1 : i32
      %while3A_144 = arith.divsi %while3A_141, %while3A_143 : i32
      %while3A_145 = arith.muli %while3A_144, %while3A_143 : i32
      %while3A_146 = arith.addi %while3A, %while3A_145 : i32
      %while3A_147 = arith.constant 1 : i32
      %while3A_148 = scf.for %while3A_186 = %while3A to %while3A_146 step %while3A_147 iter_args(%while3A_187 = %scan3A_115#0) -> (i32)  : i32 {
        %mul3A_188 = arith.constant 16 : i32
        %mul3A_189 = arith.muli %while3A_186, %mul3A_188 : i32
        %get3A = arith.index_cast %mul3A_189 : i32 to index
        %get3A_190 = tpu.vector_load %arg10[%get3A] {strides = array<i32>} : memref<1024xi32, #tpu.memory_space<vmem>>, vector<16xi32>,
        %shift_right_arithmetic3A = arith.constant 22 : i32
        %shift_right_arithmetic3A_191 = vector.broadcast %shift_right_arithmetic3A : i32 to vector<16xi32>
        %shift_right_arithmetic3A_192 = arith.shrsi %get3A_190, %shift_right_arithmetic3A_191 : vector<16xi32>
        %eq3A_193 = arith.constant 124 : i32
        %eq3A_194 = vector.broadcast %eq3A_193 : i32 to vector<16xi32>
        %eq3A_195 = arith.cmpi eq, %shift_right_arithmetic3A_192, %eq3A_194 : vector<16xi32>
        %while3A_196:2 = scf.while (%while3A_197 = %eq3A_195, %while3A_198 = %while3A_187) : (vector<16xi1>, i32) -> (vector<16xi1>, i32) {
          %all_reduce_population_count3A = tpu.all_reduce %while3A_197 {dim = 0 : i64, kind = #tpu.reduction_kind<sum>} : vector<16xi1> -> vector<16xi32>
          %slice3A = vector.extract_strided_slice %all_reduce_population_count3A {offsets = [0], sizes = [1], strides = [1]} : vector<16xi32> to vector<1xi32>
          %squeeze3A = vector.extract %slice3A[0] : i32 from vector<1xi32>
          %gt3A = arith.constant 0 : i32
          %gt3A_199 = arith.cmpi sgt, %squeeze3A, %gt3A : i32
          scf.condition(%gt3A_199) %while3A_197, %while3A_198 : vector<16xi1>, i32
        } do {
        ^bb0(%while3A_197: vector<16xi1>, %while3A_198: i32):
          %all_reduce_ffs3A = tpu.all_reduce %while3A_197 {dim = 0 : i64, kind = #tpu.reduction_kind<find_first_set>} : vector<16xi1> -> vector<16xi32>
          %slice3A = vector.extract_strided_slice %all_reduce_ffs3A {offsets = [0], sizes = [1], strides = [1]} : vector<16xi32> to vector<1xi32>
          %squeeze3A = vector.extract %slice3A[0] : i32 from vector<1xi32>
          %broadcast_in_dim3A_199 = arith.constant 0 : i32
          %broadcast_in_dim3A_200 = vector.broadcast %broadcast_in_dim3A_199 : i32 to vector<16xi32>
          %add3A_201 = vector.broadcast %squeeze3A : i32 to vector<16xi32>
          %add3A_202 = arith.addi %broadcast_in_dim3A_200, %add3A_201 : vector<16xi32>
          %reshape3A = vector.shape_cast %add3A_202 : vector<16xi32> to vector<16x1xi32>
          %gather3A = vector.shape_cast %reshape3A : vector<16x1xi32> to vector<16xi32>
          %gather3A_203 = tpu.dynamic_gather %get3A_190[%gather3A] in [0] : vector<16xi32>, vector<16xi32> -> vector<16xi32>
          %shift_right_arithmetic3A_204 = arith.constant 14 : i32
          %shift_right_arithmetic3A_205 = vector.broadcast %shift_right_arithmetic3A_204 : i32 to vector<16xi32>
          %shift_right_arithmetic3A_206 = arith.shrsi %gather3A_203, %shift_right_arithmetic3A_205 : vector<16xi32>
          %sub3A_207 = arith.constant 31744 : i32
          %sub3A_208 = vector.broadcast %sub3A_207 : i32 to vector<16xi32>
          %sub3A_209 = arith.subi %shift_right_arithmetic3A_206, %sub3A_208 : vector<16xi32>
          %slice3A_210 = vector.extract_strided_slice %gather3A_203 {offsets = [0], sizes = [1], strides = [1]} : vector<16xi32> to vector<1xi32>
          %squeeze3A_211 = vector.extract %slice3A_210[0] : i32 from vector<1xi32>
          %and3A_212 = arith.constant 16383 : i32
          %and3A_213 = arith.andi %squeeze3A_211, %and3A_212 : i32
          %and3A_214 = arith.constant 7 : i32
          %and3A_215 = arith.andi %while3A_198, %and3A_214 : i32
          %add3A_216 = arith.constant 0 : i32
          %add3A_217 = vector.broadcast %add3A_216 : i32 to vector<16xi32>
          %add3A_218 = arith.addi %add3A_217, %iota3A_140 : vector<16xi32>
          %gather3A_219 = tpu.vector_load_idx %arg16[%add3A_218, %sub3A_209] : memref<64x64xf32, #tpu.memory_space<vmem>>[vector<16xi32>, vector<16xi32>], vector<16xf32>,
          %swap3A = arith.index_cast %and3A_215 : i32 to index
          %swap3A_220 = arith.constant 0 : index
          %swap3A_221 = tpu.vector_load %arg18[%swap3A, %swap3A_220] {strides = array<i32>} : memref<8x64xf32, #tpu.memory_space<vmem>>, vector<16xf32>,
          tpu.vector_store %arg18[%swap3A, %swap3A_220], %gather3A_219 {strides = array<i32>} : memref<8x64xf32, #tpu.memory_space<vmem>>, vector<16xf32>,
          %add3A_222 = arith.constant 16 : i32
          %add3A_223 = vector.broadcast %add3A_222 : i32 to vector<16xi32>
          %add3A_224 = arith.addi %add3A_223, %iota3A_140 : vector<16xi32>
          %gather3A_225 = tpu.vector_load_idx %arg16[%add3A_224, %sub3A_209] : memref<64x64xf32, #tpu.memory_space<vmem>>[vector<16xi32>, vector<16xi32>], vector<16xf32>,
          %swap3A_226 = arith.index_cast %and3A_215 : i32 to index
          %swap3A_227 = arith.constant 16 : index
          %swap3A_228 = tpu.vector_load %arg18[%swap3A_226, %swap3A_227] {strides = array<i32>} : memref<8x64xf32, #tpu.memory_space<vmem>>, vector<16xf32>,
          tpu.vector_store %arg18[%swap3A_226, %swap3A_227], %gather3A_225 {strides = array<i32>} : memref<8x64xf32, #tpu.memory_space<vmem>>, vector<16xf32>,
          %add3A_229 = arith.constant 32 : i32
          %add3A_230 = vector.broadcast %add3A_229 : i32 to vector<16xi32>
          %add3A_231 = arith.addi %add3A_230, %iota3A_140 : vector<16xi32>
          %gather3A_232 = tpu.vector_load_idx %arg16[%add3A_231, %sub3A_209] : memref<64x64xf32, #tpu.memory_space<vmem>>[vector<16xi32>, vector<16xi32>], vector<16xf32>,
          %swap3A_233 = arith.index_cast %and3A_215 : i32 to index
          %swap3A_234 = arith.constant 32 : index
          %swap3A_235 = tpu.vector_load %arg18[%swap3A_233, %swap3A_234] {strides = array<i32>} : memref<8x64xf32, #tpu.memory_space<vmem>>, vector<16xf32>,
          tpu.vector_store %arg18[%swap3A_233, %swap3A_234], %gather3A_232 {strides = array<i32>} : memref<8x64xf32, #tpu.memory_space<vmem>>, vector<16xf32>,
          %add3A_236 = arith.constant 48 : i32
          %add3A_237 = vector.broadcast %add3A_236 : i32 to vector<16xi32>
          %add3A_238 = arith.addi %add3A_237, %iota3A_140 : vector<16xi32>
          %gather3A_239 = tpu.vector_load_idx %arg16[%add3A_238, %sub3A_209] : memref<64x64xf32, #tpu.memory_space<vmem>>[vector<16xi32>, vector<16xi32>], vector<16xf32>,
          %swap3A_240 = arith.index_cast %and3A_215 : i32 to index
          %swap3A_241 = arith.constant 48 : index
          %swap3A_242 = tpu.vector_load %arg18[%swap3A_240, %swap3A_241] {strides = array<i32>} : memref<8x64xf32, #tpu.memory_space<vmem>>, vector<16xf32>,
          tpu.vector_store %arg18[%swap3A_240, %swap3A_241], %gather3A_239 {strides = array<i32>} : memref<8x64xf32, #tpu.memory_space<vmem>>, vector<16xf32>,
          %ge3A = arith.constant 8 : i32
          %ge3A_243 = arith.cmpi sge, %while3A_198, %ge3A : i32
          %convert_element_type3A_244 = arith.extui %ge3A_243 : i1 to i32
          %cond3A_245 = arith.constant 0 : i32
          %cond3A_246 = arith.cmpi ne, %convert_element_type3A_244, %cond3A_245 : i32
          scf.if %cond3A_246 {
            %dma_wait3A_264 = arith.constant 0 : i32
            %dma_wait3A_265 = arith.constant 0 : i32
            %dma_wait3A_266 = arith.constant 0 : i32
            %dma_wait3A_267 = tpu.memref_slice %arg18[%dma_wait3A_264, %dma_wait3A_266] : memref<8x64xf32, #tpu.memory_space<vmem>> -> memref<1x64xf32, #tpu.memory_space<vmem>>
            %dma_wait3A_268 = tpu.memref_squeeze %dma_wait3A_267 : memref<1x64xf32, #tpu.memory_space<vmem>> -> memref<64xf32, #tpu.memory_space<vmem>>
            %dma_wait3A_269 = arith.constant 0 : i32
            %dma_wait3A_270 = tpu.memref_slice %arg6[%dma_wait3A_265, %dma_wait3A_269] : memref<16384x64xf32, #tpu.memory_space<hbm>> -> memref<1x64xf32, #tpu.memory_space<hbm>>
            %dma_wait3A_271 = tpu.memref_squeeze %dma_wait3A_270 : memref<1x64xf32, #tpu.memory_space<hbm>> -> memref<64xf32, #tpu.memory_space<hbm>>
            %dma_wait3A_272 = arith.constant 0 : i32
            %dma_wait3A_273 = tpu.memref_slice %arg6[%dma_wait3A_265, %dma_wait3A_272] : memref<16384x64xf32, #tpu.memory_space<hbm>> -> memref<1x64xf32, #tpu.memory_space<hbm>>
            %dma_wait3A_274 = tpu.memref_squeeze %dma_wait3A_273 : memref<1x64xf32, #tpu.memory_space<hbm>> -> memref<64xf32, #tpu.memory_space<hbm>>
            %dma_wait3A_275 = arith.constant 0 : i32
            %dma_wait3A_276 = tpu.memref_slice %arg18[%dma_wait3A_264, %dma_wait3A_275] : memref<8x64xf32, #tpu.memory_space<vmem>> -> memref<1x64xf32, #tpu.memory_space<vmem>>
            %dma_wait3A_277 = tpu.memref_squeeze %dma_wait3A_276 : memref<1x64xf32, #tpu.memory_space<vmem>> -> memref<64xf32, #tpu.memory_space<vmem>>
            tpu.wait_dma2 semaphore(%arg24 : memref<!tpu.dma_semaphore, #tpu.memory_space<semaphore_mem>>) src(%dma_wait3A_277 : memref<64xf32, #tpu.memory_space<vmem>>) dst(%dma_wait3A_274 : memref<64xf32, #tpu.memory_space<hbm>>)
          } else {
          }
          %dma_start3A_247 = arith.constant 0 : i32
          %dma_start3A_248 = tpu.memref_slice %arg18[%and3A_215, %dma_start3A_247] : memref<8x64xf32, #tpu.memory_space<vmem>> -> memref<1x64xf32, #tpu.memory_space<vmem>>
          %dma_start3A_249 = tpu.memref_squeeze %dma_start3A_248 : memref<1x64xf32, #tpu.memory_space<vmem>> -> memref<64xf32, #tpu.memory_space<vmem>>
          %dma_start3A_250 = arith.constant 0 : i32
          %dma_start3A_251 = tpu.memref_slice %arg6[%and3A_213, %dma_start3A_250] : memref<16384x64xf32, #tpu.memory_space<hbm>> -> memref<1x64xf32, #tpu.memory_space<hbm>>
          %dma_start3A_252 = tpu.memref_squeeze %dma_start3A_251 : memref<1x64xf32, #tpu.memory_space<hbm>> -> memref<64xf32, #tpu.memory_space<hbm>>
          %dma_start3A_253 = arith.constant 0 : i32
          %dma_start3A_254 = tpu.memref_slice %arg6[%and3A_213, %dma_start3A_253] : memref<16384x64xf32, #tpu.memory_space<hbm>> -> memref<1x64xf32, #tpu.memory_space<hbm>>
          %dma_start3A_255 = tpu.memref_squeeze %dma_start3A_254 : memref<1x64xf32, #tpu.memory_space<hbm>> -> memref<64xf32, #tpu.memory_space<hbm>>
          %dma_start3A_256 = arith.constant 0 : i32
          %dma_start3A_257 = tpu.memref_slice %arg18[%and3A_215, %dma_start3A_256] : memref<8x64xf32, #tpu.memory_space<vmem>> -> memref<1x64xf32, #tpu.memory_space<vmem>>
          %dma_start3A_258 = tpu.memref_squeeze %dma_start3A_257 : memref<1x64xf32, #tpu.memory_space<vmem>> -> memref<64xf32, #tpu.memory_space<vmem>>
          tpu.enqueue_dma source(%dma_start3A_258 : memref<64xf32, #tpu.memory_space<vmem>>) target(%dma_start3A_255 : memref<64xf32, #tpu.memory_space<hbm>>) target_semaphore(%arg24 : memref<!tpu.dma_semaphore, #tpu.memory_space<semaphore_mem>>)
          %ne3A_259 = vector.broadcast %squeeze3A : i32 to vector<16xi32>
          %ne3A_260 = arith.cmpi ne, %iota3A_140, %ne3A_259 : vector<16xi32>
          %and3A_261 = arith.andi %while3A_197, %ne3A_260 : vector<16xi1>
          %add3A_262 = arith.constant 1 : i32
          %add3A_263 = arith.addi %while3A_198, %add3A_262 : i32
          scf.yield %and3A_261, %add3A_263 : vector<16xi1>, i32
        }
        scf.yield %while3A_196#1 : i32
      }
      %while3A_149 = arith.constant 1 : i32
      %while3A_150 = scf.for %while3A_186 = %while3A_146 to %while3A_142 step %while3A_149 iter_args(%while3A_187 = %while3A_148) -> (i32)  : i32 {
        %mul3A_188 = arith.constant 16 : i32
        %mul3A_189 = arith.muli %while3A_186, %mul3A_188 : i32
        %get3A = arith.index_cast %mul3A_189 : i32 to index
        %get3A_190 = tpu.vector_load %arg10[%get3A] {strides = array<i32>} : memref<1024xi32, #tpu.memory_space<vmem>>, vector<16xi32>,
        %shift_right_arithmetic3A = arith.constant 22 : i32
        %shift_right_arithmetic3A_191 = vector.broadcast %shift_right_arithmetic3A : i32 to vector<16xi32>
        %shift_right_arithmetic3A_192 = arith.shrsi %get3A_190, %shift_right_arithmetic3A_191 : vector<16xi32>
        %eq3A_193 = arith.constant 124 : i32
        %eq3A_194 = vector.broadcast %eq3A_193 : i32 to vector<16xi32>
        %eq3A_195 = arith.cmpi eq, %shift_right_arithmetic3A_192, %eq3A_194 : vector<16xi32>
        %while3A_196:2 = scf.while (%while3A_197 = %eq3A_195, %while3A_198 = %while3A_187) : (vector<16xi1>, i32) -> (vector<16xi1>, i32) {
          %all_reduce_population_count3A = tpu.all_reduce %while3A_197 {dim = 0 : i64, kind = #tpu.reduction_kind<sum>} : vector<16xi1> -> vector<16xi32>
          %slice3A = vector.extract_strided_slice %all_reduce_population_count3A {offsets = [0], sizes = [1], strides = [1]} : vector<16xi32> to vector<1xi32>
          %squeeze3A = vector.extract %slice3A[0] : i32 from vector<1xi32>
          %gt3A = arith.constant 0 : i32
          %gt3A_199 = arith.cmpi sgt, %squeeze3A, %gt3A : i32
          scf.condition(%gt3A_199) %while3A_197, %while3A_198 : vector<16xi1>, i32
        } do {
        ^bb0(%while3A_197: vector<16xi1>, %while3A_198: i32):
          %all_reduce_ffs3A = tpu.all_reduce %while3A_197 {dim = 0 : i64, kind = #tpu.reduction_kind<find_first_set>} : vector<16xi1> -> vector<16xi32>
          %slice3A = vector.extract_strided_slice %all_reduce_ffs3A {offsets = [0], sizes = [1], strides = [1]} : vector<16xi32> to vector<1xi32>
          %squeeze3A = vector.extract %slice3A[0] : i32 from vector<1xi32>
          %broadcast_in_dim3A_199 = arith.constant 0 : i32
          %broadcast_in_dim3A_200 = vector.broadcast %broadcast_in_dim3A_199 : i32 to vector<16xi32>
          %add3A_201 = vector.broadcast %squeeze3A : i32 to vector<16xi32>
          %add3A_202 = arith.addi %broadcast_in_dim3A_200, %add3A_201 : vector<16xi32>
          %reshape3A = vector.shape_cast %add3A_202 : vector<16xi32> to vector<16x1xi32>
          %gather3A = vector.shape_cast %reshape3A : vector<16x1xi32> to vector<16xi32>
          %gather3A_203 = tpu.dynamic_gather %get3A_190[%gather3A] in [0] : vector<16xi32>, vector<16xi32> -> vector<16xi32>
          %shift_right_arithmetic3A_204 = arith.constant 14 : i32
          %shift_right_arithmetic3A_205 = vector.broadcast %shift_right_arithmetic3A_204 : i32 to vector<16xi32>
          %shift_right_arithmetic3A_206 = arith.shrsi %gather3A_203, %shift_right_arithmetic3A_205 : vector<16xi32>
          %sub3A_207 = arith.constant 31744 : i32
          %sub3A_208 = vector.broadcast %sub3A_207 : i32 to vector<16xi32>
          %sub3A_209 = arith.subi %shift_right_arithmetic3A_206, %sub3A_208 : vector<16xi32>
          %slice3A_210 = vector.extract_strided_slice %gather3A_203 {offsets = [0], sizes = [1], strides = [1]} : vector<16xi32> to vector<1xi32>
          %squeeze3A_211 = vector.extract %slice3A_210[0] : i32 from vector<1xi32>
          %and3A_212 = arith.constant 16383 : i32
          %and3A_213 = arith.andi %squeeze3A_211, %and3A_212 : i32
          %and3A_214 = arith.constant 7 : i32
          %and3A_215 = arith.andi %while3A_198, %and3A_214 : i32
          %add3A_216 = arith.constant 0 : i32
          %add3A_217 = vector.broadcast %add3A_216 : i32 to vector<16xi32>
          %add3A_218 = arith.addi %add3A_217, %iota3A_140 : vector<16xi32>
          %gather3A_219 = tpu.vector_load_idx %arg16[%add3A_218, %sub3A_209] : memref<64x64xf32, #tpu.memory_space<vmem>>[vector<16xi32>, vector<16xi32>], vector<16xf32>,
          %swap3A = arith.index_cast %and3A_215 : i32 to index
          %swap3A_220 = arith.constant 0 : index
          %swap3A_221 = tpu.vector_load %arg18[%swap3A, %swap3A_220] {strides = array<i32>} : memref<8x64xf32, #tpu.memory_space<vmem>>, vector<16xf32>,
          tpu.vector_store %arg18[%swap3A, %swap3A_220], %gather3A_219 {strides = array<i32>} : memref<8x64xf32, #tpu.memory_space<vmem>>, vector<16xf32>,
          %add3A_222 = arith.constant 16 : i32
          %add3A_223 = vector.broadcast %add3A_222 : i32 to vector<16xi32>
          %add3A_224 = arith.addi %add3A_223, %iota3A_140 : vector<16xi32>
          %gather3A_225 = tpu.vector_load_idx %arg16[%add3A_224, %sub3A_209] : memref<64x64xf32, #tpu.memory_space<vmem>>[vector<16xi32>, vector<16xi32>], vector<16xf32>,
          %swap3A_226 = arith.index_cast %and3A_215 : i32 to index
          %swap3A_227 = arith.constant 16 : index
          %swap3A_228 = tpu.vector_load %arg18[%swap3A_226, %swap3A_227] {strides = array<i32>} : memref<8x64xf32, #tpu.memory_space<vmem>>, vector<16xf32>,
          tpu.vector_store %arg18[%swap3A_226, %swap3A_227], %gather3A_225 {strides = array<i32>} : memref<8x64xf32, #tpu.memory_space<vmem>>, vector<16xf32>,
          %add3A_229 = arith.constant 32 : i32
          %add3A_230 = vector.broadcast %add3A_229 : i32 to vector<16xi32>
          %add3A_231 = arith.addi %add3A_230, %iota3A_140 : vector<16xi32>
          %gather3A_232 = tpu.vector_load_idx %arg16[%add3A_231, %sub3A_209] : memref<64x64xf32, #tpu.memory_space<vmem>>[vector<16xi32>, vector<16xi32>], vector<16xf32>,
          %swap3A_233 = arith.index_cast %and3A_215 : i32 to index
          %swap3A_234 = arith.constant 32 : index
          %swap3A_235 = tpu.vector_load %arg18[%swap3A_233, %swap3A_234] {strides = array<i32>} : memref<8x64xf32, #tpu.memory_space<vmem>>, vector<16xf32>,
          tpu.vector_store %arg18[%swap3A_233, %swap3A_234], %gather3A_232 {strides = array<i32>} : memref<8x64xf32, #tpu.memory_space<vmem>>, vector<16xf32>,
          %add3A_236 = arith.constant 48 : i32
          %add3A_237 = vector.broadcast %add3A_236 : i32 to vector<16xi32>
          %add3A_238 = arith.addi %add3A_237, %iota3A_140 : vector<16xi32>
          %gather3A_239 = tpu.vector_load_idx %arg16[%add3A_238, %sub3A_209] : memref<64x64xf32, #tpu.memory_space<vmem>>[vector<16xi32>, vector<16xi32>], vector<16xf32>,
          %swap3A_240 = arith.index_cast %and3A_215 : i32 to index
          %swap3A_241 = arith.constant 48 : index
          %swap3A_242 = tpu.vector_load %arg18[%swap3A_240, %swap3A_241] {strides = array<i32>} : memref<8x64xf32, #tpu.memory_space<vmem>>, vector<16xf32>,
          tpu.vector_store %arg18[%swap3A_240, %swap3A_241], %gather3A_239 {strides = array<i32>} : memref<8x64xf32, #tpu.memory_space<vmem>>, vector<16xf32>,
          %ge3A = arith.constant 8 : i32
          %ge3A_243 = arith.cmpi sge, %while3A_198, %ge3A : i32
          %convert_element_type3A_244 = arith.extui %ge3A_243 : i1 to i32
          %cond3A_245 = arith.constant 0 : i32
          %cond3A_246 = arith.cmpi ne, %convert_element_type3A_244, %cond3A_245 : i32
          scf.if %cond3A_246 {
            %dma_wait3A_264 = arith.constant 0 : i32
            %dma_wait3A_265 = arith.constant 0 : i32
            %dma_wait3A_266 = arith.constant 0 : i32
            %dma_wait3A_267 = tpu.memref_slice %arg18[%dma_wait3A_264, %dma_wait3A_266] : memref<8x64xf32, #tpu.memory_space<vmem>> -> memref<1x64xf32, #tpu.memory_space<vmem>>
            %dma_wait3A_268 = tpu.memref_squeeze %dma_wait3A_267 : memref<1x64xf32, #tpu.memory_space<vmem>> -> memref<64xf32, #tpu.memory_space<vmem>>
            %dma_wait3A_269 = arith.constant 0 : i32
            %dma_wait3A_270 = tpu.memref_slice %arg6[%dma_wait3A_265, %dma_wait3A_269] : memref<16384x64xf32, #tpu.memory_space<hbm>> -> memref<1x64xf32, #tpu.memory_space<hbm>>
            %dma_wait3A_271 = tpu.memref_squeeze %dma_wait3A_270 : memref<1x64xf32, #tpu.memory_space<hbm>> -> memref<64xf32, #tpu.memory_space<hbm>>
            %dma_wait3A_272 = arith.constant 0 : i32
            %dma_wait3A_273 = tpu.memref_slice %arg6[%dma_wait3A_265, %dma_wait3A_272] : memref<16384x64xf32, #tpu.memory_space<hbm>> -> memref<1x64xf32, #tpu.memory_space<hbm>>
            %dma_wait3A_274 = tpu.memref_squeeze %dma_wait3A_273 : memref<1x64xf32, #tpu.memory_space<hbm>> -> memref<64xf32, #tpu.memory_space<hbm>>
            %dma_wait3A_275 = arith.constant 0 : i32
            %dma_wait3A_276 = tpu.memref_slice %arg18[%dma_wait3A_264, %dma_wait3A_275] : memref<8x64xf32, #tpu.memory_space<vmem>> -> memref<1x64xf32, #tpu.memory_space<vmem>>
            %dma_wait3A_277 = tpu.memref_squeeze %dma_wait3A_276 : memref<1x64xf32, #tpu.memory_space<vmem>> -> memref<64xf32, #tpu.memory_space<vmem>>
            tpu.wait_dma2 semaphore(%arg24 : memref<!tpu.dma_semaphore, #tpu.memory_space<semaphore_mem>>) src(%dma_wait3A_277 : memref<64xf32, #tpu.memory_space<vmem>>) dst(%dma_wait3A_274 : memref<64xf32, #tpu.memory_space<hbm>>)
          } else {
          }
          %dma_start3A_247 = arith.constant 0 : i32
          %dma_start3A_248 = tpu.memref_slice %arg18[%and3A_215, %dma_start3A_247] : memref<8x64xf32, #tpu.memory_space<vmem>> -> memref<1x64xf32, #tpu.memory_space<vmem>>
          %dma_start3A_249 = tpu.memref_squeeze %dma_start3A_248 : memref<1x64xf32, #tpu.memory_space<vmem>> -> memref<64xf32, #tpu.memory_space<vmem>>
          %dma_start3A_250 = arith.constant 0 : i32
          %dma_start3A_251 = tpu.memref_slice %arg6[%and3A_213, %dma_start3A_250] : memref<16384x64xf32, #tpu.memory_space<hbm>> -> memref<1x64xf32, #tpu.memory_space<hbm>>
          %dma_start3A_252 = tpu.memref_squeeze %dma_start3A_251 : memref<1x64xf32, #tpu.memory_space<hbm>> -> memref<64xf32, #tpu.memory_space<hbm>>
          %dma_start3A_253 = arith.constant 0 : i32
          %dma_start3A_254 = tpu.memref_slice %arg6[%and3A_213, %dma_start3A_253] : memref<16384x64xf32, #tpu.memory_space<hbm>> -> memref<1x64xf32, #tpu.memory_space<hbm>>
          %dma_start3A_255 = tpu.memref_squeeze %dma_start3A_254 : memref<1x64xf32, #tpu.memory_space<hbm>> -> memref<64xf32, #tpu.memory_space<hbm>>
          %dma_start3A_256 = arith.constant 0 : i32
          %dma_start3A_257 = tpu.memref_slice %arg18[%and3A_215, %dma_start3A_256] : memref<8x64xf32, #tpu.memory_space<vmem>> -> memref<1x64xf32, #tpu.memory_space<vmem>>
          %dma_start3A_258 = tpu.memref_squeeze %dma_start3A_257 : memref<1x64xf32, #tpu.memory_space<vmem>> -> memref<64xf32, #tpu.memory_space<vmem>>
          tpu.enqueue_dma source(%dma_start3A_258 : memref<64xf32, #tpu.memory_space<vmem>>) target(%dma_start3A_255 : memref<64xf32, #tpu.memory_space<hbm>>) target_semaphore(%arg24 : memref<!tpu.dma_semaphore, #tpu.memory_space<semaphore_mem>>)
          %ne3A_259 = vector.broadcast %squeeze3A : i32 to vector<16xi32>
          %ne3A_260 = arith.cmpi ne, %iota3A_140, %ne3A_259 : vector<16xi32>
          %and3A_261 = arith.andi %while3A_197, %ne3A_260 : vector<16xi1>
          %add3A_262 = arith.constant 1 : i32
          %add3A_263 = arith.addi %while3A_198, %add3A_262 : i32
          scf.yield %and3A_261, %add3A_263 : vector<16xi1>, i32
        }
        scf.yield %while3A_196#1 : i32
      }
      %iota3A_151 = tpu.iota {dimensions = array<i32: 0>} : vector<16xi32>
      %while3A_152 = arith.constant 0 : i32
      %while3A_153 = arith.subi %select_n3A_85, %while3A_152 : i32
      %while3A_154 = arith.addi %while3A_152, %while3A_153 : i32
      %while3A_155 = arith.constant 1 : i32
      %while3A_156 = arith.divsi %while3A_153, %while3A_155 : i32
      %while3A_157 = arith.muli %while3A_156, %while3A_155 : i32
      %while3A_158 = arith.addi %while3A_152, %while3A_157 : i32
      %while3A_159 = arith.constant 1 : i32
      %while3A_160 = scf.for %while3A_186 = %while3A_152 to %while3A_158 step %while3A_159 iter_args(%while3A_187 = %scan3A_115#1) -> (i32)  : i32 {
        %mul3A_188 = arith.constant 16 : i32
        %mul3A_189 = arith.muli %while3A_186, %mul3A_188 : i32
        %get3A = arith.index_cast %mul3A_189 : i32 to index
        %get3A_190 = tpu.vector_load %arg11[%get3A] {strides = array<i32>} : memref<1024xi32, #tpu.memory_space<vmem>>, vector<16xi32>,
        %shift_right_arithmetic3A = arith.constant 22 : i32
        %shift_right_arithmetic3A_191 = vector.broadcast %shift_right_arithmetic3A : i32 to vector<16xi32>
        %shift_right_arithmetic3A_192 = arith.shrsi %get3A_190, %shift_right_arithmetic3A_191 : vector<16xi32>
        %eq3A_193 = arith.constant 124 : i32
        %eq3A_194 = vector.broadcast %eq3A_193 : i32 to vector<16xi32>
        %eq3A_195 = arith.cmpi eq, %shift_right_arithmetic3A_192, %eq3A_194 : vector<16xi32>
        %while3A_196:2 = scf.while (%while3A_197 = %eq3A_195, %while3A_198 = %while3A_187) : (vector<16xi1>, i32) -> (vector<16xi1>, i32) {
          %all_reduce_population_count3A = tpu.all_reduce %while3A_197 {dim = 0 : i64, kind = #tpu.reduction_kind<sum>} : vector<16xi1> -> vector<16xi32>
          %slice3A = vector.extract_strided_slice %all_reduce_population_count3A {offsets = [0], sizes = [1], strides = [1]} : vector<16xi32> to vector<1xi32>
          %squeeze3A = vector.extract %slice3A[0] : i32 from vector<1xi32>
          %gt3A = arith.constant 0 : i32
          %gt3A_199 = arith.cmpi sgt, %squeeze3A, %gt3A : i32
          scf.condition(%gt3A_199) %while3A_197, %while3A_198 : vector<16xi1>, i32
        } do {
        ^bb0(%while3A_197: vector<16xi1>, %while3A_198: i32):
          %all_reduce_ffs3A = tpu.all_reduce %while3A_197 {dim = 0 : i64, kind = #tpu.reduction_kind<find_first_set>} : vector<16xi1> -> vector<16xi32>
          %slice3A = vector.extract_strided_slice %all_reduce_ffs3A {offsets = [0], sizes = [1], strides = [1]} : vector<16xi32> to vector<1xi32>
          %squeeze3A = vector.extract %slice3A[0] : i32 from vector<1xi32>
          %broadcast_in_dim3A_199 = arith.constant 0 : i32
          %broadcast_in_dim3A_200 = vector.broadcast %broadcast_in_dim3A_199 : i32 to vector<16xi32>
          %add3A_201 = vector.broadcast %squeeze3A : i32 to vector<16xi32>
          %add3A_202 = arith.addi %broadcast_in_dim3A_200, %add3A_201 : vector<16xi32>
          %reshape3A = vector.shape_cast %add3A_202 : vector<16xi32> to vector<16x1xi32>
          %gather3A = vector.shape_cast %reshape3A : vector<16x1xi32> to vector<16xi32>
          %gather3A_203 = tpu.dynamic_gather %get3A_190[%gather3A] in [0] : vector<16xi32>, vector<16xi32> -> vector<16xi32>
          %shift_right_arithmetic3A_204 = arith.constant 14 : i32
          %shift_right_arithmetic3A_205 = vector.broadcast %shift_right_arithmetic3A_204 : i32 to vector<16xi32>
          %shift_right_arithmetic3A_206 = arith.shrsi %gather3A_203, %shift_right_arithmetic3A_205 : vector<16xi32>
          %sub3A_207 = arith.constant 31744 : i32
          %sub3A_208 = vector.broadcast %sub3A_207 : i32 to vector<16xi32>
          %sub3A_209 = arith.subi %shift_right_arithmetic3A_206, %sub3A_208 : vector<16xi32>
          %slice3A_210 = vector.extract_strided_slice %gather3A_203 {offsets = [0], sizes = [1], strides = [1]} : vector<16xi32> to vector<1xi32>
          %squeeze3A_211 = vector.extract %slice3A_210[0] : i32 from vector<1xi32>
          %and3A_212 = arith.constant 16383 : i32
          %and3A_213 = arith.andi %squeeze3A_211, %and3A_212 : i32
          %and3A_214 = arith.constant 7 : i32
          %and3A_215 = arith.andi %while3A_198, %and3A_214 : i32
          %add3A_216 = arith.constant 0 : i32
          %add3A_217 = vector.broadcast %add3A_216 : i32 to vector<16xi32>
          %add3A_218 = arith.addi %add3A_217, %iota3A_151 : vector<16xi32>
          %gather3A_219 = tpu.vector_load_idx %arg17[%add3A_218, %sub3A_209] : memref<64x64xf32, #tpu.memory_space<vmem>>[vector<16xi32>, vector<16xi32>], vector<16xf32>,
          %swap3A = arith.index_cast %and3A_215 : i32 to index
          %swap3A_220 = arith.constant 0 : index
          %swap3A_221 = tpu.vector_load %arg19[%swap3A, %swap3A_220] {strides = array<i32>} : memref<8x64xf32, #tpu.memory_space<vmem>>, vector<16xf32>,
          tpu.vector_store %arg19[%swap3A, %swap3A_220], %gather3A_219 {strides = array<i32>} : memref<8x64xf32, #tpu.memory_space<vmem>>, vector<16xf32>,
          %add3A_222 = arith.constant 16 : i32
          %add3A_223 = vector.broadcast %add3A_222 : i32 to vector<16xi32>
          %add3A_224 = arith.addi %add3A_223, %iota3A_151 : vector<16xi32>
          %gather3A_225 = tpu.vector_load_idx %arg17[%add3A_224, %sub3A_209] : memref<64x64xf32, #tpu.memory_space<vmem>>[vector<16xi32>, vector<16xi32>], vector<16xf32>,
          %swap3A_226 = arith.index_cast %and3A_215 : i32 to index
          %swap3A_227 = arith.constant 16 : index
          %swap3A_228 = tpu.vector_load %arg19[%swap3A_226, %swap3A_227] {strides = array<i32>} : memref<8x64xf32, #tpu.memory_space<vmem>>, vector<16xf32>,
          tpu.vector_store %arg19[%swap3A_226, %swap3A_227], %gather3A_225 {strides = array<i32>} : memref<8x64xf32, #tpu.memory_space<vmem>>, vector<16xf32>,
          %add3A_229 = arith.constant 32 : i32
          %add3A_230 = vector.broadcast %add3A_229 : i32 to vector<16xi32>
          %add3A_231 = arith.addi %add3A_230, %iota3A_151 : vector<16xi32>
          %gather3A_232 = tpu.vector_load_idx %arg17[%add3A_231, %sub3A_209] : memref<64x64xf32, #tpu.memory_space<vmem>>[vector<16xi32>, vector<16xi32>], vector<16xf32>,
          %swap3A_233 = arith.index_cast %and3A_215 : i32 to index
          %swap3A_234 = arith.constant 32 : index
          %swap3A_235 = tpu.vector_load %arg19[%swap3A_233, %swap3A_234] {strides = array<i32>} : memref<8x64xf32, #tpu.memory_space<vmem>>, vector<16xf32>,
          tpu.vector_store %arg19[%swap3A_233, %swap3A_234], %gather3A_232 {strides = array<i32>} : memref<8x64xf32, #tpu.memory_space<vmem>>, vector<16xf32>,
          %add3A_236 = arith.constant 48 : i32
          %add3A_237 = vector.broadcast %add3A_236 : i32 to vector<16xi32>
          %add3A_238 = arith.addi %add3A_237, %iota3A_151 : vector<16xi32>
          %gather3A_239 = tpu.vector_load_idx %arg17[%add3A_238, %sub3A_209] : memref<64x64xf32, #tpu.memory_space<vmem>>[vector<16xi32>, vector<16xi32>], vector<16xf32>,
          %swap3A_240 = arith.index_cast %and3A_215 : i32 to index
          %swap3A_241 = arith.constant 48 : index
          %swap3A_242 = tpu.vector_load %arg19[%swap3A_240, %swap3A_241] {strides = array<i32>} : memref<8x64xf32, #tpu.memory_space<vmem>>, vector<16xf32>,
          tpu.vector_store %arg19[%swap3A_240, %swap3A_241], %gather3A_239 {strides = array<i32>} : memref<8x64xf32, #tpu.memory_space<vmem>>, vector<16xf32>,
          %ge3A = arith.constant 8 : i32
          %ge3A_243 = arith.cmpi sge, %while3A_198, %ge3A : i32
          %convert_element_type3A_244 = arith.extui %ge3A_243 : i1 to i32
          %cond3A_245 = arith.constant 0 : i32
          %cond3A_246 = arith.cmpi ne, %convert_element_type3A_244, %cond3A_245 : i32
          scf.if %cond3A_246 {
            %dma_wait3A_264 = arith.constant 0 : i32
            %dma_wait3A_265 = arith.constant 0 : i32
            %dma_wait3A_266 = arith.constant 0 : i32
            %dma_wait3A_267 = tpu.memref_slice %arg19[%dma_wait3A_264, %dma_wait3A_266] : memref<8x64xf32, #tpu.memory_space<vmem>> -> memref<1x64xf32, #tpu.memory_space<vmem>>
            %dma_wait3A_268 = tpu.memref_squeeze %dma_wait3A_267 : memref<1x64xf32, #tpu.memory_space<vmem>> -> memref<64xf32, #tpu.memory_space<vmem>>
            %dma_wait3A_269 = arith.constant 0 : i32
            %dma_wait3A_270 = tpu.memref_slice %arg7[%dma_wait3A_265, %dma_wait3A_269] : memref<16384x64xf32, #tpu.memory_space<hbm>> -> memref<1x64xf32, #tpu.memory_space<hbm>>
            %dma_wait3A_271 = tpu.memref_squeeze %dma_wait3A_270 : memref<1x64xf32, #tpu.memory_space<hbm>> -> memref<64xf32, #tpu.memory_space<hbm>>
            %dma_wait3A_272 = arith.constant 0 : i32
            %dma_wait3A_273 = tpu.memref_slice %arg7[%dma_wait3A_265, %dma_wait3A_272] : memref<16384x64xf32, #tpu.memory_space<hbm>> -> memref<1x64xf32, #tpu.memory_space<hbm>>
            %dma_wait3A_274 = tpu.memref_squeeze %dma_wait3A_273 : memref<1x64xf32, #tpu.memory_space<hbm>> -> memref<64xf32, #tpu.memory_space<hbm>>
            %dma_wait3A_275 = arith.constant 0 : i32
            %dma_wait3A_276 = tpu.memref_slice %arg19[%dma_wait3A_264, %dma_wait3A_275] : memref<8x64xf32, #tpu.memory_space<vmem>> -> memref<1x64xf32, #tpu.memory_space<vmem>>
            %dma_wait3A_277 = tpu.memref_squeeze %dma_wait3A_276 : memref<1x64xf32, #tpu.memory_space<vmem>> -> memref<64xf32, #tpu.memory_space<vmem>>
            tpu.wait_dma2 semaphore(%arg25 : memref<!tpu.dma_semaphore, #tpu.memory_space<semaphore_mem>>) src(%dma_wait3A_277 : memref<64xf32, #tpu.memory_space<vmem>>) dst(%dma_wait3A_274 : memref<64xf32, #tpu.memory_space<hbm>>)
          } else {
          }
          %dma_start3A_247 = arith.constant 0 : i32
          %dma_start3A_248 = tpu.memref_slice %arg19[%and3A_215, %dma_start3A_247] : memref<8x64xf32, #tpu.memory_space<vmem>> -> memref<1x64xf32, #tpu.memory_space<vmem>>
          %dma_start3A_249 = tpu.memref_squeeze %dma_start3A_248 : memref<1x64xf32, #tpu.memory_space<vmem>> -> memref<64xf32, #tpu.memory_space<vmem>>
          %dma_start3A_250 = arith.constant 0 : i32
          %dma_start3A_251 = tpu.memref_slice %arg7[%and3A_213, %dma_start3A_250] : memref<16384x64xf32, #tpu.memory_space<hbm>> -> memref<1x64xf32, #tpu.memory_space<hbm>>
          %dma_start3A_252 = tpu.memref_squeeze %dma_start3A_251 : memref<1x64xf32, #tpu.memory_space<hbm>> -> memref<64xf32, #tpu.memory_space<hbm>>
          %dma_start3A_253 = arith.constant 0 : i32
          %dma_start3A_254 = tpu.memref_slice %arg7[%and3A_213, %dma_start3A_253] : memref<16384x64xf32, #tpu.memory_space<hbm>> -> memref<1x64xf32, #tpu.memory_space<hbm>>
          %dma_start3A_255 = tpu.memref_squeeze %dma_start3A_254 : memref<1x64xf32, #tpu.memory_space<hbm>> -> memref<64xf32, #tpu.memory_space<hbm>>
          %dma_start3A_256 = arith.constant 0 : i32
          %dma_start3A_257 = tpu.memref_slice %arg19[%and3A_215, %dma_start3A_256] : memref<8x64xf32, #tpu.memory_space<vmem>> -> memref<1x64xf32, #tpu.memory_space<vmem>>
          %dma_start3A_258 = tpu.memref_squeeze %dma_start3A_257 : memref<1x64xf32, #tpu.memory_space<vmem>> -> memref<64xf32, #tpu.memory_space<vmem>>
          tpu.enqueue_dma source(%dma_start3A_258 : memref<64xf32, #tpu.memory_space<vmem>>) target(%dma_start3A_255 : memref<64xf32, #tpu.memory_space<hbm>>) target_semaphore(%arg25 : memref<!tpu.dma_semaphore, #tpu.memory_space<semaphore_mem>>)
          %ne3A_259 = vector.broadcast %squeeze3A : i32 to vector<16xi32>
          %ne3A_260 = arith.cmpi ne, %iota3A_151, %ne3A_259 : vector<16xi32>
          %and3A_261 = arith.andi %while3A_197, %ne3A_260 : vector<16xi1>
          %add3A_262 = arith.constant 1 : i32
          %add3A_263 = arith.addi %while3A_198, %add3A_262 : i32
          scf.yield %and3A_261, %add3A_263 : vector<16xi1>, i32
        }
        scf.yield %while3A_196#1 : i32
      }
      %while3A_161 = arith.constant 1 : i32
      %while3A_162 = scf.for %while3A_186 = %while3A_158 to %while3A_154 step %while3A_161 iter_args(%while3A_187 = %while3A_160) -> (i32)  : i32 {
        %mul3A_188 = arith.constant 16 : i32
        %mul3A_189 = arith.muli %while3A_186, %mul3A_188 : i32
        %get3A = arith.index_cast %mul3A_189 : i32 to index
        %get3A_190 = tpu.vector_load %arg11[%get3A] {strides = array<i32>} : memref<1024xi32, #tpu.memory_space<vmem>>, vector<16xi32>,
        %shift_right_arithmetic3A = arith.constant 22 : i32
        %shift_right_arithmetic3A_191 = vector.broadcast %shift_right_arithmetic3A : i32 to vector<16xi32>
        %shift_right_arithmetic3A_192 = arith.shrsi %get3A_190, %shift_right_arithmetic3A_191 : vector<16xi32>
        %eq3A_193 = arith.constant 124 : i32
        %eq3A_194 = vector.broadcast %eq3A_193 : i32 to vector<16xi32>
        %eq3A_195 = arith.cmpi eq, %shift_right_arithmetic3A_192, %eq3A_194 : vector<16xi32>
        %while3A_196:2 = scf.while (%while3A_197 = %eq3A_195, %while3A_198 = %while3A_187) : (vector<16xi1>, i32) -> (vector<16xi1>, i32) {
          %all_reduce_population_count3A = tpu.all_reduce %while3A_197 {dim = 0 : i64, kind = #tpu.reduction_kind<sum>} : vector<16xi1> -> vector<16xi32>
          %slice3A = vector.extract_strided_slice %all_reduce_population_count3A {offsets = [0], sizes = [1], strides = [1]} : vector<16xi32> to vector<1xi32>
          %squeeze3A = vector.extract %slice3A[0] : i32 from vector<1xi32>
          %gt3A = arith.constant 0 : i32
          %gt3A_199 = arith.cmpi sgt, %squeeze3A, %gt3A : i32
          scf.condition(%gt3A_199) %while3A_197, %while3A_198 : vector<16xi1>, i32
        } do {
        ^bb0(%while3A_197: vector<16xi1>, %while3A_198: i32):
          %all_reduce_ffs3A = tpu.all_reduce %while3A_197 {dim = 0 : i64, kind = #tpu.reduction_kind<find_first_set>} : vector<16xi1> -> vector<16xi32>
          %slice3A = vector.extract_strided_slice %all_reduce_ffs3A {offsets = [0], sizes = [1], strides = [1]} : vector<16xi32> to vector<1xi32>
          %squeeze3A = vector.extract %slice3A[0] : i32 from vector<1xi32>
          %broadcast_in_dim3A_199 = arith.constant 0 : i32
          %broadcast_in_dim3A_200 = vector.broadcast %broadcast_in_dim3A_199 : i32 to vector<16xi32>
          %add3A_201 = vector.broadcast %squeeze3A : i32 to vector<16xi32>
          %add3A_202 = arith.addi %broadcast_in_dim3A_200, %add3A_201 : vector<16xi32>
          %reshape3A = vector.shape_cast %add3A_202 : vector<16xi32> to vector<16x1xi32>
          %gather3A = vector.shape_cast %reshape3A : vector<16x1xi32> to vector<16xi32>
          %gather3A_203 = tpu.dynamic_gather %get3A_190[%gather3A] in [0] : vector<16xi32>, vector<16xi32> -> vector<16xi32>
          %shift_right_arithmetic3A_204 = arith.constant 14 : i32
          %shift_right_arithmetic3A_205 = vector.broadcast %shift_right_arithmetic3A_204 : i32 to vector<16xi32>
          %shift_right_arithmetic3A_206 = arith.shrsi %gather3A_203, %shift_right_arithmetic3A_205 : vector<16xi32>
          %sub3A_207 = arith.constant 31744 : i32
          %sub3A_208 = vector.broadcast %sub3A_207 : i32 to vector<16xi32>
          %sub3A_209 = arith.subi %shift_right_arithmetic3A_206, %sub3A_208 : vector<16xi32>
          %slice3A_210 = vector.extract_strided_slice %gather3A_203 {offsets = [0], sizes = [1], strides = [1]} : vector<16xi32> to vector<1xi32>
          %squeeze3A_211 = vector.extract %slice3A_210[0] : i32 from vector<1xi32>
          %and3A_212 = arith.constant 16383 : i32
          %and3A_213 = arith.andi %squeeze3A_211, %and3A_212 : i32
          %and3A_214 = arith.constant 7 : i32
          %and3A_215 = arith.andi %while3A_198, %and3A_214 : i32
          %add3A_216 = arith.constant 0 : i32
          %add3A_217 = vector.broadcast %add3A_216 : i32 to vector<16xi32>
          %add3A_218 = arith.addi %add3A_217, %iota3A_151 : vector<16xi32>
          %gather3A_219 = tpu.vector_load_idx %arg17[%add3A_218, %sub3A_209] : memref<64x64xf32, #tpu.memory_space<vmem>>[vector<16xi32>, vector<16xi32>], vector<16xf32>,
          %swap3A = arith.index_cast %and3A_215 : i32 to index
          %swap3A_220 = arith.constant 0 : index
          %swap3A_221 = tpu.vector_load %arg19[%swap3A, %swap3A_220] {strides = array<i32>} : memref<8x64xf32, #tpu.memory_space<vmem>>, vector<16xf32>,
          tpu.vector_store %arg19[%swap3A, %swap3A_220], %gather3A_219 {strides = array<i32>} : memref<8x64xf32, #tpu.memory_space<vmem>>, vector<16xf32>,
          %add3A_222 = arith.constant 16 : i32
          %add3A_223 = vector.broadcast %add3A_222 : i32 to vector<16xi32>
          %add3A_224 = arith.addi %add3A_223, %iota3A_151 : vector<16xi32>
          %gather3A_225 = tpu.vector_load_idx %arg17[%add3A_224, %sub3A_209] : memref<64x64xf32, #tpu.memory_space<vmem>>[vector<16xi32>, vector<16xi32>], vector<16xf32>,
          %swap3A_226 = arith.index_cast %and3A_215 : i32 to index
          %swap3A_227 = arith.constant 16 : index
          %swap3A_228 = tpu.vector_load %arg19[%swap3A_226, %swap3A_227] {strides = array<i32>} : memref<8x64xf32, #tpu.memory_space<vmem>>, vector<16xf32>,
          tpu.vector_store %arg19[%swap3A_226, %swap3A_227], %gather3A_225 {strides = array<i32>} : memref<8x64xf32, #tpu.memory_space<vmem>>, vector<16xf32>,
          %add3A_229 = arith.constant 32 : i32
          %add3A_230 = vector.broadcast %add3A_229 : i32 to vector<16xi32>
          %add3A_231 = arith.addi %add3A_230, %iota3A_151 : vector<16xi32>
          %gather3A_232 = tpu.vector_load_idx %arg17[%add3A_231, %sub3A_209] : memref<64x64xf32, #tpu.memory_space<vmem>>[vector<16xi32>, vector<16xi32>], vector<16xf32>,
          %swap3A_233 = arith.index_cast %and3A_215 : i32 to index
          %swap3A_234 = arith.constant 32 : index
          %swap3A_235 = tpu.vector_load %arg19[%swap3A_233, %swap3A_234] {strides = array<i32>} : memref<8x64xf32, #tpu.memory_space<vmem>>, vector<16xf32>,
          tpu.vector_store %arg19[%swap3A_233, %swap3A_234], %gather3A_232 {strides = array<i32>} : memref<8x64xf32, #tpu.memory_space<vmem>>, vector<16xf32>,
          %add3A_236 = arith.constant 48 : i32
          %add3A_237 = vector.broadcast %add3A_236 : i32 to vector<16xi32>
          %add3A_238 = arith.addi %add3A_237, %iota3A_151 : vector<16xi32>
          %gather3A_239 = tpu.vector_load_idx %arg17[%add3A_238, %sub3A_209] : memref<64x64xf32, #tpu.memory_space<vmem>>[vector<16xi32>, vector<16xi32>], vector<16xf32>,
          %swap3A_240 = arith.index_cast %and3A_215 : i32 to index
          %swap3A_241 = arith.constant 48 : index
          %swap3A_242 = tpu.vector_load %arg19[%swap3A_240, %swap3A_241] {strides = array<i32>} : memref<8x64xf32, #tpu.memory_space<vmem>>, vector<16xf32>,
          tpu.vector_store %arg19[%swap3A_240, %swap3A_241], %gather3A_239 {strides = array<i32>} : memref<8x64xf32, #tpu.memory_space<vmem>>, vector<16xf32>,
          %ge3A = arith.constant 8 : i32
          %ge3A_243 = arith.cmpi sge, %while3A_198, %ge3A : i32
          %convert_element_type3A_244 = arith.extui %ge3A_243 : i1 to i32
          %cond3A_245 = arith.constant 0 : i32
          %cond3A_246 = arith.cmpi ne, %convert_element_type3A_244, %cond3A_245 : i32
          scf.if %cond3A_246 {
            %dma_wait3A_264 = arith.constant 0 : i32
            %dma_wait3A_265 = arith.constant 0 : i32
            %dma_wait3A_266 = arith.constant 0 : i32
            %dma_wait3A_267 = tpu.memref_slice %arg19[%dma_wait3A_264, %dma_wait3A_266] : memref<8x64xf32, #tpu.memory_space<vmem>> -> memref<1x64xf32, #tpu.memory_space<vmem>>
            %dma_wait3A_268 = tpu.memref_squeeze %dma_wait3A_267 : memref<1x64xf32, #tpu.memory_space<vmem>> -> memref<64xf32, #tpu.memory_space<vmem>>
            %dma_wait3A_269 = arith.constant 0 : i32
            %dma_wait3A_270 = tpu.memref_slice %arg7[%dma_wait3A_265, %dma_wait3A_269] : memref<16384x64xf32, #tpu.memory_space<hbm>> -> memref<1x64xf32, #tpu.memory_space<hbm>>
            %dma_wait3A_271 = tpu.memref_squeeze %dma_wait3A_270 : memref<1x64xf32, #tpu.memory_space<hbm>> -> memref<64xf32, #tpu.memory_space<hbm>>
            %dma_wait3A_272 = arith.constant 0 : i32
            %dma_wait3A_273 = tpu.memref_slice %arg7[%dma_wait3A_265, %dma_wait3A_272] : memref<16384x64xf32, #tpu.memory_space<hbm>> -> memref<1x64xf32, #tpu.memory_space<hbm>>
            %dma_wait3A_274 = tpu.memref_squeeze %dma_wait3A_273 : memref<1x64xf32, #tpu.memory_space<hbm>> -> memref<64xf32, #tpu.memory_space<hbm>>
            %dma_wait3A_275 = arith.constant 0 : i32
            %dma_wait3A_276 = tpu.memref_slice %arg19[%dma_wait3A_264, %dma_wait3A_275] : memref<8x64xf32, #tpu.memory_space<vmem>> -> memref<1x64xf32, #tpu.memory_space<vmem>>
            %dma_wait3A_277 = tpu.memref_squeeze %dma_wait3A_276 : memref<1x64xf32, #tpu.memory_space<vmem>> -> memref<64xf32, #tpu.memory_space<vmem>>
            tpu.wait_dma2 semaphore(%arg25 : memref<!tpu.dma_semaphore, #tpu.memory_space<semaphore_mem>>) src(%dma_wait3A_277 : memref<64xf32, #tpu.memory_space<vmem>>) dst(%dma_wait3A_274 : memref<64xf32, #tpu.memory_space<hbm>>)
          } else {
          }
          %dma_start3A_247 = arith.constant 0 : i32
          %dma_start3A_248 = tpu.memref_slice %arg19[%and3A_215, %dma_start3A_247] : memref<8x64xf32, #tpu.memory_space<vmem>> -> memref<1x64xf32, #tpu.memory_space<vmem>>
          %dma_start3A_249 = tpu.memref_squeeze %dma_start3A_248 : memref<1x64xf32, #tpu.memory_space<vmem>> -> memref<64xf32, #tpu.memory_space<vmem>>
          %dma_start3A_250 = arith.constant 0 : i32
          %dma_start3A_251 = tpu.memref_slice %arg7[%and3A_213, %dma_start3A_250] : memref<16384x64xf32, #tpu.memory_space<hbm>> -> memref<1x64xf32, #tpu.memory_space<hbm>>
          %dma_start3A_252 = tpu.memref_squeeze %dma_start3A_251 : memref<1x64xf32, #tpu.memory_space<hbm>> -> memref<64xf32, #tpu.memory_space<hbm>>
          %dma_start3A_253 = arith.constant 0 : i32
          %dma_start3A_254 = tpu.memref_slice %arg7[%and3A_213, %dma_start3A_253] : memref<16384x64xf32, #tpu.memory_space<hbm>> -> memref<1x64xf32, #tpu.memory_space<hbm>>
          %dma_start3A_255 = tpu.memref_squeeze %dma_start3A_254 : memref<1x64xf32, #tpu.memory_space<hbm>> -> memref<64xf32, #tpu.memory_space<hbm>>
          %dma_start3A_256 = arith.constant 0 : i32
          %dma_start3A_257 = tpu.memref_slice %arg19[%and3A_215, %dma_start3A_256] : memref<8x64xf32, #tpu.memory_space<vmem>> -> memref<1x64xf32, #tpu.memory_space<vmem>>
          %dma_start3A_258 = tpu.memref_squeeze %dma_start3A_257 : memref<1x64xf32, #tpu.memory_space<vmem>> -> memref<64xf32, #tpu.memory_space<vmem>>
          tpu.enqueue_dma source(%dma_start3A_258 : memref<64xf32, #tpu.memory_space<vmem>>) target(%dma_start3A_255 : memref<64xf32, #tpu.memory_space<hbm>>) target_semaphore(%arg25 : memref<!tpu.dma_semaphore, #tpu.memory_space<semaphore_mem>>)
          %ne3A_259 = vector.broadcast %squeeze3A : i32 to vector<16xi32>
          %ne3A_260 = arith.cmpi ne, %iota3A_151, %ne3A_259 : vector<16xi32>
          %and3A_261 = arith.andi %while3A_197, %ne3A_260 : vector<16xi1>
          %add3A_262 = arith.constant 1 : i32
          %add3A_263 = arith.addi %while3A_198, %add3A_262 : i32
          scf.yield %and3A_261, %add3A_263 : vector<16xi1>, i32
        }
        scf.yield %while3A_196#1 : i32
      }
      %min3A = arith.constant 8 : i32
      %min3A_163 = arith.minsi %while3A_150, %min3A : i32
      %while3A_164 = arith.constant 0 : i32
      %while3A_165 = arith.constant 0 : i32
      %while3A_166 = arith.subi %min3A_163, %while3A_165 : i32
      %while3A_167 = arith.addi %while3A_165, %while3A_166 : i32
      %while3A_168 = arith.constant 1 : i32
      %while3A_169 = arith.divsi %while3A_166, %while3A_168 : i32
      %while3A_170 = arith.muli %while3A_169, %while3A_168 : i32
      %while3A_171 = arith.addi %while3A_165, %while3A_170 : i32
      %while3A_172 = arith.constant 1 : i32
      scf.for %while3A_186 = %while3A_165 to %while3A_171 step %while3A_172  : i32 {
        %dma_wait3A_187 = arith.constant 0 : i32
        %dma_wait3A_188 = arith.constant 0 : i32
        %dma_wait3A_189 = arith.constant 0 : i32
        %dma_wait3A_190 = tpu.memref_slice %arg18[%dma_wait3A_187, %dma_wait3A_189] : memref<8x64xf32, #tpu.memory_space<vmem>> -> memref<1x64xf32, #tpu.memory_space<vmem>>
        %dma_wait3A_191 = tpu.memref_squeeze %dma_wait3A_190 : memref<1x64xf32, #tpu.memory_space<vmem>> -> memref<64xf32, #tpu.memory_space<vmem>>
        %dma_wait3A_192 = arith.constant 0 : i32
        %dma_wait3A_193 = tpu.memref_slice %arg6[%dma_wait3A_188, %dma_wait3A_192] : memref<16384x64xf32, #tpu.memory_space<hbm>> -> memref<1x64xf32, #tpu.memory_space<hbm>>
        %dma_wait3A_194 = tpu.memref_squeeze %dma_wait3A_193 : memref<1x64xf32, #tpu.memory_space<hbm>> -> memref<64xf32, #tpu.memory_space<hbm>>
        %dma_wait3A_195 = arith.constant 0 : i32
        %dma_wait3A_196 = tpu.memref_slice %arg6[%dma_wait3A_188, %dma_wait3A_195] : memref<16384x64xf32, #tpu.memory_space<hbm>> -> memref<1x64xf32, #tpu.memory_space<hbm>>
        %dma_wait3A_197 = tpu.memref_squeeze %dma_wait3A_196 : memref<1x64xf32, #tpu.memory_space<hbm>> -> memref<64xf32, #tpu.memory_space<hbm>>
        %dma_wait3A_198 = arith.constant 0 : i32
        %dma_wait3A_199 = tpu.memref_slice %arg18[%dma_wait3A_187, %dma_wait3A_198] : memref<8x64xf32, #tpu.memory_space<vmem>> -> memref<1x64xf32, #tpu.memory_space<vmem>>
        %dma_wait3A_200 = tpu.memref_squeeze %dma_wait3A_199 : memref<1x64xf32, #tpu.memory_space<vmem>> -> memref<64xf32, #tpu.memory_space<vmem>>
        tpu.wait_dma2 semaphore(%arg24 : memref<!tpu.dma_semaphore, #tpu.memory_space<semaphore_mem>>) src(%dma_wait3A_200 : memref<64xf32, #tpu.memory_space<vmem>>) dst(%dma_wait3A_197 : memref<64xf32, #tpu.memory_space<hbm>>)
      }
      %while3A_173 = arith.constant 1 : i32
      scf.for %while3A_186 = %while3A_171 to %while3A_167 step %while3A_173  : i32 {
        %dma_wait3A_187 = arith.constant 0 : i32
        %dma_wait3A_188 = arith.constant 0 : i32
        %dma_wait3A_189 = arith.constant 0 : i32
        %dma_wait3A_190 = tpu.memref_slice %arg18[%dma_wait3A_187, %dma_wait3A_189] : memref<8x64xf32, #tpu.memory_space<vmem>> -> memref<1x64xf32, #tpu.memory_space<vmem>>
        %dma_wait3A_191 = tpu.memref_squeeze %dma_wait3A_190 : memref<1x64xf32, #tpu.memory_space<vmem>> -> memref<64xf32, #tpu.memory_space<vmem>>
        %dma_wait3A_192 = arith.constant 0 : i32
        %dma_wait3A_193 = tpu.memref_slice %arg6[%dma_wait3A_188, %dma_wait3A_192] : memref<16384x64xf32, #tpu.memory_space<hbm>> -> memref<1x64xf32, #tpu.memory_space<hbm>>
        %dma_wait3A_194 = tpu.memref_squeeze %dma_wait3A_193 : memref<1x64xf32, #tpu.memory_space<hbm>> -> memref<64xf32, #tpu.memory_space<hbm>>
        %dma_wait3A_195 = arith.constant 0 : i32
        %dma_wait3A_196 = tpu.memref_slice %arg6[%dma_wait3A_188, %dma_wait3A_195] : memref<16384x64xf32, #tpu.memory_space<hbm>> -> memref<1x64xf32, #tpu.memory_space<hbm>>
        %dma_wait3A_197 = tpu.memref_squeeze %dma_wait3A_196 : memref<1x64xf32, #tpu.memory_space<hbm>> -> memref<64xf32, #tpu.memory_space<hbm>>
        %dma_wait3A_198 = arith.constant 0 : i32
        %dma_wait3A_199 = tpu.memref_slice %arg18[%dma_wait3A_187, %dma_wait3A_198] : memref<8x64xf32, #tpu.memory_space<vmem>> -> memref<1x64xf32, #tpu.memory_space<vmem>>
        %dma_wait3A_200 = tpu.memref_squeeze %dma_wait3A_199 : memref<1x64xf32, #tpu.memory_space<vmem>> -> memref<64xf32, #tpu.memory_space<vmem>>
        tpu.wait_dma2 semaphore(%arg24 : memref<!tpu.dma_semaphore, #tpu.memory_space<semaphore_mem>>) src(%dma_wait3A_200 : memref<64xf32, #tpu.memory_space<vmem>>) dst(%dma_wait3A_197 : memref<64xf32, #tpu.memory_space<hbm>>)
      }
      %min3A_174 = arith.constant 8 : i32
      %min3A_175 = arith.minsi %while3A_162, %min3A_174 : i32
      %while3A_176 = arith.constant 0 : i32
      %while3A_177 = arith.constant 0 : i32
      %while3A_178 = arith.subi %min3A_175, %while3A_177 : i32
      %while3A_179 = arith.addi %while3A_177, %while3A_178 : i32
      %while3A_180 = arith.constant 1 : i32
      %while3A_181 = arith.divsi %while3A_178, %while3A_180 : i32
      %while3A_182 = arith.muli %while3A_181, %while3A_180 : i32
      %while3A_183 = arith.addi %while3A_177, %while3A_182 : i32
      %while3A_184 = arith.constant 1 : i32
      scf.for %while3A_186 = %while3A_177 to %while3A_183 step %while3A_184  : i32 {
        %dma_wait3A_187 = arith.constant 0 : i32
        %dma_wait3A_188 = arith.constant 0 : i32
        %dma_wait3A_189 = arith.constant 0 : i32
        %dma_wait3A_190 = tpu.memref_slice %arg19[%dma_wait3A_187, %dma_wait3A_189] : memref<8x64xf32, #tpu.memory_space<vmem>> -> memref<1x64xf32, #tpu.memory_space<vmem>>
        %dma_wait3A_191 = tpu.memref_squeeze %dma_wait3A_190 : memref<1x64xf32, #tpu.memory_space<vmem>> -> memref<64xf32, #tpu.memory_space<vmem>>
        %dma_wait3A_192 = arith.constant 0 : i32
        %dma_wait3A_193 = tpu.memref_slice %arg7[%dma_wait3A_188, %dma_wait3A_192] : memref<16384x64xf32, #tpu.memory_space<hbm>> -> memref<1x64xf32, #tpu.memory_space<hbm>>
        %dma_wait3A_194 = tpu.memref_squeeze %dma_wait3A_193 : memref<1x64xf32, #tpu.memory_space<hbm>> -> memref<64xf32, #tpu.memory_space<hbm>>
        %dma_wait3A_195 = arith.constant 0 : i32
        %dma_wait3A_196 = tpu.memref_slice %arg7[%dma_wait3A_188, %dma_wait3A_195] : memref<16384x64xf32, #tpu.memory_space<hbm>> -> memref<1x64xf32, #tpu.memory_space<hbm>>
        %dma_wait3A_197 = tpu.memref_squeeze %dma_wait3A_196 : memref<1x64xf32, #tpu.memory_space<hbm>> -> memref<64xf32, #tpu.memory_space<hbm>>
        %dma_wait3A_198 = arith.constant 0 : i32
        %dma_wait3A_199 = tpu.memref_slice %arg19[%dma_wait3A_187, %dma_wait3A_198] : memref<8x64xf32, #tpu.memory_space<vmem>> -> memref<1x64xf32, #tpu.memory_space<vmem>>
        %dma_wait3A_200 = tpu.memref_squeeze %dma_wait3A_199 : memref<1x64xf32, #tpu.memory_space<vmem>> -> memref<64xf32, #tpu.memory_space<vmem>>
        tpu.wait_dma2 semaphore(%arg25 : memref<!tpu.dma_semaphore, #tpu.memory_space<semaphore_mem>>) src(%dma_wait3A_200 : memref<64xf32, #tpu.memory_space<vmem>>) dst(%dma_wait3A_197 : memref<64xf32, #tpu.memory_space<hbm>>)
      }
      %while3A_185 = arith.constant 1 : i32
      scf.for %while3A_186 = %while3A_183 to %while3A_179 step %while3A_185  : i32 {
        %dma_wait3A_187 = arith.constant 0 : i32
        %dma_wait3A_188 = arith.constant 0 : i32
        %dma_wait3A_189 = arith.constant 0 : i32
        %dma_wait3A_190 = tpu.memref_slice %arg19[%dma_wait3A_187, %dma_wait3A_189] : memref<8x64xf32, #tpu.memory_space<vmem>> -> memref<1x64xf32, #tpu.memory_space<vmem>>
        %dma_wait3A_191 = tpu.memref_squeeze %dma_wait3A_190 : memref<1x64xf32, #tpu.memory_space<vmem>> -> memref<64xf32, #tpu.memory_space<vmem>>
        %dma_wait3A_192 = arith.constant 0 : i32
        %dma_wait3A_193 = tpu.memref_slice %arg7[%dma_wait3A_188, %dma_wait3A_192] : memref<16384x64xf32, #tpu.memory_space<hbm>> -> memref<1x64xf32, #tpu.memory_space<hbm>>
        %dma_wait3A_194 = tpu.memref_squeeze %dma_wait3A_193 : memref<1x64xf32, #tpu.memory_space<hbm>> -> memref<64xf32, #tpu.memory_space<hbm>>
        %dma_wait3A_195 = arith.constant 0 : i32
        %dma_wait3A_196 = tpu.memref_slice %arg7[%dma_wait3A_188, %dma_wait3A_195] : memref<16384x64xf32, #tpu.memory_space<hbm>> -> memref<1x64xf32, #tpu.memory_space<hbm>>
        %dma_wait3A_197 = tpu.memref_squeeze %dma_wait3A_196 : memref<1x64xf32, #tpu.memory_space<hbm>> -> memref<64xf32, #tpu.memory_space<hbm>>
        %dma_wait3A_198 = arith.constant 0 : i32
        %dma_wait3A_199 = tpu.memref_slice %arg19[%dma_wait3A_187, %dma_wait3A_198] : memref<8x64xf32, #tpu.memory_space<vmem>> -> memref<1x64xf32, #tpu.memory_space<vmem>>
        %dma_wait3A_200 = tpu.memref_squeeze %dma_wait3A_199 : memref<1x64xf32, #tpu.memory_space<vmem>> -> memref<64xf32, #tpu.memory_space<vmem>>
        tpu.wait_dma2 semaphore(%arg25 : memref<!tpu.dma_semaphore, #tpu.memory_space<semaphore_mem>>) src(%dma_wait3A_200 : memref<64xf32, #tpu.memory_space<vmem>>) dst(%dma_wait3A_197 : memref<64xf32, #tpu.memory_space<hbm>>)
      }
    } else {
    }
    %ne3A_106 = arith.constant 31 : i32
    %ne3A_107 = arith.cmpi ne, %add3A, %ne3A_106 : i32
    %convert_element_type3A_108 = arith.extui %ne3A_107 : i1 to i32
    %cond3A_109 = arith.constant 0 : i32
    %cond3A_110 = arith.cmpi ne, %convert_element_type3A_108, %cond3A_109 : i32
    scf.if %cond3A_110 {
      %min3A = arith.constant 8 : i32
      %min3A_111 = arith.minsi %scan3A_101#0, %min3A : i32
      %while3A = arith.constant 0 : i32
      %while3A_112 = arith.constant 0 : i32
      %while3A_113 = arith.subi %min3A_111, %while3A_112 : i32
      %while3A_114 = arith.addi %while3A_112, %while3A_113 : i32
      %while3A_115 = arith.constant 1 : i32
      %while3A_116 = arith.divsi %while3A_113, %while3A_115 : i32
      %while3A_117 = arith.muli %while3A_116, %while3A_115 : i32
      %while3A_118 = arith.addi %while3A_112, %while3A_117 : i32
      %while3A_119 = arith.constant 1 : i32
      scf.for %while3A_133 = %while3A_112 to %while3A_118 step %while3A_119  : i32 {
        %dma_wait3A = arith.constant 0 : i32
        %dma_wait3A_134 = arith.constant 0 : i32
        %dma_wait3A_135 = arith.constant 0 : i32
        %dma_wait3A_136 = tpu.memref_slice %arg18[%dma_wait3A, %dma_wait3A_135] : memref<8x64xf32, #tpu.memory_space<vmem>> -> memref<1x64xf32, #tpu.memory_space<vmem>>
        %dma_wait3A_137 = tpu.memref_squeeze %dma_wait3A_136 : memref<1x64xf32, #tpu.memory_space<vmem>> -> memref<64xf32, #tpu.memory_space<vmem>>
        %dma_wait3A_138 = arith.constant 0 : i32
        %dma_wait3A_139 = tpu.memref_slice %arg6[%dma_wait3A_134, %dma_wait3A_138] : memref<16384x64xf32, #tpu.memory_space<hbm>> -> memref<1x64xf32, #tpu.memory_space<hbm>>
        %dma_wait3A_140 = tpu.memref_squeeze %dma_wait3A_139 : memref<1x64xf32, #tpu.memory_space<hbm>> -> memref<64xf32, #tpu.memory_space<hbm>>
        %dma_wait3A_141 = arith.constant 0 : i32
        %dma_wait3A_142 = tpu.memref_slice %arg6[%dma_wait3A_134, %dma_wait3A_141] : memref<16384x64xf32, #tpu.memory_space<hbm>> -> memref<1x64xf32, #tpu.memory_space<hbm>>
        %dma_wait3A_143 = tpu.memref_squeeze %dma_wait3A_142 : memref<1x64xf32, #tpu.memory_space<hbm>> -> memref<64xf32, #tpu.memory_space<hbm>>
        %dma_wait3A_144 = arith.constant 0 : i32
        %dma_wait3A_145 = tpu.memref_slice %arg18[%dma_wait3A, %dma_wait3A_144] : memref<8x64xf32, #tpu.memory_space<vmem>> -> memref<1x64xf32, #tpu.memory_space<vmem>>
        %dma_wait3A_146 = tpu.memref_squeeze %dma_wait3A_145 : memref<1x64xf32, #tpu.memory_space<vmem>> -> memref<64xf32, #tpu.memory_space<vmem>>
        tpu.wait_dma2 semaphore(%arg24 : memref<!tpu.dma_semaphore, #tpu.memory_space<semaphore_mem>>) src(%dma_wait3A_146 : memref<64xf32, #tpu.memory_space<vmem>>) dst(%dma_wait3A_143 : memref<64xf32, #tpu.memory_space<hbm>>)
      }
      %while3A_120 = arith.constant 1 : i32
      scf.for %while3A_133 = %while3A_118 to %while3A_114 step %while3A_120  : i32 {
        %dma_wait3A = arith.constant 0 : i32
        %dma_wait3A_134 = arith.constant 0 : i32
        %dma_wait3A_135 = arith.constant 0 : i32
        %dma_wait3A_136 = tpu.memref_slice %arg18[%dma_wait3A, %dma_wait3A_135] : memref<8x64xf32, #tpu.memory_space<vmem>> -> memref<1x64xf32, #tpu.memory_space<vmem>>
        %dma_wait3A_137 = tpu.memref_squeeze %dma_wait3A_136 : memref<1x64xf32, #tpu.memory_space<vmem>> -> memref<64xf32, #tpu.memory_space<vmem>>
        %dma_wait3A_138 = arith.constant 0 : i32
        %dma_wait3A_139 = tpu.memref_slice %arg6[%dma_wait3A_134, %dma_wait3A_138] : memref<16384x64xf32, #tpu.memory_space<hbm>> -> memref<1x64xf32, #tpu.memory_space<hbm>>
        %dma_wait3A_140 = tpu.memref_squeeze %dma_wait3A_139 : memref<1x64xf32, #tpu.memory_space<hbm>> -> memref<64xf32, #tpu.memory_space<hbm>>
        %dma_wait3A_141 = arith.constant 0 : i32
        %dma_wait3A_142 = tpu.memref_slice %arg6[%dma_wait3A_134, %dma_wait3A_141] : memref<16384x64xf32, #tpu.memory_space<hbm>> -> memref<1x64xf32, #tpu.memory_space<hbm>>
        %dma_wait3A_143 = tpu.memref_squeeze %dma_wait3A_142 : memref<1x64xf32, #tpu.memory_space<hbm>> -> memref<64xf32, #tpu.memory_space<hbm>>
        %dma_wait3A_144 = arith.constant 0 : i32
        %dma_wait3A_145 = tpu.memref_slice %arg18[%dma_wait3A, %dma_wait3A_144] : memref<8x64xf32, #tpu.memory_space<vmem>> -> memref<1x64xf32, #tpu.memory_space<vmem>>
        %dma_wait3A_146 = tpu.memref_squeeze %dma_wait3A_145 : memref<1x64xf32, #tpu.memory_space<vmem>> -> memref<64xf32, #tpu.memory_space<vmem>>
        tpu.wait_dma2 semaphore(%arg24 : memref<!tpu.dma_semaphore, #tpu.memory_space<semaphore_mem>>) src(%dma_wait3A_146 : memref<64xf32, #tpu.memory_space<vmem>>) dst(%dma_wait3A_143 : memref<64xf32, #tpu.memory_space<hbm>>)
      }
      %min3A_121 = arith.constant 8 : i32
      %min3A_122 = arith.minsi %scan3A_101#1, %min3A_121 : i32
      %while3A_123 = arith.constant 0 : i32
      %while3A_124 = arith.constant 0 : i32
      %while3A_125 = arith.subi %min3A_122, %while3A_124 : i32
      %while3A_126 = arith.addi %while3A_124, %while3A_125 : i32
      %while3A_127 = arith.constant 1 : i32
      %while3A_128 = arith.divsi %while3A_125, %while3A_127 : i32
      %while3A_129 = arith.muli %while3A_128, %while3A_127 : i32
      %while3A_130 = arith.addi %while3A_124, %while3A_129 : i32
      %while3A_131 = arith.constant 1 : i32
      scf.for %while3A_133 = %while3A_124 to %while3A_130 step %while3A_131  : i32 {
        %dma_wait3A = arith.constant 0 : i32
        %dma_wait3A_134 = arith.constant 0 : i32
        %dma_wait3A_135 = arith.constant 0 : i32
        %dma_wait3A_136 = tpu.memref_slice %arg19[%dma_wait3A, %dma_wait3A_135] : memref<8x64xf32, #tpu.memory_space<vmem>> -> memref<1x64xf32, #tpu.memory_space<vmem>>
        %dma_wait3A_137 = tpu.memref_squeeze %dma_wait3A_136 : memref<1x64xf32, #tpu.memory_space<vmem>> -> memref<64xf32, #tpu.memory_space<vmem>>
        %dma_wait3A_138 = arith.constant 0 : i32
        %dma_wait3A_139 = tpu.memref_slice %arg7[%dma_wait3A_134, %dma_wait3A_138] : memref<16384x64xf32, #tpu.memory_space<hbm>> -> memref<1x64xf32, #tpu.memory_space<hbm>>
        %dma_wait3A_140 = tpu.memref_squeeze %dma_wait3A_139 : memref<1x64xf32, #tpu.memory_space<hbm>> -> memref<64xf32, #tpu.memory_space<hbm>>
        %dma_wait3A_141 = arith.constant 0 : i32
        %dma_wait3A_142 = tpu.memref_slice %arg7[%dma_wait3A_134, %dma_wait3A_141] : memref<16384x64xf32, #tpu.memory_space<hbm>> -> memref<1x64xf32, #tpu.memory_space<hbm>>
        %dma_wait3A_143 = tpu.memref_squeeze %dma_wait3A_142 : memref<1x64xf32, #tpu.memory_space<hbm>> -> memref<64xf32, #tpu.memory_space<hbm>>
        %dma_wait3A_144 = arith.constant 0 : i32
        %dma_wait3A_145 = tpu.memref_slice %arg19[%dma_wait3A, %dma_wait3A_144] : memref<8x64xf32, #tpu.memory_space<vmem>> -> memref<1x64xf32, #tpu.memory_space<vmem>>
        %dma_wait3A_146 = tpu.memref_squeeze %dma_wait3A_145 : memref<1x64xf32, #tpu.memory_space<vmem>> -> memref<64xf32, #tpu.memory_space<vmem>>
        tpu.wait_dma2 semaphore(%arg25 : memref<!tpu.dma_semaphore, #tpu.memory_space<semaphore_mem>>) src(%dma_wait3A_146 : memref<64xf32, #tpu.memory_space<vmem>>) dst(%dma_wait3A_143 : memref<64xf32, #tpu.memory_space<hbm>>)
      }
      %while3A_132 = arith.constant 1 : i32
      scf.for %while3A_133 = %while3A_130 to %while3A_126 step %while3A_132  : i32 {
        %dma_wait3A = arith.constant 0 : i32
        %dma_wait3A_134 = arith.constant 0 : i32
        %dma_wait3A_135 = arith.constant 0 : i32
        %dma_wait3A_136 = tpu.memref_slice %arg19[%dma_wait3A, %dma_wait3A_135] : memref<8x64xf32, #tpu.memory_space<vmem>> -> memref<1x64xf32, #tpu.memory_space<vmem>>
        %dma_wait3A_137 = tpu.memref_squeeze %dma_wait3A_136 : memref<1x64xf32, #tpu.memory_space<vmem>> -> memref<64xf32, #tpu.memory_space<vmem>>
        %dma_wait3A_138 = arith.constant 0 : i32
        %dma_wait3A_139 = tpu.memref_slice %arg7[%dma_wait3A_134, %dma_wait3A_138] : memref<16384x64xf32, #tpu.memory_space<hbm>> -> memref<1x64xf32, #tpu.memory_space<hbm>>
        %dma_wait3A_140 = tpu.memref_squeeze %dma_wait3A_139 : memref<1x64xf32, #tpu.memory_space<hbm>> -> memref<64xf32, #tpu.memory_space<hbm>>
        %dma_wait3A_141 = arith.constant 0 : i32
        %dma_wait3A_142 = tpu.memref_slice %arg7[%dma_wait3A_134, %dma_wait3A_141] : memref<16384x64xf32, #tpu.memory_space<hbm>> -> memref<1x64xf32, #tpu.memory_space<hbm>>
        %dma_wait3A_143 = tpu.memref_squeeze %dma_wait3A_142 : memref<1x64xf32, #tpu.memory_space<hbm>> -> memref<64xf32, #tpu.memory_space<hbm>>
        %dma_wait3A_144 = arith.constant 0 : i32
        %dma_wait3A_145 = tpu.memref_slice %arg19[%dma_wait3A, %dma_wait3A_144] : memref<8x64xf32, #tpu.memory_space<vmem>> -> memref<1x64xf32, #tpu.memory_space<vmem>>
        %dma_wait3A_146 = tpu.memref_squeeze %dma_wait3A_145 : memref<1x64xf32, #tpu.memory_space<vmem>> -> memref<64xf32, #tpu.memory_space<vmem>>
        tpu.wait_dma2 semaphore(%arg25 : memref<!tpu.dma_semaphore, #tpu.memory_space<semaphore_mem>>) src(%dma_wait3A_146 : memref<64xf32, #tpu.memory_space<vmem>>) dst(%dma_wait3A_143 : memref<64xf32, #tpu.memory_space<hbm>>)
      }
    } else {
    }
    return
  }
}

module attributes {stable_mosaic.version = 14 : i64} {
  func.func @_dot_tc_body(%arg0: i32, %arg1: memref<2048x64xf32, #tpu.memory_space<vmem>>, %arg2: memref<2048x64xf32, #tpu.memory_space<vmem>>, %arg3: memref<2048xf32, #tpu.memory_space<vmem>>) attributes {dimension_semantics = [#tpu.dimension_semantics<arbitrary>], iteration_bounds = array<i64: 8>, scalar_prefetch = 0 : i64, scratch_operands = 0 : i64, tpu.core_type = #tpu.core_type<tc>, window_params = [{transform_indices = @transform_0, window_bounds = array<i64: 2048, 64>}, {transform_indices = @transform_1, window_bounds = array<i64: 2048, 64>}, {transform_indices = @transform_2, window_bounds = array<i64: 2048>}]} {
    %get3A = arith.constant 0 : index
    %get3A_0 = arith.constant 0 : index
    %get3A_1 = vector.load %arg1[%get3A, %get3A_0] : memref<2048x64xf32, #tpu.memory_space<vmem>>, vector<2048x64xf32>
    %get3A_2 = arith.constant 0 : index
    %get3A_3 = arith.constant 0 : index
    %get3A_4 = vector.load %arg2[%get3A_2, %get3A_3] : memref<2048x64xf32, #tpu.memory_space<vmem>>, vector<2048x64xf32>
    %mul3A = arith.mulf %get3A_1, %get3A_4 : vector<2048x64xf32>
    %reduce_sum3A = arith.constant dense<0.000000e+00> : vector<2048xf32>
    %reduce_sum3A_5 = vector.multi_reduction <add>, %mul3A, %reduce_sum3A [1] : vector<2048x64xf32> to vector<2048xf32>
    %swap3A = arith.constant 0 : index
    %swap3A_6 = vector.load %arg3[%swap3A] : memref<2048xf32, #tpu.memory_space<vmem>>, vector<2048xf32>
    tpu.vector_store %arg3[%swap3A], %reduce_sum3A_5 {strides = array<i32>} : memref<2048xf32, #tpu.memory_space<vmem>>, vector<2048xf32>,
    return
  }
  func.func @transform_0(%arg0: i32) -> (i32, i32) {
    %c0_i32 = arith.constant 0 : i32
    %c0_i32_0 = arith.constant 0 : i32
    return %arg0, %c0_i32 : i32, i32
  }
  func.func @transform_1(%arg0: i32) -> (i32, i32) {
    %c0_i32 = arith.constant 0 : i32
    %c0_i32_0 = arith.constant 0 : i32
    return %arg0, %c0_i32 : i32, i32
  }
  func.func @transform_2(%arg0: i32) -> i32 {
    %c0_i32 = arith.constant 0 : i32
    return %arg0 : i32
  }
}

</mosaic_0001>

<sc_bundles>
// kernel: kernel.4.cloned.1.call-start
scs
__scs_entry_jumppad:
0x0: {  	(pc) =	sbr.rel $0x88, $3  }
0x1: {  	(tag) =	ssettag $0x0;
	lr =	simm.s32 $0x1  }
0x2: {  	[smem:$0x3F9D] =	sst lr;
	_ =	strace $0xD0000000  }
0x3: {  	_ = 	snop  }
0x4: {  	_ = 	snop  }
0x5: {  	_ = 	snop  }
0x6: {  	_ = 	snop  }
0x7: {  	_ = 	snop  }
__scs_overlays_trampoline_lowered:
0x8: {  	[smem:$0x3FAC] =	sst s0  }
0x9: {  	[smem:$0x3FAD] =	sst s1  }
0xa: {  	[smem:$0x3FAE] =	sst s2  }
0xb: {  	[smem:$0x3FAF] =	sst s3  }
0xc: {  	[smem:$0x3FB0] =	sst s4  }
0xd: {  	[smem:$0x3FB1] =	sst s5  }
0xe: {  	[smem:$0x3FB2] =	sst s6  }
0xf: {  	[smem:$0x3FB3] =	sst s7  }
0x10: {  	[smem:$0x3FB4] =	sst s8  }
0x11: {  	[smem:$0x3FB5] =	sst s9;
	s0 =	simm.s32 @!p0 $0x0  }
0x12: {  	s1 =	sld [smem:$0x3F9B];
	s0 =	simm.s32 @p0 $0x1  }
0x13: {  	[smem:$0x3FB6] =	sst s0;
	s0 =	simm.s32 @!p1 $0x0  }
0x14: {  	s2 =	sld [smem:$0x3F9A];
	s0 =	simm.s32 @p1 $0x1  }
0x15: {  	[smem:$0x3FB7] =	sst s0;
	s0 =	simm.s32 @!p2 $0x0  }
0x16: {  	s3 =	sld [smem:$0x3FDB];
	s0 =	simm.s32 @p2 $0x1  }
0x17: {  	s4 =	simm.s32 $0x1BF5;
	[smem:$0x3FB9] =	sst s0  }
0x18: {  	s0 =	sld [smem:$0x3F9C];
	_ =	swait.ge [sflag:s4], $0x0  }
0x19: {  	s7 =	sld [smem:$0x3F9D]  }
0x1a: {  	s8 =	sadd.s32 $0xFFFFE003, lr  }
0x1b: {  	s9 =	sadd.s32 $0xFFFFFEF7, lr;
	s5 =	simm.s32 $0xFFFFFFFF;
	p2 =	slt.u32 s8, $0xFFFFF086  }
0x1c: {  	p1 =	slt.u32 s9, $0xF7A;
	s5 =	simm.s32 @!p2 $0x0  }
0x1d: {  	s5 =	simm.s32 @p1 $0x1;
	p0 =	seq.s32 s7, s2  }
0x1e: {  	s7 =	smul.u32 @!p0 $0xF7A, s2;
	p2 =	seq.s32 @!p0 s5, $0x0  }
0x1f: {  	s9 =	smul.u32 $0xF7A, s1;
	s8 =	simm.s32 @!p0 $0x1BF5;
	p2 =	por !p2, p0  }
0x20: {  	[sflag:s8] =	ssyncset.s32 @!p0 $0xFFFFF086;
	s6 =	sadd.s32 @!p0 s3, s7;
	s7 =	simm.s32 @!p0 $0x108  }
0x21: {  	s3 =	sadd.s32 s3, s9;
	s6 =	sadd.s32 @!p0 $0x88, s6;
	s7 =	simm.s32 @p2 $0x1082  }
0x22: {  	[simem:s7], [sflag:s8] =	dma.local @!p0 [hbm:s6], $0xF7A  }
0x23: {  	s9 =	sor.u32 $0xD0000000, s2;
	s6 =	simm.s32 $0x108;
	_ =	swait.ge @!p0 [sflag:s8], $0x0  }
0x24: {  	s3 =	sadd.s32 $0x88, s3;
	s6 =	simm.s32 @!p1 $0x1082;
	[sflag:s4] =	ssyncset.s32 $0xFFFFF086  }
0x25: {  	[simem:s6], [sflag:s4] =	dma.local [hbm:s3], $0xF7A  }
0x26: {  	[smem:$0x3F9D] =	sst s1;
	(tag) =	ssettag s2;
	_ =	strace s9  }
0x27: {  	s1 =	sld [smem:$0x3FAD]  }
0x28: {  	s2 =	sld [smem:$0x3FAE]  }
0x29: {  	s4 =	sld [smem:$0x3FB0]  }
0x2a: {  	p0 =	seq.s32 s5, $0x0;
	s5 =	sld [smem:$0x3FB1]  }
0x2b: {  	s6 =	sld [smem:$0x3FB2]  }
0x2c: {  	s7 =	sld [smem:$0x3FB3]  }
0x2d: {  	s3 =	simm.s32 $0x108;
	s8 =	sld [smem:$0x3FB4]  }
0x2e: {  	s3 =	simm.s32 @!p0 $0x1082;
	s9 =	sld [smem:$0x3FB5]  }
0x2f: {  	lr =	sadd.s32 s0, s3;
	s0 =	sld [smem:$0x3FAC]  }
0x30: {  	s3 =	sld [smem:$0x3FAF]  }
0x31: {  	[smem:$0x3FB8] =	sst s10  }
0x32: {  	s10 =	sld [smem:$0x3FB6];
	_ =	sdelay $0x3  }
0x33: {  	p0 =	seq.s32 s10, $0x1;
	s10 =	sld [smem:$0x3FB8];
	_ =	sdelay $0x3  }
0x34: {  	[smem:$0x3FB8] =	sst s10  }
0x35: {  	s10 =	sld [smem:$0x3FB7];
	_ =	sdelay $0x3  }
0x36: {  	p1 =	seq.s32 s10, $0x1;
	s10 =	sld [smem:$0x3FB8];
	_ =	sdelay $0x3  }
0x37: {  	[smem:$0x3FB8] =	sst s10  }
0x38: {  	s10 =	sld [smem:$0x3FB9]  }
0x39: {  	_ = 	snop;
	(pc) =	sbr.ind lr, $3  }
0x3a: {  	_ = 	snop  }
0x3b: {  	_ = 	snop  }
0x3c: {  	p2 =	seq.s32 s10, $0x1;
	s10 =	sld [smem:$0x3FB8]  }
0x3d: {  	_ =	shalt  }
0x3e: {  	_ =	shalt  }
0x3f: {  	_ =	shalt  }
0x40: {  	_ =	shalt  }
0x41: {  	_ =	shalt  }
0x42: {  	_ =	shalt  }
0x43: {  	_ =	shalt  }
0x44: {  	_ =	shalt  }
0x45: {  	_ =	shalt  }
0x46: {  	_ =	shalt  }
0x47: {  	_ =	shalt  }
0x48: {  	_ =	shalt  }
0x49: {  	_ =	shalt  }
0x4a: {  	_ =	shalt  }
0x4b: {  	_ =	shalt  }
0x4c: {  	_ =	shalt  }
0x4d: {  	_ =	shalt  }
0x4e: {  	_ =	shalt  }
0x4f: {  	_ =	shalt  }
0x50: {  	_ =	shalt  }
0x51: {  	_ =	shalt  }
0x52: {  	_ =	shalt  }
0x53: {  	_ =	shalt  }
0x54: {  	_ =	shalt  }
0x55: {  	_ =	shalt  }
0x56: {  	_ =	shalt  }
0x57: {  	_ =	shalt  }
0x58: {  	_ =	shalt  }
0x59: {  	_ =	shalt  }
0x5a: {  	_ =	shalt  }
0x5b: {  	_ =	shalt  }
0x5c: {  	_ =	shalt  }
0x5d: {  	_ =	shalt  }
0x5e: {  	_ =	shalt  }
0x5f: {  	_ =	shalt  }
0x60: {  	_ =	shalt  }
0x61: {  	_ =	shalt  }
0x62: {  	_ =	shalt  }
0x63: {  	_ =	shalt  }
0x64: {  	_ =	shalt  }
0x65: {  	_ =	shalt  }
0x66: {  	_ =	shalt  }
0x67: {  	_ =	shalt  }
0x68: {  	_ =	shalt  }
0x69: {  	_ =	shalt  }
0x6a: {  	_ =	shalt  }
0x6b: {  	_ =	shalt  }
0x6c: {  	_ =	shalt  }
0x6d: {  	_ =	shalt  }
0x6e: {  	_ =	shalt  }
0x6f: {  	_ =	shalt  }
0x70: {  	_ =	shalt  }
0x71: {  	_ =	shalt  }
0x72: {  	_ =	shalt  }
0x73: {  	_ =	shalt  }
0x74: {  	_ =	shalt  }
0x75: {  	_ =	shalt  }
0x76: {  	_ =	shalt  }
0x77: {  	_ =	shalt  }
0x78: {  	_ =	shalt  }
0x79: {  	_ =	shalt  }
0x7a: {  	_ =	shalt  }
0x7b: {  	_ =	shalt  }
0x7c: {  	_ =	shalt  }
0x7d: {  	_ =	shalt  }
0x7e: {  	_ =	shalt  }
0x7f: {  	_ =	shalt  }
0x80: {  	_ =	shalt  }
0x81: {  	_ =	shalt  }
0x82: {  	_ =	shalt  }
0x83: {  	_ =	shalt  }
0x84: {  	_ =	shalt  }
0x85: {  	_ =	shalt  }
0x86: {  	_ =	shalt  }
0x87: {  	_ =	shalt  }
.Lfunc_end0:
.L_simem_size_0:
called_computation_lowered:
.L_overlay_start_0:
0x88: {  	s2 =	sld [smem:$0x3FD9]  }
0x89: {  	s3 =	sld [smem:$0x3FFE];
	_ =	sdelay $0x1  }
0x8a: {  	s1 =	srdreg.scid  }
0x8b: {  	s0 =	sand.u32 $0x1, s1  }
0x8c: {  	s17 =	sshll.u32 s0, $0xA;
	s2 =	sadd.s32 s3, s2  }
0x8d: {  	s2 =	sadd.s32 s2, s17  }
0x8e: {  	[smem:$0x3FC4] =	sst s2  }
0x8f: {  	_ = 	snop  }
0x90: {  	s2 =	sld [smem:$0x3FC9]  }
0x91: {  	s18 =	sld [smem:$0x3FC8]  }
0x92: {  	s4 =	sld [smem:$0x3FC7]  }
0x93: {  	s5 =	sld [smem:$0x3FC6];
	(tm) =	ssettm $0x1  }
0x94: {  	s6 =	sld [smem:$0x3FFB];
	_ =	sdelay $0x3  }
0x95: {  	_ =	strace s6  }
0x96: {  	s6 =	sld [smem:$0x3FFC];
	_ =	sdelay $0x3  }
0x97: {  	_ =	strace s6  }
0x98: {  	s6 =	sld [smem:$0x3FFD];
	_ =	sdelay $0x3  }
0x99: {  	_ =	strace s6  }
0x9a: {  	_ =	strace $0x8FFFFFFF  }
0x9b: {  	s19 =	sld [smem:$0x3FDB];
	_ =	sdelay $0x1  }
0x9c: {  	s7 =	simm.s32 $_scs_section_size  }
0x9d: {  	s8 =	simm.s32 $_size__tile_overlayer_lowered;
	s9 =	simm.s32 $_tile_overlayer_lowered  }
0x9e: {  	s22 =	simm.s32 $0x1BFF;
	s21 =	sshll.u32 s9, $0x1;
	s6 =	sadd.s32 s7, s19  }
0x9f: {  	s10 =	simm.s32 $0x0;
	s20 =	sshll.u32 s8, $0x1;
	s8 =	sadd.s32 s21, s6  }
0xa0: {  	[timem:s10], [sflag:s22] =	dma.local [hbm:s8], s20  }
0xa1: {  	_ =	swait.ge [sflag:s22], s20  }
0xa2: {  	s7 =	ssub.s32 $0x0, s20;
	[sflag:s22] =	ssyncset.done $0x0  }
0xa3: {  	[sflag:s22] =	ssyncadd.s32 s7;
	_ =	sdelay $0x1  }
0xa4: {  	s23 =	simm.s32 $0x1B8B  }
0xa5: {  	_ =	swait.ge [sflag:s23], $0x1  }
0xa6: {  	[sflag:s23] =	ssyncset.done $0x0  }
0xa7: {  	s25 =	simm.s32 $0x1B8E;
	s24 =	sld [smem:$0x3FFE];
	[sflag:s23] =	ssyncadd.s32 $0xFFFFFFFF  }
0xa8: {  	s26 =	simm.s32 $execute0_lowered;
	[smem:$0x3FD2] =	sst s25  }
0xa9: {  	s8 =	sshll.u32 s26, $0x1;
	_ =	strace $0x80000046;
	[dreg:$0x1] =	wrdreg $0xFFFFFFFF  }
0xaa: {  	s28 =	simm.s32 $_size_execute0_lowered;
	s6 =	sadd.s32 s6, s8;
	[dreg:$0x0] =	wrdreg $0x0  }
0xab: {  	s8 =	sshll.u32 s28, $0x1;
	[dreg:$0x2] =	wrdreg s6  }
0xac: {  	[dreg:$0x3] =	wrdreg s8  }
0xad: {  	[dreg:$0x4] =	wrdreg $0xC0  }
0xae: {  	_ =	task [dreg:s10], $0x5FFFF  }
0xaf: {  	[dreg:$0x1] =	wrdreg $0xFFFFFFFF  }
0xb0: {  	[dreg:$0x0] =	wrdreg $0x60  }
0xb1: {  	[dreg:$0x2] =	wrdreg s2  }
0xb2: {  	[dreg:$0x3] =	wrdreg s18  }
0xb3: {  	[dreg:$0x4] =	wrdreg s4  }
0xb4: {  	[dreg:$0x5] =	wrdreg s5  }
0xb5: {  	[dreg:$0x6] =	wrdreg s24  }
0xb6: {  	[dreg:$0x7] =	wrdreg $0x9  }
0xb7: {  	_ =	task.clear_ibuf [dreg:s10], $0x8FFFF;
	_ =	strace $0x90000046  }
0xb8: {  	s29 =	simm.s32 $0x9;
	_ =	strace $0x80000048  }
0xb9: {  	_ =	swait.ge [sflag:s29], $0x1  }
0xba: {  	[sflag:s29] =	ssyncadd.s32 $0xFFFFFFFF  }
0xbb: {  	_ =	strace $0x90000048  }
0xbc: {  	_ =	sfence  }
0xbd: {  	s30 =	sld [smem:$0x0];
	_ =	sdelay $0x2  }
0xbe: {  	s31 =	sshll.u32 s1, $0xD;
	s1 =	sshrl.u32 s1, $0x2  }
0xbf: {  	s3 =	sand.u32 $0x4000, s31;
	s1 =	sadd.s32 s1, s30  }
0xc0: {  	s0 =	sor.u32 s3, s0;
	s1 =	sshll.u32 s1, $0x11  }
0xc1: {  	s0 =	sor.u32 s1, s0  }
0xc2: {  	s0 =	sadd.s32 $0x8F2B, s0  }
0xc3: {  	[sflag:s0] =	ssyncadd.remote.s32 $0x1  }
0xc4: {  	_ =	sfence.sel $0xFFFF  }
0xc5: {  	[dreg:$0x0] =	wrdreg $0xFFFFFFFF;
	(pc) =	sbr.abs _section_cstart, $3  }
0xc6: {  	[dreg:$0x1] =	wrdreg $0xFFFFFFFF  }
0xc7: {  	_ =	task.clear_ibuf [dreg:s10], $0x2FFFF;
	_ =	strace $0x9FFFFFFF  }
0xc8: {  	(tm) =	ssettm $0x7FFFFFFF  }
0xc9: {  	_ =	shalt  }
tec
execute0_lowered:
.L_overlay_start_1:
0x0: {  	(tag) =	ssettag $0x1  }
0x1: {  	v0 =	vimm.s32 $0xB80  }
0x2: {  	vm14 =	vcmask $0x300;
	vm13 =	vcmask $0x704;
	vm12 =	vcmask $0xB08  }
0x3: {  	vm11 =	vcmask $0xF0C;
	vm10 =	vcmask $0x1310;
	vm9 =	vcmask $0x1714  }
0x4: {  	vm8 =	vcmask $0x1B18;
	vm7 =	vcmask $0x1F1C;
	vm6 =	vcmask $0x2320  }
0x5: {  	vm5 =	vcmask $0x2724;
	vm4 =	vcmask $0x2B28;
	vm3 =	vcmask $0x2F2C  }
0x6: {  	vm2 =	vcmask $0x3330;
	vm1 =	vcmask $0x3734;
	vm0 =	vcmask $0x3B38  }
0x7: {  	v5 =	vimm.s32 $0x1B80;
	v6 =	vimm.s32 $0x2B80;
	v7 =	vimm.s32 $0x3B80  }
0x8: {  	v0 =	vsel vm14, $0x0, v0;
	v5 =	vsel vm14, $0x1000, v5;
	v6 =	vsel vm14, $0x2000, v6  }
0x9: {  	v7 =	vsel vm14, $0x3000, v7;
	v0 =	vsel vm13, $0x80, v0;
	v5 =	vsel vm13, $0x1080, v5  }
0xa: {  	v6 =	vsel vm13, $0x2080, v6;
	v7 =	vsel vm13, $0x3080, v7;
	v0 =	vsel vm12, $0x100, v0  }
0xb: {  	v5 =	vsel vm12, $0x1100, v5;
	v6 =	vsel vm12, $0x2100, v6;
	v7 =	vsel vm12, $0x3100, v7  }
0xc: {  	v0 =	vsel vm11, $0x180, v0;
	v5 =	vsel vm11, $0x1180, v5;
	v6 =	vsel vm11, $0x2180, v6  }
0xd: {  	v7 =	vsel vm11, $0x3180, v7;
	v0 =	vsel vm10, $0x200, v0;
	v5 =	vsel vm10, $0x1200, v5  }
0xe: {  	s0 =	srdreg.scid;
	s4 =	rddreg [dreg:$0x2];
	v6 =	vsel vm10, $0x2200, v6;
	v7 =	vsel vm10, $0x3200, v7;
	v0 =	vsel vm9, $0x280, v0  }
0xf: {  	s1 =	stileid.u32;
	s3 =	simm.s32 $0x7C40;
	s5 =	rddreg [dreg:$0x3];
	v5 =	vsel vm9, $0x1280, v5;
	v6 =	vsel vm9, $0x2280, v6;
	v7 =	vsel vm9, $0x3280, v7  }
0x10: {  	s22 =	rddreg [dreg:$0x4];
	s2 =	sand.u32 $0x1, s0;
	s20 =	sshll.u32 s1, $0x1;
	v0 =	vsel vm8, $0x300, v0;
	v5 =	vsel vm8, $0x1300, v5;
	v6 =	vsel vm8, $0x2300, v6  }
0x11: {  	s7 =	simm.s32 $0x0;
	s18 =	simm.s32 $0x1;
	s0 =	sor.u32 s2, s20;
	v7 =	vsel vm8, $0x3300, v7;
	v0 =	vsel vm7, $0x380, v0;
	v5 =	vsel vm7, $0x1380, v5  }
0x12: {  	s19 =	simm.s32 $0x7A1400;
	s28 =	simm.s32 $0x4;
	s21 =	smul.u32 $0x7A00, s0;
	v6 =	vsel vm7, $0x2380, v6;
	v7 =	vsel vm7, $0x3380, v7;
	v0 =	vsel vm6, $0x800, v0  }
0x13: {  	s30 =	simm.s32 $0x18800;
	s31 =	simm.s32 $0x1A800;
	[smem:$0x7FF] =	sst s7;
	v5 =	vsel vm6, $0x1800, v5;
	v6 =	vsel vm6, $0x2800, v6;
	v7 =	vsel vm6, $0x3800, v7  }
0x14: {  	s8 =	sadd.s32 $0xC00, s22;
	s9 =	sadd.s32 $0x40C00, s22;
	p0 =	seq.s32 s0, $0x1F;
	v1 =	vsel vm5, $0x880, v0;
	v0 =	vmov s21;
	v5 =	vsel vm5, $0x1880, v5  }
0x15: {  	s25 =	sadd.s32 $0xF4200, s4;
	s26 =	sadd.s32 $0xF4200, s5;
	s3 =	simm.s32 @!p0 $0x7A00;
	v6 =	vsel vm5, $0x2880, v6;
	v7 =	vsel vm5, $0x3880, v7;
	v2 =	vsel vm4, $0x900, v1  }
0x16: {  	s22 =	simm.s32 $0xC800;
	_ =	strace $0x80000047;
	[dreg:$0xa] =	wrdreg s25;
	v1 =	vmov s3;
	v5 =	vsel vm4, $0x1900, v5;
	v6 =	vsel vm4, $0x2900, v6  }
0x17: {  	s2 =	ssub.s32 $0x2, s2;
	[dreg:$0xb] =	wrdreg s26;
	s20 =	simm.s32 $0x800;
	v7 =	vsel vm4, $0x3900, v7;
	v3 =	vsel vm3, $0x980, v2;
	v2 =	vimm.s32 $0x3FFFFFFF  }
0x18: {  	s25 =	simm.s32 $0x2;
	s26 =	simm.s32 $0x3;
	s6 =	sshrl.u32 s2, $0x1;
	v5 =	vsel vm3, $0x1980, v5;
	v6 =	vsel vm3, $0x2980, v6;
	v7 =	vsel vm3, $0x3980, v7  }
0x19: {  	s2 =	ssub.s32 s2, s6;
	s23 =	sadd.s32 s4, s21;
	[dreg:$0x6] =	wrdreg s21;
	v3 =	vsel vm2, $0xA00, v3;
	v5 =	vsel vm2, $0x1A00, v5;
	v6 =	vsel vm2, $0x2A00, v6  }
.Ltmp0:
0x1a: {  	s24 =	sadd.s32 s5, s21;
	[dreg:$0x7] =	wrdreg s23;
	v7 =	vsel vm2, $0x3A00, v7;
	v4 =	vsel vm1, $0xA80, v3;
	v3 =	vlaneseq.u32;
	(pc) =	sbr.rel .LBB2_1-.Ltmp0, $4  }
0x1b: {  	p0 =	sne.s32 s0, $0x1F;
	s1 =	sadd.s32 $0x200, s21;
	[dreg:$0x8] =	wrdreg s24;
	v5 =	vsel vm1, $0x1A80, v5;
	v6 =	vsel vm1, $0x2A80, v6;
	v11 =	vmul.u32 $0x80, v3  }
0x1c: {  	s6 =	simm.s32 $0x5;
	s29 =	smax.u32 s2, $0x1;
	[dreg:$0x9] =	wrdreg s1;
	v7 =	vsel vm1, $0x3A80, v7;
	v4 =	vsel vm0, $0xB00, v4;
	v5 =	vsel vm0, $0x1B00, v5  }
0x1d: {  	s0 =	simm.s32 $0x6;
	s2 =	simm.s32 $0x0;
	[dreg:$0xc] =	wrdreg s29;
	v6 =	vsel vm0, $0x2B00, v6;
	v7 =	vsel vm0, $0x3B00, v7;
	v8 =	vadd.s32 $0xFFFF8400, v11  }
0x1e: {  	s23 =	simm.s32 $0x10800;
	s24 =	simm.s32 $0x14800;
	s21 =	simm.s32 $0x8800;
	v9 =	vadd.s32 $0xFFFF8C00, v11;
	v10 =	vadd.s32 $0xFFFF9400, v11;
	v11 =	vadd.s32 $0xFFFF9C00, v11  }
.LBB2_75:
0x1f: {  	[sflag:s0] =	ssyncadd.s32 $0xFFFFFF80  }
.LBB2_76:
0x20: {  	s2 =	sadd.s32 $0x1, s2;
	s1 =	rddreg [dreg:$0xc]  }
0x21: {  	p1 =	sne.s32 s2, s1  }
.Ltmp1:
0x22: {  	_ = 	snop;
	(pc) =	sbr.rel @!p1 .LBB2_77-.Ltmp1, $1  }
0x23: {  	_ =	sdelay $0x3  }
.LBB2_1:
0x24: {  	[dreg:$0xd] =	wrdreg s2  }
0x25: {  	s1 =	rddreg [dreg:$0x0];
	s17 =	simm.s32 $0x7  }
0x26: {  	[tilespmem:s7], [sflag:$0x7] =	stream.linear.gather [hbm4b:s1+s7], $0x4000, $0x38;
	[tilespmem:$0x1D000] =	vst v63  }
0x27: {  	_ =	swait.ge [sflag:s17], $0x4000  }
0x28: {  	[sflag:s17] =	ssyncset.done $0x0  }
0x29: {  	[sflag:s17] =	ssyncadd.s32 $0xFFFFC000  }
0x2a: {  	s3 =	simm.s32 $0x4000;
	s29 =	rddreg [dreg:$0x1]  }
0x2b: {  	[tilespmem:s3], [sflag:$0x7] =	stream.linear.gather [hbm4b:s29+s7], $0x4000, $0x38;
	[tilespmem:$0x1D000] =	vst v63  }
0x2c: {  	_ =	swait.ge [sflag:s17], $0x4000  }
0x2d: {  	[sflag:s17] =	ssyncset.done $0x0  }
0x2e: {  	s10 =	simm.s32 $0x0;
	s3 =	simm.s32 $0x40;
	[sflag:s17] =	ssyncadd.s32 $0xFFFFC000  }
.LBB2_2:
0x2f: {  	p1 =	sne.s32 s3, $0xFC0;
	[tilespmem:s10+$0x8000] =	vst v2;
	s10 =	smov.u32 s3;
	s3 =	sadd.s32 $0x40, s3  }
.Ltmp2:
0x30: {  	(pc) =	sbr.rel @p1 .LBB2_2-.Ltmp2, $2  }
0x31: {  	_ =	sdelay $0x2  }
0x32: {  	s10 =	sshra.s32 s10, $0x2  }
0x33: {  	[tilespmem:s10+$0x8000] =	vst v2;
	s10 =	simm.s32 $0x0  }
0x34: {  	v12 =	vld [tilespmem:s10+$0x0];
	_ =	sdelay $0x4  }
0x35: {  	v12 =	vsub.s32 v12, v0  }
0x36: {  	vm0 =	vgt.s32 v12, $0xFFFFFFFF;
	vm1 =	vlt.s32 v12, v1  }
0x37: {  	vm0 =	vmand vm0, vm1  }
0x38: {  	v13 =	vmpcnt.ones.xlane vm0;
	_ =	sdelay $0x1  }
0x39: {  	(v2sf) =	vpush v13, $0x0;
	_ =	sdelay $0x1  }
0x3a: {  	v12 =	vshll.u32 v12, $0xE  }
0x3b: {  	v12 =	vadd.s32 s10, v12  }
0x3c: {  	v12 =	vadd.s32 v3, v12  }
0x3d: {  	s3 =	simm.s32 $0x10;
	[tilespmem:s10+$0x8000] =	vst.msk vm0, v12  }
0x3e: {  	s13 =	simm.s32 $0x20;
	s11 =	simm.s32 $0x0;
	s14 =	simm.s32 $0x10;
	v12 =	vld [tilespmem:s3+$0x0]  }
.LBB2_4:
0x3f: {  	p1 =	sne.s32 s13, $0x3FF0;
	_ =	sdelay $0x3  }
0x40: {  	v12 =	vsub.s32 v12, v0  }
0x41: {  	vm0 =	vgt.s32 v12, $0xFFFFFFFF;
	vm1 =	vlt.s32 v12, v1;
	v12 =	vshll.u32 v12, $0xE  }
0x42: {  	vm0 =	vmand vm0, vm1  }
0x43: {  	v13 =	vmpcnt.ones.xlane vm0  }
0x44: {  	s15 =	spop (v2sf)  }
0x45: {  	(v2sf) =	vpush v13, $0x0;
	s11 =	sadd.s32 s11, s15  }
0x46: {  	v12 =	vadd.s32 s3, v12;
	s3 =	smov.u32 s13;
	p2 =	slt.s32 s11, $0x3F0  }
.Ltmp3:
0x47: {  	v12 =	vadd.s32 v3, v12;
	s11 =	simm.s32 @!p2 $0x3F0;
	(pc) =	sbr.rel @p1 .LBB2_4-.Ltmp3, $3  }
0x48: {  	[tilespmem:s11+$0x8000] =	vst.msk vm0, v12;
	_ =	sdelay $0x1  }
0x49: {  	s14 =	sadd.s32 $0x10, s14  }
0x4a: {  	s13 =	sadd.s32 $0x10, s13;
	v12 =	vld [tilespmem:s14+$0x0]  }
0x4b: {  	_ =	sdelay $0x3  }
0x4c: {  	v12 =	vsub.s32 v12, v0  }
0x4d: {  	vm0 =	vgt.s32 v12, $0xFFFFFFFF;
	vm1 =	vlt.s32 v12, v1  }
0x4e: {  	vm0 =	vmand vm0, vm1  }
0x4f: {  	v13 =	vmpcnt.ones.xlane vm0;
	_ =	sdelay $0x1  }
0x50: {  	(v2sf) =	vpush v13, $0x0;
	_ =	sdelay $0xb  }
0x51: {  	s13 =	spop (v2sf)  }
0x52: {  	s13 =	sadd.s32 s11, s13  }
0x53: {  	p1 =	slt.s32 s13, $0x3F0  }
0x54: {  	v12 =	vshll.u32 v12, $0xE;
	s13 =	simm.s32 @!p1 $0x3F0;
	s29 =	spop (v2sf)  }
0x55: {  	v12 =	vadd.s32 s3, v12;
	s3 =	sadd.s32 s13, s29  }
0x56: {  	v12 =	vadd.s32 v3, v12;
	p1 =	slt.s32 s3, $0x3F0;
	s11 =	smov.u32 s3  }
0x57: {  	[tilespmem:s13+$0x8000] =	vst.msk vm0, v12;
	s11 =	simm.s32 @!p1 $0x3F0  }
.LBB2_6:
0x58: {  	p1 =	sne.s32 s10, $0xFC0  }
.Ltmp4:
0x59: {  	_ = 	snop;
	(pc) =	sbr.rel @p1 .LBB2_6-.Ltmp4, $3  }
0x5a: {  	_ =	sdelay $0x1  }
0x5b: {  	s13 =	sshra.s32 s10, $0x2  }
0x5c: {  	s10 =	sadd.s32 $0x40, s10;
	[tilespmem:s13+$0x8400] =	vst v2  }
0x5d: {  	s10 =	simm.s32 $0x4000  }
0x5e: {  	v12 =	vld [tilespmem:s10+$0x0];
	_ =	sdelay $0x4  }
0x5f: {  	v12 =	vsub.s32 v12, v0  }
0x60: {  	vm0 =	vgt.s32 v12, $0xFFFFFFFF;
	vm1 =	vlt.s32 v12, v1  }
0x61: {  	vm0 =	vmand vm0, vm1  }
0x62: {  	v13 =	vmpcnt.ones.xlane vm0;
	_ =	sdelay $0x1  }
0x63: {  	(v2sf) =	vpush v13, $0x0;
	_ =	sdelay $0x1  }
0x64: {  	s13 =	simm.s32 $0x0;
	v12 =	vshll.u32 v12, $0xE  }
0x65: {  	v12 =	vadd.s32 s13, v12  }
0x66: {  	v12 =	vadd.s32 v3, v12  }
0x67: {  	s14 =	simm.s32 $0x4010;
	[tilespmem:s13+$0x8400] =	vst.msk vm0, v12  }
0x68: {  	s15 =	simm.s32 $0x20;
	s10 =	simm.s32 $0x10;
	v12 =	vld [tilespmem:s14+$0x0]  }
.LBB2_8:
0x69: {  	p1 =	sne.s32 s15, $0x3FF0;
	_ =	sdelay $0x3  }
0x6a: {  	v12 =	vsub.s32 v12, v0  }
0x6b: {  	vm0 =	vgt.s32 v12, $0xFFFFFFFF;
	vm1 =	vlt.s32 v12, v1;
	v12 =	vshll.u32 v12, $0xE  }
0x6c: {  	vm0 =	vmand vm0, vm1  }
0x6d: {  	v13 =	vmpcnt.ones.xlane vm0  }
0x6e: {  	s16 =	spop (v2sf)  }
0x6f: {  	(v2sf) =	vpush v13, $0x0;
	s13 =	sadd.s32 s13, s16  }
0x70: {  	v12 =	vadd.s32 s10, v12;
	s10 =	smov.u32 s15;
	p2 =	slt.s32 s13, $0x3F0  }
.Ltmp5:
0x71: {  	v12 =	vadd.s32 v3, v12;
	s13 =	simm.s32 @!p2 $0x3F0;
	(pc) =	sbr.rel @p1 .LBB2_8-.Ltmp5, $3  }
0x72: {  	[tilespmem:s13+$0x8400] =	vst.msk vm0, v12;
	_ =	sdelay $0x1  }
0x73: {  	s14 =	sadd.s32 $0x10, s14  }
0x74: {  	s15 =	sadd.s32 $0x10, s15;
	v12 =	vld [tilespmem:s14+$0x0]  }
0x75: {  	_ =	sdelay $0x3  }
0x76: {  	v12 =	vsub.s32 v12, v0  }
0x77: {  	vm0 =	vgt.s32 v12, $0xFFFFFFFF;
	vm1 =	vlt.s32 v12, v1  }
0x78: {  	vm0 =	vmand vm0, vm1  }
0x79: {  	v13 =	vmpcnt.ones.xlane vm0;
	_ =	sdelay $0x1  }
0x7a: {  	(v2sf) =	vpush v13, $0x0;
	_ =	sdelay $0xb  }
0x7b: {  	s14 =	spop (v2sf)  }
0x7c: {  	s11 =	sadd.s32 $0xF, s11;
	p2 =	slt.s32 s3, $0xFFFFFFF2;
	s13 =	sadd.s32 s13, s14  }
0x7d: {  	s17 =	rddreg [dreg:$0x8];
	s29 =	simm.s32 $0x0;
	v12 =	vshll.u32 v12, $0xE;
	p1 =	slt.s32 s13, $0x3F0  }
0x7e: {  	s15 =	sand.u32 $0xF, s11;
	v12 =	vadd.s32 s10, v12;
	s13 =	simm.s32 @!p1 $0x3F0;
	s1 =	spop (v2sf)  }
0x7f: {  	s2 =	sshra.s32 s11, $0x1F;
	p3 =	sne.s32 s15, $0x0;
	v12 =	vadd.s32 v3, v12;
	s14 =	sadd.s32 s13, s1  }
0x80: {  	[tilespmem:s13+$0x8400] =	vst.msk vm0, v12;
	s1 =	rddreg [dreg:$0x7];
	p1 =	slt.s32 s14, $0x3F0;
	s3 =	smov.u32 s14  }
0x81: {  	[tilespmem:s21], [sflag:$0x1] =	stream.strided.gather [hbm4b:s1+s20], $0x4000, s19, s20, $0x38;
	[tilespmem:$0x1D000] =	vst v63  }
0x82: {  	s15 =	sshrl.u32 s2, $0x1C;
	p4 =	por !p2, !p3;
	s3 =	simm.s32 @!p1 $0x3F0  }
0x83: {  	s11 =	sadd.s32 s15, s11;
	s15 =	simm.s32 $0x1;
	s3 =	sadd.s32 $0xF, s3  }
0x84: {  	[tilespmem:s22], [sflag:$0x2] =	stream.strided.gather [hbm4b:s17+s20], $0x4000, s19, s20, $0x38;
	[tilespmem:$0x1D000] =	vst v63  }
0x85: {  	p5 =	slt.s32 s14, $0xFFFFFFF2;
	p1 =	por !p4, !p4;
	s12 =	sand.u32 $0xF, s3  }
0x86: {  	s15 =	simm.s32 @!p1 $0x0;
	s16 =	sshra.s32 s3, $0x1F;
	p6 =	sne.s32 s12, $0x0  }
.Ltmp6:
0x87: {  	s10 =	sshrl.u32 s16, $0x1C;
	p1 =	por !p5, !p6;
	(pc) =	sbr.rel .LBB2_10-.Ltmp6, $4  }
0x88: {  	s3 =	sadd.s32 s10, s3;
	s10 =	simm.s32 $0x1;
	p1 =	por !p1, !p1  }
0x89: {  	s11 =	sshra.s32 s11, $0x4;
	s3 =	sshra.s32 s3, $0x4;
	s10 =	simm.s32 @!p1 $0x0  }
0x8a: {  	s17 =	simm.s32 $0x0;
	s14 =	ssub.s32 s11, s15;
	s13 =	ssub.s32 s3, s10  }
0x8b: {  	p1 =	slt.s32 s14, $0x1;
	s3 =	simm.s32 $0x0;
	p2 =	slt.s32 s13, $0x1  }
.LBB2_34:
0x8c: {  	s29 =	sadd.s32 $0x1, s29  }
0x8d: {  	p3 =	sne.s32 s29, $0x3D  }
.Ltmp7:
0x8e: {  	_ = 	snop;
	(pc) =	sbr.rel @!p3 .LBB2_35-.Ltmp7, $1  }
0x8f: {  	_ =	sdelay $0x3  }
.LBB2_10:
0x90: {  	s10 =	sshllo.u32 s29, $0x1  }
0x91: {  	s1 =	rddreg [dreg:$0x6];
	s11 =	sshll.u32 s10, $0x8  }
0x92: {  	s15 =	sadd.s32 s1, s11  }
0x93: {  	s16 =	sadd.s32 s4, s15  }
0x94: {  	[tilespmem:s23], [sflag:$0x3] =	stream.strided.gather [hbm4b:s16+s20], $0x4000, s19, s20, $0x38;
	[tilespmem:$0x1D000] =	vst v63  }
0x95: {  	s15 =	sadd.s32 s5, s15  }
0x96: {  	[tilespmem:s24], [sflag:$0x4] =	stream.strided.gather [hbm4b:s15+s20], $0x4000, s19, s20, $0x38;
	[tilespmem:$0x1D000] =	vst v63  }
0x97: {  	_ =	swait.ge [sflag:s18], $0x4000  }
.Ltmp8:
0x98: {  	[sflag:s18] =	ssyncset.done $0x0;
	(pc) =	sbr.rel @p1 .LBB2_16-.Ltmp8, $4  }
0x99: {  	[sflag:s18] =	ssyncadd.s32 $0xFFFFC000  }
0x9a: {  	_ =	swait.ge [sflag:s25], $0x4000  }
0x9b: {  	s2 =	sshll.u32 s29, $0x1;
	s12 =	sshll.u32 s29, $0x9;
	[sflag:s25] =	ssyncset.done $0x0  }
0x9c: {  	v12 =	vmov s2;
	v13 =	vmov s12;
	[sflag:s25] =	ssyncadd.s32 $0xFFFFC000  }
.Ltmp9:
0x9d: {  	(pc) =	sbr.rel .LBB2_12-.Ltmp9, $2  }
0x9e: {  	_ =	sdelay $0x2  }
0x9f: {  	s15 =	simm.s32 $0x0  }
.LBB2_15:
0xa0: {  	s15 =	sadd.s32 $0x1, s15  }
0xa1: {  	p3 =	seq.s32 s15, s14  }
.Ltmp10:
0xa2: {  	_ = 	snop;
	(pc) =	sbr.rel @p3 .LBB2_16-.Ltmp10, $1  }
0xa3: {  	_ =	sdelay $0x3  }
.LBB2_12:
0xa4: {  	s16 =	sshll.u32 s15, $0x6  }
0xa5: {  	s16 =	sshra.s32 s16, $0x2  }
0xa6: {  	v14 =	vld [tilespmem:s16+$0x8000];
	_ =	sdelay $0x4  }
0xa7: {  	v15 =	vshra.s32 v14, $0x16  }
0xa8: {  	vm0 =	veq.s32 v15, v12  }
0xa9: {  	v15 =	vmpcnt.ones.xlane vm0;
	_ =	sdelay $0x1  }
0xaa: {  	(v2sf) =	vpush v15, $0x0;
	_ =	sdelay $0xe  }
0xab: {  	s12 =	spop (v2sf)  }
0xac: {  	p3 =	slt.s32 s12, $0x1  }
.Ltmp11:
0xad: {  	_ = 	snop;
	(pc) =	sbr.rel @p3 .LBB2_15-.Ltmp11, $1  }
0xae: {  	_ =	sdelay $0x3  }
0xaf: {  	s16 =	sshll.u32 s17, $0x7  }
.LBB2_14:
0xb0: {  	v15 =	vmctz.xlane vm0;
	_ =	sdelay $0x1  }
0xb1: {  	v15 =	vbroadcast v15, $0x0;
	_ =	sdelay $0x1  }
0xb2: {  	v16 =	vperm.xlane v14, v15;
	_ =	sdelay $0x1  }
0xb3: {  	v17 =	vshra.s32 v16, $0xE  }
0xb4: {  	v18 =	vsub.s32 v17, v13  }
0xb5: {  	v18 =	vshll.u32 v18, $0x3  }
0xb6: {  	v17 =	vand.u32 $0x7F, v17;
	v18 =	vand.u32 $0xFFFFFC00, v18  }
0xb7: {  	v17 =	vor.u32 v17, v18  }
0xb8: {  	v18 =	vadd.s32 v4, v17;
	_ =	sdelay $0x4  }
0xb9: {  	v18 =	vld.idx.msk [tilespmem:v18+s21+$0x0], $0xffff  }
0xba: {  	v19 =	vadd.s32 v5, v17;
	_ =	sdelay $0x2  }
0xbb: {  	s2 =	sand.u32 $0x380, s16  }
0xbc: {  	[tilespmem:s2+$0x1C800] =	vst v18  }
0xbd: {  	v18 =	vld.idx.msk [tilespmem:v19+s21+$0x0], $0xffff  }
0xbe: {  	v62 =	vadd.s32 v6, v17  }
0xbf: {  	(v2sf) =	vpush v16, $0x0;
	_ =	sdelay $0x2  }
0xc0: {  	[tilespmem:s2+$0x1C810] =	vst v18  }
0xc1: {  	v63 =	vld.idx.msk [tilespmem:v62+s21+$0x0], $0xffff  }
0xc2: {  	v17 =	vadd.s32 v7, v17;
	_ =	sdelay $0x3  }
0xc3: {  	[tilespmem:s2+$0x1C820] =	vst v63  }
0xc4: {  	v16 =	vld.idx.msk [tilespmem:v17+s21+$0x0], $0xffff;
	_ =	sdelay $0x2  }
0xc5: {  	vm1 =	vne.s32 v15, v3  }
0xc6: {  	p3 =	slt.s32 s17, $0x8;
	vm0 =	vmand vm0, vm1  }
0xc7: {  	s12 =	simm.s32 @!p3 $0x5;
	v15 =	vmpcnt.ones.xlane vm0;
	s1 =	spop (v2sf);
	[tilespmem:s2+$0x1C830] =	vst v16  }
0xc8: {  	_ =	swait.ge @!p3 [sflag:s12], $0x80  }
0xc9: {  	(v2sf) =	vpush v15, $0x0;
	_ =	sdelay $0xd  }
0xca: {  	[sflag:s12] =	ssyncset.done @!p3 $0x0  }
0xcb: {  	[sflag:s12] =	ssyncadd.s32 @!p3 $0xFFFFFF80;
	s12 =	spop (v2sf)  }
0xcc: {  	p3 =	sgt.s32 s12, $0x0  }
.Ltmp12:
0xcd: {  	_ = 	snop;
	(pc) =	sbr.rel @p3 .LBB2_14-.Ltmp12, $4  }
0xce: {  	s1 =	sshll.u32 s1, $0x4  }
0xcf: {  	s17 =	sadd.s32 $0x1, s17;
	s1 =	sand.u32 $0x3FFF0, s1  }
0xd0: {  	s16 =	sadd.s32 $0x80, s16;
	s1 =	sadd.s32 s8, s1;
	s2 =	sor.u32 $0x1C800, s2  }
0xd1: {  	[hbm4b:s1+s7] =	stream.linear.scatter [tilespmem:s2], [sflag:$0x5], $0x80, $0x38;
	[tilespmem:$0x1D000] =	vst v63  }
.Ltmp13:
0xd2: {  	_ = 	snop;
	(pc) =	sbr.rel .LBB2_15-.Ltmp13, $1  }
0xd3: {  	_ =	sdelay $0x3  }
.LBB2_16:
.Ltmp14:
0xd4: {  	(pc) =	sbr.rel @p2 .LBB2_22-.Ltmp14, $1  }
0xd5: {  	_ =	sdelay $0x3  }
.Ltmp15:
0xd6: {  	(pc) =	sbr.rel .LBB2_18-.Ltmp15, $2  }
0xd7: {  	_ =	sdelay $0x2  }
0xd8: {  	s15 =	simm.s32 $0x0  }
.LBB2_21:
0xd9: {  	s15 =	sadd.s32 $0x1, s15  }
0xda: {  	p3 =	sne.s32 s15, s13  }
.Ltmp16:
0xdb: {  	_ = 	snop;
	(pc) =	sbr.rel @!p3 .LBB2_22-.Ltmp16, $1  }
0xdc: {  	_ =	sdelay $0x3  }
.LBB2_18:
0xdd: {  	s1 =	sshll.u32 s15, $0x6  }
0xde: {  	s1 =	sshra.s32 s1, $0x2  }
0xdf: {  	v14 =	vld [tilespmem:s1+$0x8400];
	_ =	sdelay $0x4  }
0xe0: {  	v15 =	vshra.s32 v14, $0x16  }
0xe1: {  	vm0 =	veq.s32 v15, v12  }
0xe2: {  	v15 =	vmpcnt.ones.xlane vm0;
	_ =	sdelay $0x1  }
0xe3: {  	(v2sf) =	vpush v15, $0x0;
	_ =	sdelay $0xe  }
0xe4: {  	s16 =	spop (v2sf)  }
0xe5: {  	p3 =	slt.s32 s16, $0x1  }
.Ltmp17:
0xe6: {  	_ = 	snop;
	(pc) =	sbr.rel @p3 .LBB2_21-.Ltmp17, $1  }
0xe7: {  	_ =	sdelay $0x3  }
0xe8: {  	s16 =	sshll.u32 s3, $0x7  }
.LBB2_20:
0xe9: {  	v15 =	vmctz.xlane vm0;
	_ =	sdelay $0x1  }
0xea: {  	v15 =	vbroadcast v15, $0x0;
	_ =	sdelay $0x1  }
0xeb: {  	v16 =	vperm.xlane v14, v15;
	_ =	sdelay $0x1  }
0xec: {  	v17 =	vshra.s32 v16, $0xE  }
0xed: {  	v18 =	vsub.s32 v17, v13  }
0xee: {  	v18 =	vshll.u32 v18, $0x3  }
0xef: {  	v17 =	vand.u32 $0x7F, v17;
	v18 =	vand.u32 $0xFFFFFC00, v18  }
0xf0: {  	v17 =	vor.u32 v17, v18  }
0xf1: {  	v18 =	vadd.s32 v4, v17;
	_ =	sdelay $0x4  }
0xf2: {  	v18 =	vld.idx.msk [tilespmem:v18+s22+$0x0], $0xffff  }
0xf3: {  	v19 =	vadd.s32 v5, v17;
	_ =	sdelay $0x2  }
0xf4: {  	s1 =	sand.u32 $0x380, s16  }
0xf5: {  	[tilespmem:s1+$0x1CC00] =	vst v18  }
0xf6: {  	v18 =	vld.idx.msk [tilespmem:v19+s22+$0x0], $0xffff  }
0xf7: {  	v62 =	vadd.s32 v6, v17  }
0xf8: {  	(v2sf) =	vpush v16, $0x0;
	_ =	sdelay $0x2  }
0xf9: {  	[tilespmem:s1+$0x1CC10] =	vst v18  }
0xfa: {  	v63 =	vld.idx.msk [tilespmem:v62+s22+$0x0], $0xffff  }
0xfb: {  	v17 =	vadd.s32 v7, v17;
	_ =	sdelay $0x3  }
0xfc: {  	[tilespmem:s1+$0x1CC20] =	vst v63  }
0xfd: {  	v16 =	vld.idx.msk [tilespmem:v17+s22+$0x0], $0xffff;
	_ =	sdelay $0x2  }
0xfe: {  	vm1 =	vne.s32 v15, v3  }
0xff: {  	p3 =	slt.s32 s3, $0x8;
	vm0 =	vmand vm0, vm1  }
0x100: {  	s12 =	simm.s32 @!p3 $0x6;
	v15 =	vmpcnt.ones.xlane vm0;
	s2 =	spop (v2sf);
	[tilespmem:s1+$0x1CC30] =	vst v16  }
0x101: {  	_ =	swait.ge @!p3 [sflag:s12], $0x80  }
0x102: {  	(v2sf) =	vpush v15, $0x0;
	_ =	sdelay $0xd  }
0x103: {  	[sflag:s12] =	ssyncset.done @!p3 $0x0  }
0x104: {  	[sflag:s12] =	ssyncadd.s32 @!p3 $0xFFFFFF80;
	s12 =	spop (v2sf)  }
0x105: {  	p3 =	sgt.s32 s12, $0x0  }
.Ltmp18:
0x106: {  	_ = 	snop;
	(pc) =	sbr.rel @p3 .LBB2_20-.Ltmp18, $4  }
0x107: {  	s2 =	sshll.u32 s2, $0x4  }
0x108: {  	s3 =	sadd.s32 $0x1, s3;
	s2 =	sand.u32 $0x3FFF0, s2  }
0x109: {  	s16 =	sadd.s32 $0x80, s16;
	s2 =	sadd.s32 s9, s2;
	s1 =	sor.u32 $0x1CC00, s1  }
0x10a: {  	[hbm4b:s2+s7] =	stream.linear.scatter [tilespmem:s1], [sflag:$0x6], $0x80, $0x38;
	[tilespmem:$0x1D000] =	vst v63  }
.Ltmp19:
0x10b: {  	_ = 	snop;
	(pc) =	sbr.rel .LBB2_21-.Ltmp19, $1  }
0x10c: {  	_ =	sdelay $0x3  }
.LBB2_22:
0x10d: {  	p3 =	seq.s32 s29, $0x3C  }
0x10e: {  	s2 =	rddreg [dreg:$0x9];
	s1 =	sshll.u32 @!p3 s29, $0x9  }
0x10f: {  	s12 =	simm.s32 @!p3 $0x800;
	s1 =	sadd.s32 @!p3 s1, s2  }
0x110: {  	s15 =	simm.s32 @!p3 $0x7A1400;
	s16 =	simm.s32 @!p3 $0x8800;
	s2 =	sadd.s32 @!p3 s4, s1  }
0x111: {  	[tilespmem:s16], [sflag:$0x1] =	stream.strided.gather @!p3 [hbm4b:s2+s12], $0x4000, s15, s12, $0x38;
	[tilespmem:$0x1D000] =	vst v63  }
0x112: {  	s1 =	sadd.s32 @!p3 s5, s1;
	s2 =	simm.s32 @!p3 $0xC800  }
0x113: {  	[tilespmem:s2], [sflag:$0x2] =	stream.strided.gather @!p3 [hbm4b:s1+s12], $0x4000, s15, s12, $0x38;
	[tilespmem:$0x1D000] =	vst v63  }
0x114: {  	_ =	swait.ge [sflag:s26], $0x4000  }
.Ltmp20:
0x115: {  	[sflag:s26] =	ssyncset.done $0x0;
	(pc) =	sbr.rel @p1 .LBB2_28-.Ltmp20, $4  }
0x116: {  	[sflag:s26] =	ssyncadd.s32 $0xFFFFC000  }
0x117: {  	_ =	swait.ge [sflag:s28], $0x4000  }
0x118: {  	[sflag:s28] =	ssyncset.done $0x0  }
0x119: {  	v12 =	vmov s10;
	v13 =	vmov s11;
	[sflag:s28] =	ssyncadd.s32 $0xFFFFC000  }
.Ltmp21:
0x11a: {  	(pc) =	sbr.rel .LBB2_24-.Ltmp21, $2  }
0x11b: {  	_ =	sdelay $0x2  }
0x11c: {  	s10 =	simm.s32 $0x0  }
.LBB2_27:
0x11d: {  	s10 =	sadd.s32 $0x1, s10  }
0x11e: {  	p3 =	seq.s32 s10, s14  }
.Ltmp22:
0x11f: {  	_ = 	snop;
	(pc) =	sbr.rel @p3 .LBB2_28-.Ltmp22, $1  }
0x120: {  	_ =	sdelay $0x3  }
.LBB2_24:
0x121: {  	s1 =	sshll.u32 s10, $0x6  }
0x122: {  	s1 =	sshra.s32 s1, $0x2  }
0x123: {  	v14 =	vld [tilespmem:s1+$0x8000];
	_ =	sdelay $0x4  }
0x124: {  	v15 =	vshra.s32 v14, $0x16  }
0x125: {  	vm0 =	veq.s32 v15, v12  }
0x126: {  	v15 =	vmpcnt.ones.xlane vm0;
	_ =	sdelay $0x1  }
0x127: {  	(v2sf) =	vpush v15, $0x0;
	_ =	sdelay $0xe  }
0x128: {  	s16 =	spop (v2sf)  }
0x129: {  	p3 =	slt.s32 s16, $0x1  }
.Ltmp23:
0x12a: {  	_ = 	snop;
	(pc) =	sbr.rel @p3 .LBB2_27-.Ltmp23, $1  }
0x12b: {  	_ =	sdelay $0x3  }
0x12c: {  	s11 =	sshll.u32 s17, $0x7  }
.LBB2_26:
0x12d: {  	v15 =	vmctz.xlane vm0;
	_ =	sdelay $0x1  }
0x12e: {  	v15 =	vbroadcast v15, $0x0;
	_ =	sdelay $0x1  }
0x12f: {  	v16 =	vperm.xlane v14, v15;
	_ =	sdelay $0x1  }
0x130: {  	v17 =	vshra.s32 v16, $0xE  }
0x131: {  	v18 =	vsub.s32 v17, v13  }
0x132: {  	v18 =	vshll.u32 v18, $0x3  }
0x133: {  	v17 =	vand.u32 $0x7F, v17;
	v18 =	vand.u32 $0xFFFFFC00, v18  }
0x134: {  	v17 =	vor.u32 v17, v18  }
0x135: {  	v18 =	vadd.s32 v4, v17;
	_ =	sdelay $0x4  }
0x136: {  	v18 =	vld.idx.msk [tilespmem:v18+s23+$0x0], $0xffff  }
0x137: {  	v19 =	vadd.s32 v5, v17;
	_ =	sdelay $0x2  }
0x138: {  	s1 =	sand.u32 $0x380, s11  }
0x139: {  	[tilespmem:s1+$0x1C800] =	vst v18  }
0x13a: {  	v18 =	vld.idx.msk [tilespmem:v19+s23+$0x0], $0xffff  }
0x13b: {  	v62 =	vadd.s32 v6, v17  }
0x13c: {  	(v2sf) =	vpush v16, $0x0;
	_ =	sdelay $0x2  }
0x13d: {  	[tilespmem:s1+$0x1C810] =	vst v18  }
0x13e: {  	v63 =	vld.idx.msk [tilespmem:v62+s23+$0x0], $0xffff  }
0x13f: {  	v17 =	vadd.s32 v7, v17;
	_ =	sdelay $0x3  }
0x140: {  	[tilespmem:s1+$0x1C820] =	vst v63  }
0x141: {  	v16 =	vld.idx.msk [tilespmem:v17+s23+$0x0], $0xffff;
	_ =	sdelay $0x2  }
0x142: {  	vm1 =	vne.s32 v15, v3  }
0x143: {  	p3 =	slt.s32 s17, $0x8;
	vm0 =	vmand vm0, vm1  }
0x144: {  	s12 =	simm.s32 @!p3 $0x5;
	v15 =	vmpcnt.ones.xlane vm0;
	s2 =	spop (v2sf);
	[tilespmem:s1+$0x1C830] =	vst v16  }
0x145: {  	_ =	swait.ge @!p3 [sflag:s12], $0x80  }
0x146: {  	(v2sf) =	vpush v15, $0x0;
	_ =	sdelay $0xe  }
0x147: {  	[sflag:s12] =	ssyncset.done @!p3 $0x0;
	s16 =	spop (v2sf)  }
0x148: {  	[sflag:s12] =	ssyncadd.s32 @!p3 $0xFFFFFF80;
	p3 =	sgt.s32 s16, $0x0  }
.Ltmp24:
0x149: {  	_ = 	snop;
	(pc) =	sbr.rel @p3 .LBB2_26-.Ltmp24, $4  }
0x14a: {  	s2 =	sshll.u32 s2, $0x4  }
0x14b: {  	s17 =	sadd.s32 $0x1, s17;
	s2 =	sand.u32 $0x3FFF0, s2  }
0x14c: {  	s11 =	sadd.s32 $0x80, s11;
	s2 =	sadd.s32 s8, s2;
	s1 =	sor.u32 $0x1C800, s1  }
0x14d: {  	[hbm4b:s2+s7] =	stream.linear.scatter [tilespmem:s1], [sflag:$0x5], $0x80, $0x38;
	[tilespmem:$0x1D000] =	vst v63  }
.Ltmp25:
0x14e: {  	_ = 	snop;
	(pc) =	sbr.rel .LBB2_27-.Ltmp25, $1  }
0x14f: {  	_ =	sdelay $0x3  }
.LBB2_28:
.Ltmp26:
0x150: {  	(pc) =	sbr.rel @p2 .LBB2_34-.Ltmp26, $1  }
0x151: {  	_ =	sdelay $0x3  }
.Ltmp27:
0x152: {  	(pc) =	sbr.rel .LBB2_30-.Ltmp27, $2  }
0x153: {  	_ =	sdelay $0x2  }
0x154: {  	s10 =	simm.s32 $0x0  }
.LBB2_33:
0x155: {  	s10 =	sadd.s32 $0x1, s10  }
0x156: {  	p3 =	sne.s32 s10, s13  }
.Ltmp28:
0x157: {  	_ = 	snop;
	(pc) =	sbr.rel @!p3 .LBB2_34-.Ltmp28, $1  }
0x158: {  	_ =	sdelay $0x3  }
.LBB2_30:
0x159: {  	s1 =	sshll.u32 s10, $0x6  }
0x15a: {  	s1 =	sshra.s32 s1, $0x2  }
0x15b: {  	v14 =	vld [tilespmem:s1+$0x8400];
	_ =	sdelay $0x4  }
0x15c: {  	v15 =	vshra.s32 v14, $0x16  }
0x15d: {  	vm0 =	veq.s32 v15, v12  }
0x15e: {  	v15 =	vmpcnt.ones.xlane vm0;
	_ =	sdelay $0x1  }
0x15f: {  	(v2sf) =	vpush v15, $0x0;
	_ =	sdelay $0xe  }
0x160: {  	s16 =	spop (v2sf)  }
0x161: {  	p3 =	slt.s32 s16, $0x1  }
.Ltmp29:
0x162: {  	_ = 	snop;
	(pc) =	sbr.rel @p3 .LBB2_33-.Ltmp29, $1  }
0x163: {  	_ =	sdelay $0x3  }
0x164: {  	s11 =	sshll.u32 s3, $0x7  }
.LBB2_32:
0x165: {  	v15 =	vmctz.xlane vm0;
	_ =	sdelay $0x1  }
0x166: {  	v15 =	vbroadcast v15, $0x0;
	_ =	sdelay $0x1  }
0x167: {  	v16 =	vperm.xlane v14, v15;
	_ =	sdelay $0x1  }
0x168: {  	v17 =	vshra.s32 v16, $0xE  }
0x169: {  	v18 =	vsub.s32 v17, v13  }
0x16a: {  	v18 =	vshll.u32 v18, $0x3  }
0x16b: {  	v17 =	vand.u32 $0x7F, v17;
	v18 =	vand.u32 $0xFFFFFC00, v18  }
0x16c: {  	v17 =	vor.u32 v17, v18  }
0x16d: {  	v18 =	vadd.s32 v4, v17;
	_ =	sdelay $0x4  }
0x16e: {  	v18 =	vld.idx.msk [tilespmem:v18+s24+$0x0], $0xffff  }
0x16f: {  	v19 =	vadd.s32 v5, v17;
	_ =	sdelay $0x2  }
0x170: {  	s1 =	sand.u32 $0x380, s11  }
0x171: {  	[tilespmem:s1+$0x1CC00] =	vst v18  }
0x172: {  	v18 =	vld.idx.msk [tilespmem:v19+s24+$0x0], $0xffff  }
0x173: {  	v62 =	vadd.s32 v6, v17  }
0x174: {  	(v2sf) =	vpush v16, $0x0;
	_ =	sdelay $0x2  }
0x175: {  	[tilespmem:s1+$0x1CC10] =	vst v18  }
0x176: {  	v63 =	vld.idx.msk [tilespmem:v62+s24+$0x0], $0xffff  }
0x177: {  	v17 =	vadd.s32 v7, v17;
	_ =	sdelay $0x3  }
0x178: {  	[tilespmem:s1+$0x1CC20] =	vst v63  }
0x179: {  	v16 =	vld.idx.msk [tilespmem:v17+s24+$0x0], $0xffff;
	_ =	sdelay $0x2  }
0x17a: {  	vm1 =	vne.s32 v15, v3  }
0x17b: {  	p3 =	slt.s32 s3, $0x8;
	vm0 =	vmand vm0, vm1  }
0x17c: {  	s12 =	simm.s32 @!p3 $0x6;
	v15 =	vmpcnt.ones.xlane vm0;
	s2 =	spop (v2sf);
	[tilespmem:s1+$0x1CC30] =	vst v16  }
0x17d: {  	_ =	swait.ge @!p3 [sflag:s12], $0x80  }
0x17e: {  	(v2sf) =	vpush v15, $0x0;
	_ =	sdelay $0xe  }
0x17f: {  	[sflag:s12] =	ssyncset.done @!p3 $0x0;
	s16 =	spop (v2sf)  }
0x180: {  	[sflag:s12] =	ssyncadd.s32 @!p3 $0xFFFFFF80;
	p3 =	sgt.s32 s16, $0x0  }
.Ltmp30:
0x181: {  	_ = 	snop;
	(pc) =	sbr.rel @p3 .LBB2_32-.Ltmp30, $4  }
0x182: {  	s2 =	sshll.u32 s2, $0x4  }
0x183: {  	s3 =	sadd.s32 $0x1, s3;
	s2 =	sand.u32 $0x3FFF0, s2  }
0x184: {  	s11 =	sadd.s32 $0x80, s11;
	s2 =	sadd.s32 s9, s2;
	s1 =	sor.u32 $0x1CC00, s1  }
0x185: {  	[hbm4b:s2+s7] =	stream.linear.scatter [tilespmem:s1], [sflag:$0x6], $0x80, $0x38;
	[tilespmem:$0x1D000] =	vst v63  }
.Ltmp31:
0x186: {  	_ = 	snop;
	(pc) =	sbr.rel .LBB2_33-.Ltmp31, $1  }
0x187: {  	_ =	sdelay $0x3  }
.LBB2_35:
.Ltmp32:
0x188: {  	(pc) =	sbr.rel @p0 .LBB2_68-.Ltmp32, $1  }
0x189: {  	_ =	sdelay $0x3  }
.Ltmp33:
0x18a: {  	(pc) =	sbr.rel .LBB2_37-.Ltmp33, $2  }
0x18b: {  	_ =	sdelay $0x2  }
0x18c: {  	s10 =	simm.s32 $0x7A;
	p4 =	por $0x0, $0x0  }
.LBB2_49:
.Ltmp34:
0x18d: {  	(pc) =	sbr.rel @p3 .LBB2_50-.Ltmp34, $2  }
0x18e: {  	_ =	sdelay $0x2  }
0x18f: {  	s10 =	simm.s32 $0x7B;
	p4 =	por $0x1, $0x1  }
.LBB2_37:
0x190: {  	s1 =	sshll.u32 s10, $0x8  }
0x191: {  	s2 =	sadd.s32 $0xEC600, s1  }
0x192: {  	s11 =	sadd.s32 s4, s2  }
0x193: {  	[tilespmem:s21], [sflag:$0x1] =	stream.strided.gather [hbm4b:s11+s20], $0x4000, s19, s20, $0x38;
	[tilespmem:$0x1D000] =	vst v63  }
0x194: {  	s2 =	sadd.s32 s5, s2  }
0x195: {  	[tilespmem:s22], [sflag:$0x2] =	stream.strided.gather [hbm4b:s2+s20], $0x4000, s19, s20, $0x38;
	[tilespmem:$0x1D000] =	vst v63  }
0x196: {  	_ =	swait.ge [sflag:s18], $0x4000  }
.Ltmp35:
0x197: {  	[sflag:s18] =	ssyncset.done $0x0;
	(pc) =	sbr.rel @p1 .LBB2_43-.Ltmp35, $4  }
0x198: {  	[sflag:s18] =	ssyncadd.s32 $0xFFFFC000  }
0x199: {  	_ =	swait.ge [sflag:s25], $0x4000  }
0x19a: {  	[sflag:s25] =	ssyncset.done $0x0  }
0x19b: {  	p3 =	por p4, p4;
	v12 =	vmov s10;
	v13 =	vmov s1;
	[sflag:s25] =	ssyncadd.s32 $0xFFFFC000  }
.Ltmp36:
0x19c: {  	(pc) =	sbr.rel .LBB2_39-.Ltmp36, $2  }
0x19d: {  	_ =	sdelay $0x2  }
0x19e: {  	s10 =	simm.s32 $0x0  }
.LBB2_42:
0x19f: {  	s10 =	sadd.s32 $0x1, s10  }
0x1a0: {  	p4 =	seq.s32 s10, s14  }
.Ltmp37:
0x1a1: {  	_ = 	snop;
	(pc) =	sbr.rel @p4 .LBB2_43-.Ltmp37, $1  }
0x1a2: {  	_ =	sdelay $0x3  }
.LBB2_39:
0x1a3: {  	s1 =	sshll.u32 s10, $0x6  }
0x1a4: {  	s1 =	sshra.s32 s1, $0x2  }
0x1a5: {  	v14 =	vld [tilespmem:s1+$0x8000];
	_ =	sdelay $0x4  }
0x1a6: {  	v15 =	vshra.s32 v14, $0x16  }
0x1a7: {  	vm0 =	veq.s32 v15, v12  }
0x1a8: {  	v15 =	vmpcnt.ones.xlane vm0;
	_ =	sdelay $0x1  }
0x1a9: {  	(v2sf) =	vpush v15, $0x0;
	_ =	sdelay $0xe  }
0x1aa: {  	s29 =	spop (v2sf)  }
0x1ab: {  	p4 =	slt.s32 s29, $0x1  }
.Ltmp38:
0x1ac: {  	_ = 	snop;
	(pc) =	sbr.rel @p4 .LBB2_42-.Ltmp38, $1  }
0x1ad: {  	_ =	sdelay $0x3  }
0x1ae: {  	s11 =	sshll.u32 s17, $0x7  }
.LBB2_41:
0x1af: {  	v15 =	vmctz.xlane vm0;
	_ =	sdelay $0x1  }
0x1b0: {  	v15 =	vbroadcast v15, $0x0;
	_ =	sdelay $0x1  }
0x1b1: {  	v16 =	vperm.xlane v14, v15;
	_ =	sdelay $0x1  }
0x1b2: {  	v17 =	vshra.s32 v16, $0xE  }
0x1b3: {  	v18 =	vsub.s32 v17, v13  }
0x1b4: {  	v18 =	vshll.u32 v18, $0x3  }
0x1b5: {  	v17 =	vand.u32 $0x7F, v17;
	v18 =	vand.u32 $0xFFFFFC00, v18  }
0x1b6: {  	v17 =	vor.u32 v17, v18  }
0x1b7: {  	v18 =	vadd.s32 v4, v17;
	_ =	sdelay $0x4  }
0x1b8: {  	v18 =	vld.idx.msk [tilespmem:v18+s21+$0x0], $0xffff  }
0x1b9: {  	v19 =	vadd.s32 v5, v17;
	_ =	sdelay $0x2  }
0x1ba: {  	s1 =	sand.u32 $0x380, s11  }
0x1bb: {  	[tilespmem:s1+$0x1C800] =	vst v18  }
0x1bc: {  	v18 =	vld.idx.msk [tilespmem:v19+s21+$0x0], $0xffff  }
0x1bd: {  	v62 =	vadd.s32 v6, v17  }
0x1be: {  	(v2sf) =	vpush v16, $0x0;
	_ =	sdelay $0x2  }
0x1bf: {  	[tilespmem:s1+$0x1C810] =	vst v18  }
0x1c0: {  	v63 =	vld.idx.msk [tilespmem:v62+s21+$0x0], $0xffff  }
0x1c1: {  	v17 =	vadd.s32 v7, v17;
	_ =	sdelay $0x3  }
0x1c2: {  	[tilespmem:s1+$0x1C820] =	vst v63  }
0x1c3: {  	v16 =	vld.idx.msk [tilespmem:v17+s21+$0x0], $0xffff;
	_ =	sdelay $0x2  }
0x1c4: {  	vm1 =	vne.s32 v15, v3  }
0x1c5: {  	p4 =	slt.s32 s17, $0x8;
	vm0 =	vmand vm0, vm1  }
0x1c6: {  	s12 =	simm.s32 @!p4 $0x5;
	v15 =	vmpcnt.ones.xlane vm0;
	s2 =	spop (v2sf);
	[tilespmem:s1+$0x1C830] =	vst v16  }
0x1c7: {  	_ =	swait.ge @!p4 [sflag:s12], $0x80  }
0x1c8: {  	(v2sf) =	vpush v15, $0x0;
	_ =	sdelay $0xe  }
0x1c9: {  	[sflag:s12] =	ssyncset.done @!p4 $0x0;
	s29 =	spop (v2sf)  }
0x1ca: {  	[sflag:s12] =	ssyncadd.s32 @!p4 $0xFFFFFF80;
	p4 =	sgt.s32 s29, $0x0  }
.Ltmp39:
0x1cb: {  	_ = 	snop;
	(pc) =	sbr.rel @p4 .LBB2_41-.Ltmp39, $4  }
0x1cc: {  	s2 =	sshll.u32 s2, $0x4  }
0x1cd: {  	s17 =	sadd.s32 $0x1, s17;
	s2 =	sand.u32 $0x3FFF0, s2  }
0x1ce: {  	s11 =	sadd.s32 $0x80, s11;
	s2 =	sadd.s32 s8, s2;
	s1 =	sor.u32 $0x1C800, s1  }
0x1cf: {  	[hbm4b:s2+s7] =	stream.linear.scatter [tilespmem:s1], [sflag:$0x5], $0x80, $0x38;
	[tilespmem:$0x1D000] =	vst v63  }
.Ltmp40:
0x1d0: {  	_ = 	snop;
	(pc) =	sbr.rel .LBB2_42-.Ltmp40, $1  }
0x1d1: {  	_ =	sdelay $0x3  }
.LBB2_43:
.Ltmp41:
0x1d2: {  	(pc) =	sbr.rel @p2 .LBB2_49-.Ltmp41, $1  }
0x1d3: {  	_ =	sdelay $0x3  }
.Ltmp42:
0x1d4: {  	(pc) =	sbr.rel .LBB2_45-.Ltmp42, $2  }
0x1d5: {  	_ =	sdelay $0x2  }
0x1d6: {  	s10 =	simm.s32 $0x0  }
.LBB2_48:
0x1d7: {  	s10 =	sadd.s32 $0x1, s10  }
0x1d8: {  	p4 =	sne.s32 s10, s13  }
.Ltmp43:
0x1d9: {  	_ = 	snop;
	(pc) =	sbr.rel @!p4 .LBB2_49-.Ltmp43, $1  }
0x1da: {  	_ =	sdelay $0x3  }
.LBB2_45:
0x1db: {  	s1 =	sshll.u32 s10, $0x6  }
0x1dc: {  	s1 =	sshra.s32 s1, $0x2  }
0x1dd: {  	v14 =	vld [tilespmem:s1+$0x8400];
	_ =	sdelay $0x4  }
0x1de: {  	v15 =	vshra.s32 v14, $0x16  }
0x1df: {  	vm0 =	veq.s32 v15, v12  }
0x1e0: {  	v15 =	vmpcnt.ones.xlane vm0;
	_ =	sdelay $0x1  }
0x1e1: {  	(v2sf) =	vpush v15, $0x0;
	_ =	sdelay $0xe  }
0x1e2: {  	s29 =	spop (v2sf)  }
0x1e3: {  	p4 =	slt.s32 s29, $0x1  }
.Ltmp44:
0x1e4: {  	_ = 	snop;
	(pc) =	sbr.rel @p4 .LBB2_48-.Ltmp44, $1  }
0x1e5: {  	_ =	sdelay $0x3  }
0x1e6: {  	s11 =	sshll.u32 s3, $0x7  }
.LBB2_47:
0x1e7: {  	v15 =	vmctz.xlane vm0;
	_ =	sdelay $0x1  }
0x1e8: {  	v15 =	vbroadcast v15, $0x0;
	_ =	sdelay $0x1  }
0x1e9: {  	v16 =	vperm.xlane v14, v15;
	_ =	sdelay $0x1  }
0x1ea: {  	v17 =	vshra.s32 v16, $0xE  }
0x1eb: {  	v18 =	vsub.s32 v17, v13  }
0x1ec: {  	v18 =	vshll.u32 v18, $0x3  }
0x1ed: {  	v17 =	vand.u32 $0x7F, v17;
	v18 =	vand.u32 $0xFFFFFC00, v18  }
0x1ee: {  	v17 =	vor.u32 v17, v18  }
0x1ef: {  	v18 =	vadd.s32 v4, v17;
	_ =	sdelay $0x4  }
0x1f0: {  	v18 =	vld.idx.msk [tilespmem:v18+s22+$0x0], $0xffff  }
0x1f1: {  	v19 =	vadd.s32 v5, v17;
	_ =	sdelay $0x2  }
0x1f2: {  	s1 =	sand.u32 $0x380, s11  }
0x1f3: {  	[tilespmem:s1+$0x1CC00] =	vst v18  }
0x1f4: {  	v18 =	vld.idx.msk [tilespmem:v19+s22+$0x0], $0xffff  }
0x1f5: {  	v62 =	vadd.s32 v6, v17  }
0x1f6: {  	(v2sf) =	vpush v16, $0x0;
	_ =	sdelay $0x2  }
0x1f7: {  	[tilespmem:s1+$0x1CC10] =	vst v18  }
0x1f8: {  	v63 =	vld.idx.msk [tilespmem:v62+s22+$0x0], $0xffff  }
0x1f9: {  	v17 =	vadd.s32 v7, v17;
	_ =	sdelay $0x3  }
0x1fa: {  	[tilespmem:s1+$0x1CC20] =	vst v63  }
0x1fb: {  	v16 =	vld.idx.msk [tilespmem:v17+s22+$0x0], $0xffff;
	_ =	sdelay $0x2  }
0x1fc: {  	vm1 =	vne.s32 v15, v3  }
0x1fd: {  	p4 =	slt.s32 s3, $0x8;
	vm0 =	vmand vm0, vm1  }
0x1fe: {  	s12 =	simm.s32 @!p4 $0x6;
	v15 =	vmpcnt.ones.xlane vm0;
	s2 =	spop (v2sf);
	[tilespmem:s1+$0x1CC30] =	vst v16  }
0x1ff: {  	_ =	swait.ge @!p4 [sflag:s12], $0x80  }
0x200: {  	(v2sf) =	vpush v15, $0x0;
	_ =	sdelay $0xe  }
0x201: {  	[sflag:s12] =	ssyncset.done @!p4 $0x0;
	s29 =	spop (v2sf)  }
0x202: {  	[sflag:s12] =	ssyncadd.s32 @!p4 $0xFFFFFF80;
	p4 =	sgt.s32 s29, $0x0  }
.Ltmp45:
0x203: {  	_ = 	snop;
	(pc) =	sbr.rel @p4 .LBB2_47-.Ltmp45, $4  }
0x204: {  	s2 =	sshll.u32 s2, $0x4  }
0x205: {  	s3 =	sadd.s32 $0x1, s3;
	s2 =	sand.u32 $0x3FFF0, s2  }
0x206: {  	s11 =	sadd.s32 $0x80, s11;
	s2 =	sadd.s32 s9, s2;
	s1 =	sor.u32 $0x1CC00, s1  }
0x207: {  	[hbm4b:s2+s7] =	stream.linear.scatter [tilespmem:s1], [sflag:$0x6], $0x80, $0x38;
	[tilespmem:$0x1D000] =	vst v63  }
.Ltmp46:
0x208: {  	_ = 	snop;
	(pc) =	sbr.rel .LBB2_48-.Ltmp46, $1  }
0x209: {  	_ =	sdelay $0x3  }
.LBB2_68:
0x20a: {  	p1 =	slt.s32 s17, $0x1  }
.Ltmp47:
0x20b: {  	_ = 	snop;
	(pc) =	sbr.rel @p1 .LBB2_72-.Ltmp47, $2  }
0x20c: {  	_ =	sdelay $0x2  }
0x20d: {  	s2 =	rddreg [dreg:$0xd]  }
0x20e: {  	p1 =	slt.s32 s17, $0x8  }
0x20f: {  	s17 =	simm.s32 @!p1 $0x8  }
0x210: {  	p1 =	sne.s32 s17, $0x1  }
.Ltmp48:
0x211: {  	_ = 	snop;
	(pc) =	sbr.rel @!p1 .LBB2_71-.Ltmp48, $3  }
0x212: {  	_ =	sdelay $0x1  }
0x213: {  	_ =	swait.ge [sflag:s6], $0x80  }
0x214: {  	[sflag:s6] =	ssyncset.done $0x0;
	s10 =	sadd.s32 $0xFFFFFFFF, s17  }
.LBB2_70:
0x215: {  	p1 =	sne.s32 s10, $0x1;
	s10 =	sadd.s32 $0xFFFFFFFF, s10;
	[sflag:s6] =	ssyncadd.s32 $0xFFFFFF80  }
.Ltmp49:
0x216: {  	(pc) =	sbr.rel @p1 .LBB2_70-.Ltmp49, $3  }
0x217: {  	_ =	sdelay $0x1  }
0x218: {  	_ =	swait.ge [sflag:s6], $0x80  }
0x219: {  	[sflag:s6] =	ssyncset.done $0x0  }
.LBB2_71:
0x21a: {  	[sflag:s6] =	ssyncadd.s32 $0xFFFFFF80  }
.LBB2_72:
0x21b: {  	p1 =	slt.s32 s3, $0x1  }
.Ltmp50:
0x21c: {  	_ = 	snop;
	(pc) =	sbr.rel @p1 .LBB2_76-.Ltmp50, $1  }
0x21d: {  	_ =	sdelay $0x3  }
0x21e: {  	p1 =	slt.s32 s3, $0x8  }
0x21f: {  	s3 =	simm.s32 @!p1 $0x8  }
0x220: {  	p1 =	sne.s32 s3, $0x1  }
.Ltmp51:
0x221: {  	_ = 	snop;
	(pc) =	sbr.rel @!p1 .LBB2_75-.Ltmp51, $3  }
0x222: {  	_ =	sdelay $0x1  }
0x223: {  	_ =	swait.ge [sflag:s0], $0x80  }
0x224: {  	[sflag:s0] =	ssyncset.done $0x0;
	s3 =	sadd.s32 $0xFFFFFFFF, s3  }
.LBB2_74:
0x225: {  	p1 =	sne.s32 s3, $0x1;
	s3 =	sadd.s32 $0xFFFFFFFF, s3;
	[sflag:s0] =	ssyncadd.s32 $0xFFFFFF80  }
.Ltmp52:
0x226: {  	(pc) =	sbr.rel @p1 .LBB2_74-.Ltmp52, $3  }
0x227: {  	_ =	sdelay $0x1  }
0x228: {  	_ =	swait.ge [sflag:s0], $0x80  }
0x229: {  	[sflag:s0] =	ssyncset.done $0x0  }
.Ltmp53:
0x22a: {  	_ = 	snop;
	(pc) =	sbr.rel .LBB2_75-.Ltmp53, $1  }
0x22b: {  	_ =	sdelay $0x3  }
.LBB2_50:
0x22c: {  	s1 =	rddreg [dreg:$0xa];
	s2 =	simm.s32 $0x400  }
0x22d: {  	[tilespmem:s30], [sflag:$0x1] =	stream.strided.gather [hbm4b:s1+s2], $0x2000, s19, s2, $0x38;
	[tilespmem:$0x1D000] =	vst v63  }
0x22e: {  	s29 =	rddreg [dreg:$0xb]  }
0x22f: {  	[tilespmem:s31], [sflag:$0x2] =	stream.strided.gather [hbm4b:s29+s2], $0x2000, s19, s2, $0x38;
	[tilespmem:$0x1D000] =	vst v63  }
0x230: {  	p1 =	sgt.s32 s14, $0x0;
	_ =	swait.ge [sflag:s18], $0x2000  }
.Ltmp54:
0x231: {  	[sflag:s18] =	ssyncset.done $0x0;
	(pc) =	sbr.rel @p1 .LBB2_64-.Ltmp54, $4  }
0x232: {  	[sflag:s18] =	ssyncadd.s32 $0xFFFFE000  }
0x233: {  	_ =	swait.ge [sflag:s25], $0x2000  }
0x234: {  	[sflag:s25] =	ssyncset.done $0x0  }
0x235: {  	s10 =	simm.s32 $0x0;
	[sflag:s25] =	ssyncadd.s32 $0xFFFFE000  }
.LBB2_51:
0x236: {  	p1 =	sgt.s32 s13, $0x0  }
.Ltmp55:
0x237: {  	_ = 	snop;
	(pc) =	sbr.rel @p1 .LBB2_52-.Ltmp55, $2  }
0x238: {  	_ =	sdelay $0x2  }
0x239: {  	s10 =	simm.s32 $0x0  }
.LBB2_56:
0x23a: {  	p1 =	slt.s32 s17, $0x1  }
.Ltmp56:
0x23b: {  	_ = 	snop;
	(pc) =	sbr.rel @p1 .LBB2_60-.Ltmp56, $2  }
0x23c: {  	_ =	sdelay $0x2  }
0x23d: {  	s2 =	rddreg [dreg:$0xd]  }
0x23e: {  	p1 =	slt.s32 s17, $0x8  }
0x23f: {  	s17 =	simm.s32 @!p1 $0x8  }
0x240: {  	p1 =	sne.s32 s17, $0x1  }
.Ltmp57:
0x241: {  	_ = 	snop;
	(pc) =	sbr.rel @!p1 .LBB2_59-.Ltmp57, $3  }
0x242: {  	_ =	sdelay $0x1  }
0x243: {  	_ =	swait.ge [sflag:s6], $0x80  }
0x244: {  	[sflag:s6] =	ssyncset.done $0x0;
	s10 =	sadd.s32 $0xFFFFFFFF, s17  }
.LBB2_58:
0x245: {  	p1 =	sne.s32 s10, $0x1;
	s10 =	sadd.s32 $0xFFFFFFFF, s10;
	[sflag:s6] =	ssyncadd.s32 $0xFFFFFF80  }
.Ltmp58:
0x246: {  	(pc) =	sbr.rel @p1 .LBB2_58-.Ltmp58, $3  }
0x247: {  	_ =	sdelay $0x1  }
0x248: {  	_ =	swait.ge [sflag:s6], $0x80  }
0x249: {  	[sflag:s6] =	ssyncset.done $0x0  }
.LBB2_59:
0x24a: {  	[sflag:s6] =	ssyncadd.s32 $0xFFFFFF80  }
.LBB2_60:
0x24b: {  	p1 =	slt.s32 s3, $0x1  }
.Ltmp59:
0x24c: {  	_ = 	snop;
	(pc) =	sbr.rel @p1 .LBB2_76-.Ltmp59, $1  }
0x24d: {  	_ =	sdelay $0x3  }
0x24e: {  	p1 =	slt.s32 s3, $0x8  }
0x24f: {  	s3 =	simm.s32 @!p1 $0x8  }
0x250: {  	p1 =	seq.s32 s3, $0x1  }
.Ltmp60:
0x251: {  	_ = 	snop;
	(pc) =	sbr.rel @p1 .LBB2_63-.Ltmp60, $3  }
0x252: {  	_ =	sdelay $0x1  }
0x253: {  	_ =	swait.ge [sflag:s0], $0x80  }
0x254: {  	[sflag:s0] =	ssyncset.done $0x0;
	s3 =	sadd.s32 $0xFFFFFFFF, s3  }
.LBB2_62:
0x255: {  	p1 =	seq.s32 s3, $0x1;
	s3 =	sadd.s32 $0xFFFFFFFF, s3;
	[sflag:s0] =	ssyncadd.s32 $0xFFFFFF80  }
.Ltmp61:
0x256: {  	(pc) =	sbr.rel @!p1 .LBB2_62-.Ltmp61, $3  }
0x257: {  	_ =	sdelay $0x1  }
0x258: {  	_ =	swait.ge [sflag:s0], $0x80  }
0x259: {  	[sflag:s0] =	ssyncset.done $0x0  }
.LBB2_63:
.Ltmp62:
0x25a: {  	(pc) =	sbr.rel .LBB2_76-.Ltmp62, $2  }
0x25b: {  	_ =	sdelay $0x2  }
0x25c: {  	[sflag:s0] =	ssyncadd.s32 $0xFFFFFF80  }
.LBB2_67:
0x25d: {  	s10 =	sadd.s32 $0x1, s10  }
0x25e: {  	p1 =	seq.s32 s10, s14  }
.Ltmp63:
0x25f: {  	_ = 	snop;
	(pc) =	sbr.rel @p1 .LBB2_51-.Ltmp63, $1  }
0x260: {  	_ =	sdelay $0x3  }
.LBB2_64:
0x261: {  	s1 =	sshll.u32 s10, $0x6  }
0x262: {  	s1 =	sshra.s32 s1, $0x2  }
0x263: {  	v12 =	vld [tilespmem:s1+$0x8000];
	_ =	sdelay $0x4  }
0x264: {  	v13 =	vand.u32 $0xFFC00000, v12  }
0x265: {  	vm0 =	veq.s32 v13, $0x1F000000  }
0x266: {  	v13 =	vmpcnt.ones.xlane vm0;
	_ =	sdelay $0x1  }
0x267: {  	(v2sf) =	vpush v13, $0x0;
	_ =	sdelay $0xe  }
0x268: {  	s29 =	spop (v2sf)  }
0x269: {  	p1 =	slt.s32 s29, $0x1  }
.Ltmp64:
0x26a: {  	_ = 	snop;
	(pc) =	sbr.rel @p1 .LBB2_67-.Ltmp64, $1  }
0x26b: {  	_ =	sdelay $0x3  }
0x26c: {  	s11 =	sshll.u32 s17, $0x7  }
.LBB2_66:
0x26d: {  	v13 =	vmctz.xlane vm0;
	_ =	sdelay $0x1  }
0x26e: {  	v13 =	vbroadcast v13, $0x0;
	_ =	sdelay $0x1  }
0x26f: {  	v14 =	vperm.xlane v12, v13;
	_ =	sdelay $0x1  }
0x270: {  	v15 =	vshra.s32 v14, $0xE  }
0x271: {  	v16 =	vadd.s32 v8, v15;
	_ =	sdelay $0x4  }
0x272: {  	v16 =	vld.idx.msk [tilespmem:v16+s30+$0x0], $0xffff  }
0x273: {  	v17 =	vadd.s32 v9, v15;
	_ =	sdelay $0x2  }
0x274: {  	s1 =	sand.u32 $0x380, s11  }
0x275: {  	[tilespmem:s1+$0x1C800] =	vst v16  }
0x276: {  	v16 =	vld.idx.msk [tilespmem:v17+s30+$0x0], $0xffff  }
0x277: {  	v63 =	vadd.s32 v10, v15  }
0x278: {  	(v2sf) =	vpush v14, $0x0;
	_ =	sdelay $0x2  }
0x279: {  	[tilespmem:s1+$0x1C810] =	vst v16  }
0x27a: {  	v14 =	vld.idx.msk [tilespmem:v63+s30+$0x0], $0xffff  }
0x27b: {  	v15 =	vadd.s32 v11, v15;
	_ =	sdelay $0x3  }
0x27c: {  	[tilespmem:s1+$0x1C820] =	vst v14  }
0x27d: {  	v14 =	vld.idx.msk [tilespmem:v15+s30+$0x0], $0xffff;
	_ =	sdelay $0x2  }
0x27e: {  	vm1 =	vne.s32 v13, v3  }
0x27f: {  	p1 =	slt.s32 s17, $0x8;
	vm0 =	vmand vm0, vm1  }
0x280: {  	s12 =	simm.s32 @!p1 $0x5;
	v13 =	vmpcnt.ones.xlane vm0;
	s2 =	spop (v2sf);
	[tilespmem:s1+$0x1C830] =	vst v14  }
0x281: {  	_ =	swait.ge @!p1 [sflag:s12], $0x80  }
0x282: {  	(v2sf) =	vpush v13, $0x0;
	_ =	sdelay $0xe  }
0x283: {  	[sflag:s12] =	ssyncset.done @!p1 $0x0;
	s29 =	spop (v2sf)  }
0x284: {  	[sflag:s12] =	ssyncadd.s32 @!p1 $0xFFFFFF80;
	p1 =	sgt.s32 s29, $0x0  }
.Ltmp65:
0x285: {  	_ = 	snop;
	(pc) =	sbr.rel @p1 .LBB2_66-.Ltmp65, $4  }
0x286: {  	s2 =	sshll.u32 s2, $0x4  }
0x287: {  	s17 =	sadd.s32 $0x1, s17;
	s2 =	sand.u32 $0x3FFF0, s2  }
0x288: {  	s11 =	sadd.s32 $0x80, s11;
	s2 =	sadd.s32 s8, s2;
	s1 =	sor.u32 $0x1C800, s1  }
0x289: {  	[hbm4b:s2+s7] =	stream.linear.scatter [tilespmem:s1], [sflag:$0x5], $0x80, $0x38;
	[tilespmem:$0x1D000] =	vst v63  }
.Ltmp66:
0x28a: {  	_ = 	snop;
	(pc) =	sbr.rel .LBB2_67-.Ltmp66, $1  }
0x28b: {  	_ =	sdelay $0x3  }
.LBB2_55:
0x28c: {  	s10 =	sadd.s32 $0x1, s10  }
0x28d: {  	p1 =	sne.s32 s10, s13  }
.Ltmp67:
0x28e: {  	_ = 	snop;
	(pc) =	sbr.rel @!p1 .LBB2_56-.Ltmp67, $1  }
0x28f: {  	_ =	sdelay $0x3  }
.LBB2_52:
0x290: {  	s1 =	sshll.u32 s10, $0x6  }
0x291: {  	s1 =	sshra.s32 s1, $0x2  }
0x292: {  	v12 =	vld [tilespmem:s1+$0x8400];
	_ =	sdelay $0x4  }
0x293: {  	v13 =	vand.u32 $0xFFC00000, v12  }
0x294: {  	vm0 =	veq.s32 v13, $0x1F000000  }
0x295: {  	v13 =	vmpcnt.ones.xlane vm0;
	_ =	sdelay $0x1  }
0x296: {  	(v2sf) =	vpush v13, $0x0;
	_ =	sdelay $0xe  }
0x297: {  	s29 =	spop (v2sf)  }
0x298: {  	p1 =	slt.s32 s29, $0x1  }
.Ltmp68:
0x299: {  	_ = 	snop;
	(pc) =	sbr.rel @p1 .LBB2_55-.Ltmp68, $1  }
0x29a: {  	_ =	sdelay $0x3  }
0x29b: {  	s11 =	sshll.u32 s3, $0x7  }
.LBB2_54:
0x29c: {  	v13 =	vmctz.xlane vm0;
	_ =	sdelay $0x1  }
0x29d: {  	v13 =	vbroadcast v13, $0x0;
	_ =	sdelay $0x1  }
0x29e: {  	v14 =	vperm.xlane v12, v13;
	_ =	sdelay $0x1  }
0x29f: {  	v15 =	vshra.s32 v14, $0xE  }
0x2a0: {  	v16 =	vadd.s32 v8, v15;
	_ =	sdelay $0x4  }
0x2a1: {  	v16 =	vld.idx.msk [tilespmem:v16+s31+$0x0], $0xffff  }
0x2a2: {  	v17 =	vadd.s32 v9, v15;
	_ =	sdelay $0x2  }
0x2a3: {  	s1 =	sand.u32 $0x380, s11  }
0x2a4: {  	[tilespmem:s1+$0x1CC00] =	vst v16  }
0x2a5: {  	v16 =	vld.idx.msk [tilespmem:v17+s31+$0x0], $0xffff  }
0x2a6: {  	v63 =	vadd.s32 v10, v15  }
0x2a7: {  	(v2sf) =	vpush v14, $0x0;
	_ =	sdelay $0x2  }
0x2a8: {  	[tilespmem:s1+$0x1CC10] =	vst v16  }
0x2a9: {  	v14 =	vld.idx.msk [tilespmem:v63+s31+$0x0], $0xffff  }
0x2aa: {  	v15 =	vadd.s32 v11, v15;
	_ =	sdelay $0x3  }
0x2ab: {  	[tilespmem:s1+$0x1CC20] =	vst v14  }
0x2ac: {  	v14 =	vld.idx.msk [tilespmem:v15+s31+$0x0], $0xffff;
	_ =	sdelay $0x2  }
0x2ad: {  	vm1 =	vne.s32 v13, v3  }
0x2ae: {  	p1 =	slt.s32 s3, $0x8;
	vm0 =	vmand vm0, vm1  }
0x2af: {  	s12 =	simm.s32 @!p1 $0x6;
	v13 =	vmpcnt.ones.xlane vm0;
	s2 =	spop (v2sf);
	[tilespmem:s1+$0x1CC30] =	vst v14  }
0x2b0: {  	_ =	swait.ge @!p1 [sflag:s12], $0x80  }
0x2b1: {  	(v2sf) =	vpush v13, $0x0;
	_ =	sdelay $0xe  }
0x2b2: {  	[sflag:s12] =	ssyncset.done @!p1 $0x0;
	s29 =	spop (v2sf)  }
0x2b3: {  	[sflag:s12] =	ssyncadd.s32 @!p1 $0xFFFFFF80;
	p1 =	sgt.s32 s29, $0x0  }
.Ltmp69:
0x2b4: {  	_ = 	snop;
	(pc) =	sbr.rel @p1 .LBB2_54-.Ltmp69, $4  }
0x2b5: {  	s2 =	sshll.u32 s2, $0x4  }
0x2b6: {  	s3 =	sadd.s32 $0x1, s3;
	s2 =	sand.u32 $0x3FFF0, s2  }
0x2b7: {  	s11 =	sadd.s32 $0x80, s11;
	s2 =	sadd.s32 s9, s2;
	s1 =	sor.u32 $0x1CC00, s1  }
0x2b8: {  	[hbm4b:s2+s7] =	stream.linear.scatter [tilespmem:s1], [sflag:$0x6], $0x80, $0x38;
	[tilespmem:$0x1D000] =	vst v63  }
.Ltmp70:
0x2b9: {  	_ = 	snop;
	(pc) =	sbr.rel .LBB2_55-.Ltmp70, $1  }
0x2ba: {  	_ =	sdelay $0x3  }
.LBB2_77:
0x2bb: {  	_ =	sfence.sel $0x180000  }
0x2bc: {  	[bflag:$0x0] =	sbarrier.arrive $0xFFFF  }
0x2bd: {  	_ =	strace $0x90000047  }
0x2be: {  	s0 =	stileid.u32;
	[bflag:$0x2] =	sbarrier.arrive $0xFFFF  }
0x2bf: {  	p0 =	sne.s32 s0, $0x0;
	s0 =	rddreg [dreg:$0x5]  }
0x2c0: {  	s0 =	sadd.s32 @!p0 $0x100000, s0  }
0x2c1: {  	[sflag:s0] =	ssyncadd.tile.s32 @!p0 $0x1;
	_ =	shalt  }
.Lfunc_end2:
_tile_overlayer_lowered:
.L_overlay_start_2:
0x2c2: {  	(tag) =	ssettag $0x2  }
0x2c3: {  	s0 =	rddreg [dreg:$0x0];
	s2 =	stileid.u32  }
0x2c4: {  	s1 =	rddreg [dreg:$0x1];
	p0 =	sne.s32 s2, $0x0  }
0x2c5: {  	s3 =	rddreg [dreg:$0x2];
	[bflag:$0x3] =	sbarrier.arrive $0xFFFF;
	s2 =	simm.s32 @!p0 $0x1C07  }
0x2c6: {  	[timem:s3], [sflag:s2] =	dma.local @!p0 [hbm:s0], s1  }
0x2c7: {  	s0 =	simm.s32 @!p0 $0x7  }
0x2c8: {  	_ =	swait.ge @!p0 [sflag:s0], s1  }
0x2c9: {  	s1 =	ssub.s32 @!p0 $0x0, s1;
	[sflag:s0] =	ssyncset.done @!p0 $0x0  }
0x2ca: {  	[sflag:s0] =	ssyncadd.s32 @!p0 s1  }
0x2cb: {  	[bflag:$0x3] =	sbarrier.arrive $0xFFFF  }
0x2cc: {  	_ =	shalt  }

</sc_bundles>
